<compile_context>
chip_gen: v7x
topology: tpu7x:2x2x1
jax: 0.10.2.dev20260603
libtpu: 0.0.44.dev20260713+nightly
codegen_flags: <defaults>
</compile_context>

<pallas_src>
import functools

import jax
import jax.numpy as jnp
from jax import lax
from jax.experimental import pallas as pl
from jax.experimental.pallas import tpu as pltpu
from jax.experimental.pallas import tpu_sc as plsc

MAXI = 1024
B = 1024
O = 128
F = 256
NW = 32
O_PER_W = O // NW
FCHUNK = 8
NCHUNK = F // FCHUNK
ROWS = FCHUNK * O_PER_W
LANES = 16
NB0 = B // LANES


def _transpose_body(x_ref, o_ref):
    o_ref[...] = x_ref[...].T


def _transpose(x):
    return pl.pallas_call(
        _transpose_body,
        out_shape=jax.ShapeDtypeStruct((MAXI, MAXI), jnp.float32),
        grid=(1,),
        in_specs=[pl.BlockSpec((MAXI, MAXI), lambda i: (0, 0))],
        out_specs=pl.BlockSpec((MAXI, MAXI), lambda i: (0, 0)),
    )(x)


def _sc_lookup_body(lt_hbm, it_hbm, w_hbm, out_hbm,
                    widx_v, ib0, ib1, g0, g1, acc,
                    semib0, semib1, semg0, semg1):
    ibs = (ib0, ib1)
    gs = (g0, g1)
    semibs = (semib0, semib1)
    semgs = (semg0, semg1)

    wid = lax.axis_index("s") * 2 + lax.axis_index("c")

    pltpu.sync_copy(w_hbm.at[wid], widx_v)

    def start_chunk(c, p):
        pltpu.make_async_copy(
            it_hbm.at[pl.ds(c * FCHUNK, FCHUNK)], ibs[p], semibs[p]
        ).start()
        pltpu.make_async_copy(
            lt_hbm.at[widx_v.at[pl.ds(c * ROWS, ROWS)]], gs[p], semgs[p]
        ).start()

    def wait_chunk(p):
        pltpu.make_async_copy(
            it_hbm.at[pl.ds(0, FCHUNK)], ibs[p], semibs[p]
        ).wait()
        pltpu.make_async_copy(
            lt_hbm.at[widx_v.at[pl.ds(0, ROWS)]], gs[p], semgs[p]
        ).wait()

    zero = jnp.zeros((LANES,), jnp.float32)

    @plsc.parallel_loop(0, NB0, unroll=2)
    def zbody(i):
        b0 = i * LANES
        for lo in range(O_PER_W):
            acc[lo, pl.ds(b0, LANES)] = zero

    row_consts = [jnp.full((LANES,), r, jnp.int32) for r in range(ROWS)]

    def compute_chunk(p):
        ib = ibs[p]
        g = gs[p]

        @plsc.parallel_loop(0, NB0, unroll=2)
        def bbody(i):
            b0 = i * LANES
            ivecs = [ib[fl, pl.ds(b0, LANES)] for fl in range(FCHUNK)]
            for lo in range(O_PER_W):
                vals = [
                    plsc.load_gather(g.at[fl * O_PER_W + lo], [ivecs[fl]])
                    for fl in range(FCHUNK)
                ]
                while len(vals) > 1:
                    vals = [
                        vals[k] + vals[k + 1] if k + 1 < len(vals) else vals[k]
                        for k in range(0, len(vals), 2)
                    ]
                plsc.addupdate(acc.at[lo, pl.ds(b0, LANES)], vals[0])

    start_chunk(0, 0)
    start_chunk(1, 1)

    def ring_body(it, carry):
        c0 = it * 2
        for p in range(2):
            c = c0 + p
            wait_chunk(p)
            compute_chunk(p)
            start_chunk(c + 2, p)
        return carry

    lax.fori_loop(0, (NCHUNK - 2) // 2, ring_body, 0)

    for p in range(2):
        wait_chunk(p)
        compute_chunk(p)

    pltpu.sync_copy(acc, out_hbm.at[wid])


@functools.partial(
    pl.kernel,
    mesh=plsc.VectorSubcoreMesh(core_axis_name="c", subcore_axis_name="s"),
    compiler_params=pltpu.CompilerParams(
        needs_layout_passes=False, use_tc_tiling_on_sc=False
    ),
    out_type=jax.ShapeDtypeStruct((NW, O_PER_W, B), jnp.float32),
    scratch_types=[
        pltpu.VMEM((F * O_PER_W,), jnp.int32),
        pltpu.VMEM((FCHUNK, B), jnp.int32),
        pltpu.VMEM((FCHUNK, B), jnp.int32),
        pltpu.VMEM((ROWS, MAXI), jnp.float32),
        pltpu.VMEM((ROWS, MAXI), jnp.float32),
        pltpu.VMEM((O_PER_W, B), jnp.float32),
        pltpu.SemaphoreType.DMA,
        pltpu.SemaphoreType.DMA,
        pltpu.SemaphoreType.DMA,
        pltpu.SemaphoreType.DMA,
    ],
)
def _sc_lookup(lt_hbm, it_hbm, w_hbm, out_hbm, *rest):
    _sc_lookup_body(lt_hbm, it_hbm, w_hbm, out_hbm, *rest)


def kernel(input_indices, weight_indices, dense_fallback):
    input_flat = input_indices.reshape(B, -1)
    weight_flat = weight_indices.reshape(O, -1)

    it = input_flat.T.astype(jnp.int32)
    wt = weight_flat.T.astype(jnp.int32)
    widx = wt.reshape(F, NW, O_PER_W).transpose(1, 0, 2).reshape(NW, F * O_PER_W)

    lt = _transpose(dense_fallback)

    out3 = _sc_lookup(lt, it, widx)
    return out3.transpose(2, 0, 1).reshape(B, O)

# --- scband reference (transcript-rebuilt; emitter-appended) ---
"""Pipeline reference for scband-sparse-lookup-table-21328807592432 (READ-ONLY COPY).

The authoritative reference and input builder live on the scoring server;
editing this copy changes nothing except your own understanding.
"""

import jax, jax.numpy as jnp
import numpy as np

MAX_INDICES = 1024
BATCH = 1024
OUT_FEATURES = 128
NUM_BLOCKS = 32
LATTICE_DIM = 8


def setup_inputs(seed: int = 0) -> dict:
    key = jax.random.key(seed)
    k1, k2, k3 = jax.random.split(key, 3)
    input_indices = jax.random.randint(k1, (BATCH, NUM_BLOCKS, LATTICE_DIM), 0, MAX_INDICES)
    weight_indices = jax.random.randint(k2, (OUT_FEATURES, NUM_BLOCKS, LATTICE_DIM), 0, MAX_INDICES)
    # Dense fallback LUT [max_indices, max_indices] (pairwise lattice dot products)
    dense_fallback = jax.random.normal(k3, (MAX_INDICES, MAX_INDICES), dtype=jnp.float32)
    return {
        "input_indices": input_indices,
        "weight_indices": weight_indices,
        "dense_fallback": dense_fallback,
    }


def reference(input_indices, weight_indices, dense_fallback):
    # Faithful translation of SparseLookupTable._dense_lookup
    batch_size = input_indices.shape[0]
    out_features = weight_indices.shape[0]
    input_flat = input_indices.reshape(batch_size, -1)
    weight_flat = weight_indices.reshape(out_features, -1)
    input_clamped = jnp.clip(input_flat, 0, MAX_INDICES - 1)
    weight_clamped = jnp.clip(weight_flat, 0, MAX_INDICES - 1)
    # Broadcast: [B, 1, F] x [1, O, F] -> gather [B, O, F] from LUT
    input_broadcast = input_clamped[:, None, :]
    weight_broadcast = weight_clamped[None, :, :]
    lookup_values = dense_fallback[input_broadcast, weight_broadcast]
    output = jnp.sum(lookup_values, axis=-1)
    return output

if __name__ == "__main__":
    import jax
    _d = setup_inputs()
    print(jax.jit(kernel)(*tuple(_d.values())))

</pallas_src>

<mosaic_0001>
#map = affine_map<(d0, d1) -> (0, 0)>
#map1 = affine_map<(d0, d1) -> (0, 0, 0)>
module attributes {stable_mosaic.version = 14 : i64} {
  func.func @_sc_lookup(%arg0: i32, %arg1: i32, %arg2: memref<1024x1024xf32, #tpu.memory_space<hbm>>, %arg3: memref<256x1024xi32, #tpu.memory_space<hbm>>, %arg4: memref<32x1024xi32, #tpu.memory_space<hbm>>, %arg5: memref<32x4x1024xf32, #tpu.memory_space<hbm>>, %arg6: memref<1024xi32, #tpu.memory_space<vmem>>, %arg7: memref<8x1024xi32, #tpu.memory_space<vmem>>, %arg8: memref<8x1024xi32, #tpu.memory_space<vmem>>, %arg9: memref<32x1024xf32, #tpu.memory_space<vmem>>, %arg10: memref<32x1024xf32, #tpu.memory_space<vmem>>, %arg11: memref<4x1024xf32, #tpu.memory_space<vmem>>, %arg12: memref<!tpu.dma_semaphore, #tpu.memory_space<semaphore_mem>>, %arg13: memref<!tpu.dma_semaphore, #tpu.memory_space<semaphore_mem>>, %arg14: memref<!tpu.dma_semaphore, #tpu.memory_space<semaphore_mem>>, %arg15: memref<!tpu.dma_semaphore, #tpu.memory_space<semaphore_mem>>) attributes {dimension_semantics = [#tpu.dimension_semantics<core_parallel>, #tpu.dimension_semantics<subcore_parallel>], iteration_bounds = array<i64: 2, 16>, scalar_prefetch = 0 : i64, scratch_operands = 10 : i64, tpu.core_type = #tpu.core_type<sc_vector_subcore>, window_params = [{transform_indices = #map}, {transform_indices = #map}, {transform_indices = #map}, {transform_indices = #map1}]} {
    %mul3A = arith.constant 2 : i32
    %mul3A_0 = arith.muli %arg1, %mul3A : i32
    %add3A = arith.addi %mul3A_0, %arg0 : i32
    "tpu.region"() ({
      %run_scoped3A = tpu.sem_alloc : memref<!tpu.dma_semaphore, #tpu.memory_space<semaphore_mem>>
      %dma_start3A_121 = arith.constant 0 : i32
      %dma_start3A_122 = tpu.memref_slice %arg4[%add3A, %dma_start3A_121] : memref<32x1024xi32, #tpu.memory_space<hbm>> -> memref<1x1024xi32, #tpu.memory_space<hbm>>
      %dma_start3A_123 = tpu.memref_squeeze %dma_start3A_122 : memref<1x1024xi32, #tpu.memory_space<hbm>> -> memref<1024xi32, #tpu.memory_space<hbm>>
      %dma_start3A_124 = arith.constant 0 : i32
      %dma_start3A_125 = tpu.memref_slice %arg4[%add3A, %dma_start3A_124] : memref<32x1024xi32, #tpu.memory_space<hbm>> -> memref<1x1024xi32, #tpu.memory_space<hbm>>
      %dma_start3A_126 = tpu.memref_squeeze %dma_start3A_125 : memref<1x1024xi32, #tpu.memory_space<hbm>> -> memref<1024xi32, #tpu.memory_space<hbm>>
      tpu.enqueue_dma source(%dma_start3A_126 : memref<1024xi32, #tpu.memory_space<hbm>>) target(%arg6 : memref<1024xi32, #tpu.memory_space<vmem>>) target_semaphore(%run_scoped3A : memref<!tpu.dma_semaphore, #tpu.memory_space<semaphore_mem>>)
      %dma_wait3A_127 = arith.constant 0 : i32
      %dma_wait3A_128 = tpu.memref_slice %arg4[%add3A, %dma_wait3A_127] : memref<32x1024xi32, #tpu.memory_space<hbm>> -> memref<1x1024xi32, #tpu.memory_space<hbm>>
      %dma_wait3A_129 = tpu.memref_squeeze %dma_wait3A_128 : memref<1x1024xi32, #tpu.memory_space<hbm>> -> memref<1024xi32, #tpu.memory_space<hbm>>
      %dma_wait3A_130 = arith.constant 0 : i32
      %dma_wait3A_131 = tpu.memref_slice %arg4[%add3A, %dma_wait3A_130] : memref<32x1024xi32, #tpu.memory_space<hbm>> -> memref<1x1024xi32, #tpu.memory_space<hbm>>
      %dma_wait3A_132 = tpu.memref_squeeze %dma_wait3A_131 : memref<1x1024xi32, #tpu.memory_space<hbm>> -> memref<1024xi32, #tpu.memory_space<hbm>>
      tpu.wait_dma2 semaphore(%run_scoped3A : memref<!tpu.dma_semaphore, #tpu.memory_space<semaphore_mem>>) src(%dma_wait3A_132 : memref<1024xi32, #tpu.memory_space<hbm>>) dst(%arg6 : memref<1024xi32, #tpu.memory_space<vmem>>)
      tpu.yield
    }) : () -> ()
    %broadcast_in_dim3A = arith.constant 0.000000e+00 : f32
    %broadcast_in_dim3A_1 = vector.broadcast %broadcast_in_dim3A : f32 to vector<16xf32>
    %parallel_loop3A = arith.constant 0 : i32
    %parallel_loop3A_2 = arith.constant 64 : i32
    %parallel_loop3A_3 = arith.constant 1 : i32
    scf.for %parallel_loop3A_121 = %parallel_loop3A to %parallel_loop3A_2 step %parallel_loop3A_3  : i32 {
      %parallel_loop3A_122 = arith.constant 16 : i32
      %parallel_loop3A_123 = arith.muli %parallel_loop3A_121, %parallel_loop3A_122 : i32
      %parallel_loop3A_124 = arith.constant 0 : i32
      %parallel_loop3A_125 = arith.index_cast %parallel_loop3A_124 : i32 to index
      %parallel_loop3A_126 = arith.index_cast %parallel_loop3A_123 : i32 to index
      %parallel_loop3A_127 = tpu.vector_load %arg11[%parallel_loop3A_125, %parallel_loop3A_126] {strides = array<i32>} : memref<4x1024xf32, #tpu.memory_space<vmem>>, vector<16xf32>,
      tpu.vector_store %arg11[%parallel_loop3A_125, %parallel_loop3A_126], %broadcast_in_dim3A_1 {strides = array<i32>} : memref<4x1024xf32, #tpu.memory_space<vmem>>, vector<16xf32>,
      %parallel_loop3A_128 = arith.constant 1 : i32
      %parallel_loop3A_129 = arith.index_cast %parallel_loop3A_128 : i32 to index
      %parallel_loop3A_130 = arith.index_cast %parallel_loop3A_123 : i32 to index
      %parallel_loop3A_131 = tpu.vector_load %arg11[%parallel_loop3A_129, %parallel_loop3A_130] {strides = array<i32>} : memref<4x1024xf32, #tpu.memory_space<vmem>>, vector<16xf32>,
      tpu.vector_store %arg11[%parallel_loop3A_129, %parallel_loop3A_130], %broadcast_in_dim3A_1 {strides = array<i32>} : memref<4x1024xf32, #tpu.memory_space<vmem>>, vector<16xf32>,
      %parallel_loop3A_132 = arith.constant 2 : i32
      %parallel_loop3A_133 = arith.index_cast %parallel_loop3A_132 : i32 to index
      %parallel_loop3A_134 = arith.index_cast %parallel_loop3A_123 : i32 to index
      %parallel_loop3A_135 = tpu.vector_load %arg11[%parallel_loop3A_133, %parallel_loop3A_134] {strides = array<i32>} : memref<4x1024xf32, #tpu.memory_space<vmem>>, vector<16xf32>,
      tpu.vector_store %arg11[%parallel_loop3A_133, %parallel_loop3A_134], %broadcast_in_dim3A_1 {strides = array<i32>} : memref<4x1024xf32, #tpu.memory_space<vmem>>, vector<16xf32>,
      %parallel_loop3A_136 = arith.constant 3 : i32
      %parallel_loop3A_137 = arith.index_cast %parallel_loop3A_136 : i32 to index
      %parallel_loop3A_138 = arith.index_cast %parallel_loop3A_123 : i32 to index
      %parallel_loop3A_139 = tpu.vector_load %arg11[%parallel_loop3A_137, %parallel_loop3A_138] {strides = array<i32>} : memref<4x1024xf32, #tpu.memory_space<vmem>>, vector<16xf32>,
      tpu.vector_store %arg11[%parallel_loop3A_137, %parallel_loop3A_138], %broadcast_in_dim3A_1 {strides = array<i32>} : memref<4x1024xf32, #tpu.memory_space<vmem>>, vector<16xf32>,
    } {sc.loop_unroll_factor = 2 : i64, sc.parallel_access}
    %broadcast_in_dim3A_4 = arith.constant 0 : i32
    %broadcast_in_dim3A_5 = vector.broadcast %broadcast_in_dim3A_4 : i32 to vector<16xi32>
    %broadcast_in_dim3A_6 = arith.constant 1 : i32
    %broadcast_in_dim3A_7 = vector.broadcast %broadcast_in_dim3A_6 : i32 to vector<16xi32>
    %broadcast_in_dim3A_8 = arith.constant 2 : i32
    %broadcast_in_dim3A_9 = vector.broadcast %broadcast_in_dim3A_8 : i32 to vector<16xi32>
    %broadcast_in_dim3A_10 = arith.constant 3 : i32
    %broadcast_in_dim3A_11 = vector.broadcast %broadcast_in_dim3A_10 : i32 to vector<16xi32>
    %broadcast_in_dim3A_12 = arith.constant 4 : i32
    %broadcast_in_dim3A_13 = vector.broadcast %broadcast_in_dim3A_12 : i32 to vector<16xi32>
    %broadcast_in_dim3A_14 = arith.constant 5 : i32
    %broadcast_in_dim3A_15 = vector.broadcast %broadcast_in_dim3A_14 : i32 to vector<16xi32>
    %broadcast_in_dim3A_16 = arith.constant 6 : i32
    %broadcast_in_dim3A_17 = vector.broadcast %broadcast_in_dim3A_16 : i32 to vector<16xi32>
    %broadcast_in_dim3A_18 = arith.constant 7 : i32
    %broadcast_in_dim3A_19 = vector.broadcast %broadcast_in_dim3A_18 : i32 to vector<16xi32>
    %broadcast_in_dim3A_20 = arith.constant 8 : i32
    %broadcast_in_dim3A_21 = vector.broadcast %broadcast_in_dim3A_20 : i32 to vector<16xi32>
    %broadcast_in_dim3A_22 = arith.constant 9 : i32
    %broadcast_in_dim3A_23 = vector.broadcast %broadcast_in_dim3A_22 : i32 to vector<16xi32>
    %broadcast_in_dim3A_24 = arith.constant 10 : i32
    %broadcast_in_dim3A_25 = vector.broadcast %broadcast_in_dim3A_24 : i32 to vector<16xi32>
    %broadcast_in_dim3A_26 = arith.constant 11 : i32
    %broadcast_in_dim3A_27 = vector.broadcast %broadcast_in_dim3A_26 : i32 to vector<16xi32>
    %broadcast_in_dim3A_28 = arith.constant 12 : i32
    %broadcast_in_dim3A_29 = vector.broadcast %broadcast_in_dim3A_28 : i32 to vector<16xi32>
    %broadcast_in_dim3A_30 = arith.constant 13 : i32
    %broadcast_in_dim3A_31 = vector.broadcast %broadcast_in_dim3A_30 : i32 to vector<16xi32>
    %broadcast_in_dim3A_32 = arith.constant 14 : i32
    %broadcast_in_dim3A_33 = vector.broadcast %broadcast_in_dim3A_32 : i32 to vector<16xi32>
    %broadcast_in_dim3A_34 = arith.constant 15 : i32
    %broadcast_in_dim3A_35 = vector.broadcast %broadcast_in_dim3A_34 : i32 to vector<16xi32>
    %broadcast_in_dim3A_36 = arith.constant 16 : i32
    %broadcast_in_dim3A_37 = vector.broadcast %broadcast_in_dim3A_36 : i32 to vector<16xi32>
    %broadcast_in_dim3A_38 = arith.constant 17 : i32
    %broadcast_in_dim3A_39 = vector.broadcast %broadcast_in_dim3A_38 : i32 to vector<16xi32>
    %broadcast_in_dim3A_40 = arith.constant 18 : i32
    %broadcast_in_dim3A_41 = vector.broadcast %broadcast_in_dim3A_40 : i32 to vector<16xi32>
    %broadcast_in_dim3A_42 = arith.constant 19 : i32
    %broadcast_in_dim3A_43 = vector.broadcast %broadcast_in_dim3A_42 : i32 to vector<16xi32>
    %broadcast_in_dim3A_44 = arith.constant 20 : i32
    %broadcast_in_dim3A_45 = vector.broadcast %broadcast_in_dim3A_44 : i32 to vector<16xi32>
    %broadcast_in_dim3A_46 = arith.constant 21 : i32
    %broadcast_in_dim3A_47 = vector.broadcast %broadcast_in_dim3A_46 : i32 to vector<16xi32>
    %broadcast_in_dim3A_48 = arith.constant 22 : i32
    %broadcast_in_dim3A_49 = vector.broadcast %broadcast_in_dim3A_48 : i32 to vector<16xi32>
    %broadcast_in_dim3A_50 = arith.constant 23 : i32
    %broadcast_in_dim3A_51 = vector.broadcast %broadcast_in_dim3A_50 : i32 to vector<16xi32>
    %broadcast_in_dim3A_52 = arith.constant 24 : i32
    %broadcast_in_dim3A_53 = vector.broadcast %broadcast_in_dim3A_52 : i32 to vector<16xi32>
    %broadcast_in_dim3A_54 = arith.constant 25 : i32
    %broadcast_in_dim3A_55 = vector.broadcast %broadcast_in_dim3A_54 : i32 to vector<16xi32>
    %broadcast_in_dim3A_56 = arith.constant 26 : i32
    %broadcast_in_dim3A_57 = vector.broadcast %broadcast_in_dim3A_56 : i32 to vector<16xi32>
    %broadcast_in_dim3A_58 = arith.constant 27 : i32
    %broadcast_in_dim3A_59 = vector.broadcast %broadcast_in_dim3A_58 : i32 to vector<16xi32>
    %broadcast_in_dim3A_60 = arith.constant 28 : i32
    %broadcast_in_dim3A_61 = vector.broadcast %broadcast_in_dim3A_60 : i32 to vector<16xi32>
    %broadcast_in_dim3A_62 = arith.constant 29 : i32
    %broadcast_in_dim3A_63 = vector.broadcast %broadcast_in_dim3A_62 : i32 to vector<16xi32>
    %broadcast_in_dim3A_64 = arith.constant 30 : i32
    %broadcast_in_dim3A_65 = vector.broadcast %broadcast_in_dim3A_64 : i32 to vector<16xi32>
    %broadcast_in_dim3A_66 = arith.constant 31 : i32
    %broadcast_in_dim3A_67 = vector.broadcast %broadcast_in_dim3A_66 : i32 to vector<16xi32>
    %dma_start3A = arith.constant 0 : i32
    %dma_start3A_68 = arith.constant 0 : i32
    %dma_start3A_69 = tpu.memref_slice %arg3[%dma_start3A, %dma_start3A_68] : memref<256x1024xi32, #tpu.memory_space<hbm>> -> memref<8x1024xi32, #tpu.memory_space<hbm>>
    %dma_start3A_70 = arith.constant 0 : i32
    %dma_start3A_71 = arith.constant 0 : i32
    %dma_start3A_72 = tpu.memref_slice %arg3[%dma_start3A_70, %dma_start3A_71] : memref<256x1024xi32, #tpu.memory_space<hbm>> -> memref<8x1024xi32, #tpu.memory_space<hbm>>
    tpu.enqueue_dma source(%dma_start3A_72 : memref<8x1024xi32, #tpu.memory_space<hbm>>) target(%arg7 : memref<8x1024xi32, #tpu.memory_space<vmem>>) target_semaphore(%arg12 : memref<!tpu.dma_semaphore, #tpu.memory_space<semaphore_mem>>)
    %dma_start3A_73 = arith.constant 0 : i32
    %dma_start3A_74 = tpu.memref_slice %arg6[%dma_start3A_73] : memref<1024xi32, #tpu.memory_space<vmem>> -> memref<32xi32, #tpu.memory_space<vmem>>
    %dma_start3A_75 = arith.constant 0 : i32
    %dma_start3A_76 = arith.constant 0 : i32
    %dma_start3A_77 = tpu.memref_slice %arg2[%dma_start3A_75, %dma_start3A_76] : memref<1024x1024xf32, #tpu.memory_space<hbm>> -> memref<1024x1024xf32, #tpu.memory_space<hbm>>
    tpu.enqueue_indirect_dma source(%dma_start3A_77 : memref<1024x1024xf32, #tpu.memory_space<hbm>>) target(%arg9 : memref<32x1024xf32, #tpu.memory_space<vmem>>) offsets(%dma_start3A_74 : memref<32xi32, #tpu.memory_space<vmem>>) semaphore(%arg14 : memref<!tpu.dma_semaphore, #tpu.memory_space<semaphore_mem>>)
    %dma_start3A_78 = arith.constant 8 : i32
    %dma_start3A_79 = arith.constant 0 : i32
    %dma_start3A_80 = tpu.memref_slice %arg3[%dma_start3A_78, %dma_start3A_79] : memref<256x1024xi32, #tpu.memory_space<hbm>> -> memref<8x1024xi32, #tpu.memory_space<hbm>>
    %dma_start3A_81 = arith.constant 8 : i32
    %dma_start3A_82 = arith.constant 0 : i32
    %dma_start3A_83 = tpu.memref_slice %arg3[%dma_start3A_81, %dma_start3A_82] : memref<256x1024xi32, #tpu.memory_space<hbm>> -> memref<8x1024xi32, #tpu.memory_space<hbm>>
    tpu.enqueue_dma source(%dma_start3A_83 : memref<8x1024xi32, #tpu.memory_space<hbm>>) target(%arg8 : memref<8x1024xi32, #tpu.memory_space<vmem>>) target_semaphore(%arg13 : memref<!tpu.dma_semaphore, #tpu.memory_space<semaphore_mem>>)
    %dma_start3A_84 = arith.constant 32 : i32
    %dma_start3A_85 = tpu.memref_slice %arg6[%dma_start3A_84] : memref<1024xi32, #tpu.memory_space<vmem>> -> memref<32xi32, #tpu.memory_space<vmem>>
    %dma_start3A_86 = arith.constant 0 : i32
    %dma_start3A_87 = arith.constant 0 : i32
    %dma_start3A_88 = tpu.memref_slice %arg2[%dma_start3A_86, %dma_start3A_87] : memref<1024x1024xf32, #tpu.memory_space<hbm>> -> memref<1024x1024xf32, #tpu.memory_space<hbm>>
    tpu.enqueue_indirect_dma source(%dma_start3A_88 : memref<1024x1024xf32, #tpu.memory_space<hbm>>) target(%arg10 : memref<32x1024xf32, #tpu.memory_space<vmem>>) offsets(%dma_start3A_85 : memref<32xi32, #tpu.memory_space<vmem>>) semaphore(%arg15 : memref<!tpu.dma_semaphore, #tpu.memory_space<semaphore_mem>>)
    %scan3A = arith.constant 0 : i32
    %scan3A_89 = arith.constant 0 : i32
    %scan3A_90 = arith.constant 15 : i32
    %scan3A_91 = arith.addi %scan3A_89, %scan3A_90 : i32
    %scan3A_92 = arith.constant 1 : i32
    scf.for %scan3A_121 = %scan3A_89 to %scan3A_91 step %scan3A_92  : i32 {
      %mul3A_122 = arith.constant 2 : i32
      %mul3A_123 = arith.muli %scan3A_121, %mul3A_122 : i32
      %add3A_124 = arith.constant 0 : i32
      %add3A_125 = arith.addi %mul3A_123, %add3A_124 : i32
      %dma_wait3A_126 = arith.constant 0 : i32
      %dma_wait3A_127 = arith.constant 0 : i32
      %dma_wait3A_128 = tpu.memref_slice %arg3[%dma_wait3A_126, %dma_wait3A_127] : memref<256x1024xi32, #tpu.memory_space<hbm>> -> memref<8x1024xi32, #tpu.memory_space<hbm>>
      %dma_wait3A_129 = arith.constant 0 : i32
      %dma_wait3A_130 = arith.constant 0 : i32
      %dma_wait3A_131 = tpu.memref_slice %arg3[%dma_wait3A_129, %dma_wait3A_130] : memref<256x1024xi32, #tpu.memory_space<hbm>> -> memref<8x1024xi32, #tpu.memory_space<hbm>>
      tpu.wait_dma2 semaphore(%arg12 : memref<!tpu.dma_semaphore, #tpu.memory_space<semaphore_mem>>) src(%dma_wait3A_131 : memref<8x1024xi32, #tpu.memory_space<hbm>>) dst(%arg7 : memref<8x1024xi32, #tpu.memory_space<vmem>>)
      %dma_wait3A_132 = arith.constant 0 : i32
      %dma_wait3A_133 = tpu.memref_slice %arg6[%dma_wait3A_132] : memref<1024xi32, #tpu.memory_space<vmem>> -> memref<32xi32, #tpu.memory_space<vmem>>
      %dma_wait3A_134 = arith.constant 0 : i32
      %dma_wait3A_135 = arith.constant 0 : i32
      %dma_wait3A_136 = tpu.memref_slice %arg2[%dma_wait3A_134, %dma_wait3A_135] : memref<1024x1024xf32, #tpu.memory_space<hbm>> -> memref<1024x1024xf32, #tpu.memory_space<hbm>>
      tpu.wait_indirect_dma semaphore(%arg14 : memref<!tpu.dma_semaphore, #tpu.memory_space<semaphore_mem>>) src(%dma_wait3A_136 : memref<1024x1024xf32, #tpu.memory_space<hbm>>) dst(%arg9 : memref<32x1024xf32, #tpu.memory_space<vmem>>)
      %parallel_loop3A_137 = arith.constant 0 : i32
      %parallel_loop3A_138 = arith.constant 64 : i32
      %parallel_loop3A_139 = arith.constant 1 : i32
      scf.for %parallel_loop3A_184 = %parallel_loop3A_137 to %parallel_loop3A_138 step %parallel_loop3A_139  : i32 {
        %parallel_loop3A_185 = arith.constant 16 : i32
        %parallel_loop3A_186 = arith.muli %parallel_loop3A_184, %parallel_loop3A_185 : i32
        %parallel_loop3A_187 = arith.constant 0 : i32
        %parallel_loop3A_188 = arith.index_cast %parallel_loop3A_187 : i32 to index
        %parallel_loop3A_189 = arith.index_cast %parallel_loop3A_186 : i32 to index
        %parallel_loop3A_190 = tpu.vector_load %arg7[%parallel_loop3A_188, %parallel_loop3A_189] {strides = array<i32>} : memref<8x1024xi32, #tpu.memory_space<vmem>>, vector<16xi32>,
        %parallel_loop3A_191 = arith.constant 1 : i32
        %parallel_loop3A_192 = arith.index_cast %parallel_loop3A_191 : i32 to index
        %parallel_loop3A_193 = arith.index_cast %parallel_loop3A_186 : i32 to index
        %parallel_loop3A_194 = tpu.vector_load %arg7[%parallel_loop3A_192, %parallel_loop3A_193] {strides = array<i32>} : memref<8x1024xi32, #tpu.memory_space<vmem>>, vector<16xi32>,
        %parallel_loop3A_195 = arith.constant 2 : i32
        %parallel_loop3A_196 = arith.index_cast %parallel_loop3A_195 : i32 to index
        %parallel_loop3A_197 = arith.index_cast %parallel_loop3A_186 : i32 to index
        %parallel_loop3A_198 = tpu.vector_load %arg7[%parallel_loop3A_196, %parallel_loop3A_197] {strides = array<i32>} : memref<8x1024xi32, #tpu.memory_space<vmem>>, vector<16xi32>,
        %parallel_loop3A_199 = arith.constant 3 : i32
        %parallel_loop3A_200 = arith.index_cast %parallel_loop3A_199 : i32 to index
        %parallel_loop3A_201 = arith.index_cast %parallel_loop3A_186 : i32 to index
        %parallel_loop3A_202 = tpu.vector_load %arg7[%parallel_loop3A_200, %parallel_loop3A_201] {strides = array<i32>} : memref<8x1024xi32, #tpu.memory_space<vmem>>, vector<16xi32>,
        %parallel_loop3A_203 = arith.constant 4 : i32
        %parallel_loop3A_204 = arith.index_cast %parallel_loop3A_203 : i32 to index
        %parallel_loop3A_205 = arith.index_cast %parallel_loop3A_186 : i32 to index
        %parallel_loop3A_206 = tpu.vector_load %arg7[%parallel_loop3A_204, %parallel_loop3A_205] {strides = array<i32>} : memref<8x1024xi32, #tpu.memory_space<vmem>>, vector<16xi32>,
        %parallel_loop3A_207 = arith.constant 5 : i32
        %parallel_loop3A_208 = arith.index_cast %parallel_loop3A_207 : i32 to index
        %parallel_loop3A_209 = arith.index_cast %parallel_loop3A_186 : i32 to index
        %parallel_loop3A_210 = tpu.vector_load %arg7[%parallel_loop3A_208, %parallel_loop3A_209] {strides = array<i32>} : memref<8x1024xi32, #tpu.memory_space<vmem>>, vector<16xi32>,
        %parallel_loop3A_211 = arith.constant 6 : i32
        %parallel_loop3A_212 = arith.index_cast %parallel_loop3A_211 : i32 to index
        %parallel_loop3A_213 = arith.index_cast %parallel_loop3A_186 : i32 to index
        %parallel_loop3A_214 = tpu.vector_load %arg7[%parallel_loop3A_212, %parallel_loop3A_213] {strides = array<i32>} : memref<8x1024xi32, #tpu.memory_space<vmem>>, vector<16xi32>,
        %parallel_loop3A_215 = arith.constant 7 : i32
        %parallel_loop3A_216 = arith.index_cast %parallel_loop3A_215 : i32 to index
        %parallel_loop3A_217 = arith.index_cast %parallel_loop3A_186 : i32 to index
        %parallel_loop3A_218 = tpu.vector_load %arg7[%parallel_loop3A_216, %parallel_loop3A_217] {strides = array<i32>} : memref<8x1024xi32, #tpu.memory_space<vmem>>, vector<16xi32>,
        %parallel_loop3A_219 = arith.constant 0 : i32
        %parallel_loop3A_220 = arith.constant 0 : i32
        %parallel_loop3A_221 = tpu.memref_slice %arg9[%parallel_loop3A_219, %parallel_loop3A_220] : memref<32x1024xf32, #tpu.memory_space<vmem>> -> memref<1x1024xf32, #tpu.memory_space<vmem>>
        %parallel_loop3A_222 = tpu.memref_squeeze %parallel_loop3A_221 : memref<1x1024xf32, #tpu.memory_space<vmem>> -> memref<1024xf32, #tpu.memory_space<vmem>>
        %parallel_loop3A_223 = tpu.vector_load_idx %parallel_loop3A_222[%parallel_loop3A_190] : memref<1024xf32, #tpu.memory_space<vmem>>[vector<16xi32>], vector<16xf32>,
        %parallel_loop3A_224 = arith.constant 4 : i32
        %parallel_loop3A_225 = arith.constant 0 : i32
        %parallel_loop3A_226 = tpu.memref_slice %arg9[%parallel_loop3A_224, %parallel_loop3A_225] : memref<32x1024xf32, #tpu.memory_space<vmem>> -> memref<1x1024xf32, #tpu.memory_space<vmem>>
        %parallel_loop3A_227 = tpu.memref_squeeze %parallel_loop3A_226 : memref<1x1024xf32, #tpu.memory_space<vmem>> -> memref<1024xf32, #tpu.memory_space<vmem>>
        %parallel_loop3A_228 = tpu.vector_load_idx %parallel_loop3A_227[%parallel_loop3A_194] : memref<1024xf32, #tpu.memory_space<vmem>>[vector<16xi32>], vector<16xf32>,
        %parallel_loop3A_229 = arith.constant 8 : i32
        %parallel_loop3A_230 = arith.constant 0 : i32
        %parallel_loop3A_231 = tpu.memref_slice %arg9[%parallel_loop3A_229, %parallel_loop3A_230] : memref<32x1024xf32, #tpu.memory_space<vmem>> -> memref<1x1024xf32, #tpu.memory_space<vmem>>
        %parallel_loop3A_232 = tpu.memref_squeeze %parallel_loop3A_231 : memref<1x1024xf32, #tpu.memory_space<vmem>> -> memref<1024xf32, #tpu.memory_space<vmem>>
        %parallel_loop3A_233 = tpu.vector_load_idx %parallel_loop3A_232[%parallel_loop3A_198] : memref<1024xf32, #tpu.memory_space<vmem>>[vector<16xi32>], vector<16xf32>,
        %parallel_loop3A_234 = arith.constant 12 : i32
        %parallel_loop3A_235 = arith.constant 0 : i32
        %parallel_loop3A_236 = tpu.memref_slice %arg9[%parallel_loop3A_234, %parallel_loop3A_235] : memref<32x1024xf32, #tpu.memory_space<vmem>> -> memref<1x1024xf32, #tpu.memory_space<vmem>>
        %parallel_loop3A_237 = tpu.memref_squeeze %parallel_loop3A_236 : memref<1x1024xf32, #tpu.memory_space<vmem>> -> memref<1024xf32, #tpu.memory_space<vmem>>
        %parallel_loop3A_238 = tpu.vector_load_idx %parallel_loop3A_237[%parallel_loop3A_202] : memref<1024xf32, #tpu.memory_space<vmem>>[vector<16xi32>], vector<16xf32>,
        %parallel_loop3A_239 = arith.constant 16 : i32
        %parallel_loop3A_240 = arith.constant 0 : i32
        %parallel_loop3A_241 = tpu.memref_slice %arg9[%parallel_loop3A_239, %parallel_loop3A_240] : memref<32x1024xf32, #tpu.memory_space<vmem>> -> memref<1x1024xf32, #tpu.memory_space<vmem>>
        %parallel_loop3A_242 = tpu.memref_squeeze %parallel_loop3A_241 : memref<1x1024xf32, #tpu.memory_space<vmem>> -> memref<1024xf32, #tpu.memory_space<vmem>>
        %parallel_loop3A_243 = tpu.vector_load_idx %parallel_loop3A_242[%parallel_loop3A_206] : memref<1024xf32, #tpu.memory_space<vmem>>[vector<16xi32>], vector<16xf32>,
        %parallel_loop3A_244 = arith.constant 20 : i32
        %parallel_loop3A_245 = arith.constant 0 : i32
        %parallel_loop3A_246 = tpu.memref_slice %arg9[%parallel_loop3A_244, %parallel_loop3A_245] : memref<32x1024xf32, #tpu.memory_space<vmem>> -> memref<1x1024xf32, #tpu.memory_space<vmem>>
        %parallel_loop3A_247 = tpu.memref_squeeze %parallel_loop3A_246 : memref<1x1024xf32, #tpu.memory_space<vmem>> -> memref<1024xf32, #tpu.memory_space<vmem>>
        %parallel_loop3A_248 = tpu.vector_load_idx %parallel_loop3A_247[%parallel_loop3A_210] : memref<1024xf32, #tpu.memory_space<vmem>>[vector<16xi32>], vector<16xf32>,
        %parallel_loop3A_249 = arith.constant 24 : i32
        %parallel_loop3A_250 = arith.constant 0 : i32
        %parallel_loop3A_251 = tpu.memref_slice %arg9[%parallel_loop3A_249, %parallel_loop3A_250] : memref<32x1024xf32, #tpu.memory_space<vmem>> -> memref<1x1024xf32, #tpu.memory_space<vmem>>
        %parallel_loop3A_252 = tpu.memref_squeeze %parallel_loop3A_251 : memref<1x1024xf32, #tpu.memory_space<vmem>> -> memref<1024xf32, #tpu.memory_space<vmem>>
        %parallel_loop3A_253 = tpu.vector_load_idx %parallel_loop3A_252[%parallel_loop3A_214] : memref<1024xf32, #tpu.memory_space<vmem>>[vector<16xi32>], vector<16xf32>,
        %parallel_loop3A_254 = arith.constant 28 : i32
        %parallel_loop3A_255 = arith.constant 0 : i32
        %parallel_loop3A_256 = tpu.memref_slice %arg9[%parallel_loop3A_254, %parallel_loop3A_255] : memref<32x1024xf32, #tpu.memory_space<vmem>> -> memref<1x1024xf32, #tpu.memory_space<vmem>>
        %parallel_loop3A_257 = tpu.memref_squeeze %parallel_loop3A_256 : memref<1x1024xf32, #tpu.memory_space<vmem>> -> memref<1024xf32, #tpu.memory_space<vmem>>
        %parallel_loop3A_258 = tpu.vector_load_idx %parallel_loop3A_257[%parallel_loop3A_218] : memref<1024xf32, #tpu.memory_space<vmem>>[vector<16xi32>], vector<16xf32>,
        %parallel_loop3A_259 = arith.addf %parallel_loop3A_223, %parallel_loop3A_228 : vector<16xf32>
        %parallel_loop3A_260 = arith.addf %parallel_loop3A_233, %parallel_loop3A_238 : vector<16xf32>
        %parallel_loop3A_261 = arith.addf %parallel_loop3A_243, %parallel_loop3A_248 : vector<16xf32>
        %parallel_loop3A_262 = arith.addf %parallel_loop3A_253, %parallel_loop3A_258 : vector<16xf32>
        %parallel_loop3A_263 = arith.addf %parallel_loop3A_259, %parallel_loop3A_260 : vector<16xf32>
        %parallel_loop3A_264 = arith.addf %parallel_loop3A_261, %parallel_loop3A_262 : vector<16xf32>
        %parallel_loop3A_265 = arith.addf %parallel_loop3A_263, %parallel_loop3A_264 : vector<16xf32>
        %parallel_loop3A_266 = arith.constant 0 : i32
        %parallel_loop3A_267 = arith.index_cast %parallel_loop3A_266 : i32 to index
        %parallel_loop3A_268 = arith.index_cast %parallel_loop3A_186 : i32 to index
        %parallel_loop3A_269 = tpu.vector_load %arg11[%parallel_loop3A_267, %parallel_loop3A_268] {strides = array<i32>} : memref<4x1024xf32, #tpu.memory_space<vmem>>, vector<16xf32>,
        tpu.vector_store %arg11[%parallel_loop3A_267, %parallel_loop3A_268], %parallel_loop3A_265 {add = true, strides = array<i32>} : memref<4x1024xf32, #tpu.memory_space<vmem>>, vector<16xf32>,
        %parallel_loop3A_270 = arith.constant 1 : i32
        %parallel_loop3A_271 = arith.constant 0 : i32
        %parallel_loop3A_272 = tpu.memref_slice %arg9[%parallel_loop3A_270, %parallel_loop3A_271] : memref<32x1024xf32, #tpu.memory_space<vmem>> -> memref<1x1024xf32, #tpu.memory_space<vmem>>
        %parallel_loop3A_273 = tpu.memref_squeeze %parallel_loop3A_272 : memref<1x1024xf32, #tpu.memory_space<vmem>> -> memref<1024xf32, #tpu.memory_space<vmem>>
        %parallel_loop3A_274 = tpu.vector_load_idx %parallel_loop3A_273[%parallel_loop3A_190] : memref<1024xf32, #tpu.memory_space<vmem>>[vector<16xi32>], vector<16xf32>,
        %parallel_loop3A_275 = arith.constant 5 : i32
        %parallel_loop3A_276 = arith.constant 0 : i32
        %parallel_loop3A_277 = tpu.memref_slice %arg9[%parallel_loop3A_275, %parallel_loop3A_276] : memref<32x1024xf32, #tpu.memory_space<vmem>> -> memref<1x1024xf32, #tpu.memory_space<vmem>>
        %parallel_loop3A_278 = tpu.memref_squeeze %parallel_loop3A_277 : memref<1x1024xf32, #tpu.memory_space<vmem>> -> memref<1024xf32, #tpu.memory_space<vmem>>
        %parallel_loop3A_279 = tpu.vector_load_idx %parallel_loop3A_278[%parallel_loop3A_194] : memref<1024xf32, #tpu.memory_space<vmem>>[vector<16xi32>], vector<16xf32>,
        %parallel_loop3A_280 = arith.constant 9 : i32
        %parallel_loop3A_281 = arith.constant 0 : i32
        %parallel_loop3A_282 = tpu.memref_slice %arg9[%parallel_loop3A_280, %parallel_loop3A_281] : memref<32x1024xf32, #tpu.memory_space<vmem>> -> memref<1x1024xf32, #tpu.memory_space<vmem>>
        %parallel_loop3A_283 = tpu.memref_squeeze %parallel_loop3A_282 : memref<1x1024xf32, #tpu.memory_space<vmem>> -> memref<1024xf32, #tpu.memory_space<vmem>>
        %parallel_loop3A_284 = tpu.vector_load_idx %parallel_loop3A_283[%parallel_loop3A_198] : memref<1024xf32, #tpu.memory_space<vmem>>[vector<16xi32>], vector<16xf32>,
        %parallel_loop3A_285 = arith.constant 13 : i32
        %parallel_loop3A_286 = arith.constant 0 : i32
        %parallel_loop3A_287 = tpu.memref_slice %arg9[%parallel_loop3A_285, %parallel_loop3A_286] : memref<32x1024xf32, #tpu.memory_space<vmem>> -> memref<1x1024xf32, #tpu.memory_space<vmem>>
        %parallel_loop3A_288 = tpu.memref_squeeze %parallel_loop3A_287 : memref<1x1024xf32, #tpu.memory_space<vmem>> -> memref<1024xf32, #tpu.memory_space<vmem>>
        %parallel_loop3A_289 = tpu.vector_load_idx %parallel_loop3A_288[%parallel_loop3A_202] : memref<1024xf32, #tpu.memory_space<vmem>>[vector<16xi32>], vector<16xf32>,
        %parallel_loop3A_290 = arith.constant 17 : i32
        %parallel_loop3A_291 = arith.constant 0 : i32
        %parallel_loop3A_292 = tpu.memref_slice %arg9[%parallel_loop3A_290, %parallel_loop3A_291] : memref<32x1024xf32, #tpu.memory_space<vmem>> -> memref<1x1024xf32, #tpu.memory_space<vmem>>
        %parallel_loop3A_293 = tpu.memref_squeeze %parallel_loop3A_292 : memref<1x1024xf32, #tpu.memory_space<vmem>> -> memref<1024xf32, #tpu.memory_space<vmem>>
        %parallel_loop3A_294 = tpu.vector_load_idx %parallel_loop3A_293[%parallel_loop3A_206] : memref<1024xf32, #tpu.memory_space<vmem>>[vector<16xi32>], vector<16xf32>,
        %parallel_loop3A_295 = arith.constant 21 : i32
        %parallel_loop3A_296 = arith.constant 0 : i32
        %parallel_loop3A_297 = tpu.memref_slice %arg9[%parallel_loop3A_295, %parallel_loop3A_296] : memref<32x1024xf32, #tpu.memory_space<vmem>> -> memref<1x1024xf32, #tpu.memory_space<vmem>>
        %parallel_loop3A_298 = tpu.memref_squeeze %parallel_loop3A_297 : memref<1x1024xf32, #tpu.memory_space<vmem>> -> memref<1024xf32, #tpu.memory_space<vmem>>
        %parallel_loop3A_299 = tpu.vector_load_idx %parallel_loop3A_298[%parallel_loop3A_210] : memref<1024xf32, #tpu.memory_space<vmem>>[vector<16xi32>], vector<16xf32>,
        %parallel_loop3A_300 = arith.constant 25 : i32
        %parallel_loop3A_301 = arith.constant 0 : i32
        %parallel_loop3A_302 = tpu.memref_slice %arg9[%parallel_loop3A_300, %parallel_loop3A_301] : memref<32x1024xf32, #tpu.memory_space<vmem>> -> memref<1x1024xf32, #tpu.memory_space<vmem>>
        %parallel_loop3A_303 = tpu.memref_squeeze %parallel_loop3A_302 : memref<1x1024xf32, #tpu.memory_space<vmem>> -> memref<1024xf32, #tpu.memory_space<vmem>>
        %parallel_loop3A_304 = tpu.vector_load_idx %parallel_loop3A_303[%parallel_loop3A_214] : memref<1024xf32, #tpu.memory_space<vmem>>[vector<16xi32>], vector<16xf32>,
        %parallel_loop3A_305 = arith.constant 29 : i32
        %parallel_loop3A_306 = arith.constant 0 : i32
        %parallel_loop3A_307 = tpu.memref_slice %arg9[%parallel_loop3A_305, %parallel_loop3A_306] : memref<32x1024xf32, #tpu.memory_space<vmem>> -> memref<1x1024xf32, #tpu.memory_space<vmem>>
        %parallel_loop3A_308 = tpu.memref_squeeze %parallel_loop3A_307 : memref<1x1024xf32, #tpu.memory_space<vmem>> -> memref<1024xf32, #tpu.memory_space<vmem>>
        %parallel_loop3A_309 = tpu.vector_load_idx %parallel_loop3A_308[%parallel_loop3A_218] : memref<1024xf32, #tpu.memory_space<vmem>>[vector<16xi32>], vector<16xf32>,
        %parallel_loop3A_310 = arith.addf %parallel_loop3A_274, %parallel_loop3A_279 : vector<16xf32>
        %parallel_loop3A_311 = arith.addf %parallel_loop3A_284, %parallel_loop3A_289 : vector<16xf32>
        %parallel_loop3A_312 = arith.addf %parallel_loop3A_294, %parallel_loop3A_299 : vector<16xf32>
        %parallel_loop3A_313 = arith.addf %parallel_loop3A_304, %parallel_loop3A_309 : vector<16xf32>
        %parallel_loop3A_314 = arith.addf %parallel_loop3A_310, %parallel_loop3A_311 : vector<16xf32>
        %parallel_loop3A_315 = arith.addf %parallel_loop3A_312, %parallel_loop3A_313 : vector<16xf32>
        %parallel_loop3A_316 = arith.addf %parallel_loop3A_314, %parallel_loop3A_315 : vector<16xf32>
        %parallel_loop3A_317 = arith.constant 1 : i32
        %parallel_loop3A_318 = arith.index_cast %parallel_loop3A_317 : i32 to index
        %parallel_loop3A_319 = arith.index_cast %parallel_loop3A_186 : i32 to index
        %parallel_loop3A_320 = tpu.vector_load %arg11[%parallel_loop3A_318, %parallel_loop3A_319] {strides = array<i32>} : memref<4x1024xf32, #tpu.memory_space<vmem>>, vector<16xf32>,
        tpu.vector_store %arg11[%parallel_loop3A_318, %parallel_loop3A_319], %parallel_loop3A_316 {add = true, strides = array<i32>} : memref<4x1024xf32, #tpu.memory_space<vmem>>, vector<16xf32>,
        %parallel_loop3A_321 = arith.constant 2 : i32
        %parallel_loop3A_322 = arith.constant 0 : i32
        %parallel_loop3A_323 = tpu.memref_slice %arg9[%parallel_loop3A_321, %parallel_loop3A_322] : memref<32x1024xf32, #tpu.memory_space<vmem>> -> memref<1x1024xf32, #tpu.memory_space<vmem>>
        %parallel_loop3A_324 = tpu.memref_squeeze %parallel_loop3A_323 : memref<1x1024xf32, #tpu.memory_space<vmem>> -> memref<1024xf32, #tpu.memory_space<vmem>>
        %parallel_loop3A_325 = tpu.vector_load_idx %parallel_loop3A_324[%parallel_loop3A_190] : memref<1024xf32, #tpu.memory_space<vmem>>[vector<16xi32>], vector<16xf32>,
        %parallel_loop3A_326 = arith.constant 6 : i32
        %parallel_loop3A_327 = arith.constant 0 : i32
        %parallel_loop3A_328 = tpu.memref_slice %arg9[%parallel_loop3A_326, %parallel_loop3A_327] : memref<32x1024xf32, #tpu.memory_space<vmem>> -> memref<1x1024xf32, #tpu.memory_space<vmem>>
        %parallel_loop3A_329 = tpu.memref_squeeze %parallel_loop3A_328 : memref<1x1024xf32, #tpu.memory_space<vmem>> -> memref<1024xf32, #tpu.memory_space<vmem>>
        %parallel_loop3A_330 = tpu.vector_load_idx %parallel_loop3A_329[%parallel_loop3A_194] : memref<1024xf32, #tpu.memory_space<vmem>>[vector<16xi32>], vector<16xf32>,
        %parallel_loop3A_331 = arith.constant 10 : i32
        %parallel_loop3A_332 = arith.constant 0 : i32
        %parallel_loop3A_333 = tpu.memref_slice %arg9[%parallel_loop3A_331, %parallel_loop3A_332] : memref<32x1024xf32, #tpu.memory_space<vmem>> -> memref<1x1024xf32, #tpu.memory_space<vmem>>
        %parallel_loop3A_334 = tpu.memref_squeeze %parallel_loop3A_333 : memref<1x1024xf32, #tpu.memory_space<vmem>> -> memref<1024xf32, #tpu.memory_space<vmem>>
        %parallel_loop3A_335 = tpu.vector_load_idx %parallel_loop3A_334[%parallel_loop3A_198] : memref<1024xf32, #tpu.memory_space<vmem>>[vector<16xi32>], vector<16xf32>,
        %parallel_loop3A_336 = arith.constant 14 : i32
        %parallel_loop3A_337 = arith.constant 0 : i32
        %parallel_loop3A_338 = tpu.memref_slice %arg9[%parallel_loop3A_336, %parallel_loop3A_337] : memref<32x1024xf32, #tpu.memory_space<vmem>> -> memref<1x1024xf32, #tpu.memory_space<vmem>>
        %parallel_loop3A_339 = tpu.memref_squeeze %parallel_loop3A_338 : memref<1x1024xf32, #tpu.memory_space<vmem>> -> memref<1024xf32, #tpu.memory_space<vmem>>
        %parallel_loop3A_340 = tpu.vector_load_idx %parallel_loop3A_339[%parallel_loop3A_202] : memref<1024xf32, #tpu.memory_space<vmem>>[vector<16xi32>], vector<16xf32>,
        %parallel_loop3A_341 = arith.constant 18 : i32
        %parallel_loop3A_342 = arith.constant 0 : i32
        %parallel_loop3A_343 = tpu.memref_slice %arg9[%parallel_loop3A_341, %parallel_loop3A_342] : memref<32x1024xf32, #tpu.memory_space<vmem>> -> memref<1x1024xf32, #tpu.memory_space<vmem>>
        %parallel_loop3A_344 = tpu.memref_squeeze %parallel_loop3A_343 : memref<1x1024xf32, #tpu.memory_space<vmem>> -> memref<1024xf32, #tpu.memory_space<vmem>>
        %parallel_loop3A_345 = tpu.vector_load_idx %parallel_loop3A_344[%parallel_loop3A_206] : memref<1024xf32, #tpu.memory_space<vmem>>[vector<16xi32>], vector<16xf32>,
        %parallel_loop3A_346 = arith.constant 22 : i32
        %parallel_loop3A_347 = arith.constant 0 : i32
        %parallel_loop3A_348 = tpu.memref_slice %arg9[%parallel_loop3A_346, %parallel_loop3A_347] : memref<32x1024xf32, #tpu.memory_space<vmem>> -> memref<1x1024xf32, #tpu.memory_space<vmem>>
        %parallel_loop3A_349 = tpu.memref_squeeze %parallel_loop3A_348 : memref<1x1024xf32, #tpu.memory_space<vmem>> -> memref<1024xf32, #tpu.memory_space<vmem>>
        %parallel_loop3A_350 = tpu.vector_load_idx %parallel_loop3A_349[%parallel_loop3A_210] : memref<1024xf32, #tpu.memory_space<vmem>>[vector<16xi32>], vector<16xf32>,
        %parallel_loop3A_351 = arith.constant 26 : i32
        %parallel_loop3A_352 = arith.constant 0 : i32
        %parallel_loop3A_353 = tpu.memref_slice %arg9[%parallel_loop3A_351, %parallel_loop3A_352] : memref<32x1024xf32, #tpu.memory_space<vmem>> -> memref<1x1024xf32, #tpu.memory_space<vmem>>
        %parallel_loop3A_354 = tpu.memref_squeeze %parallel_loop3A_353 : memref<1x1024xf32, #tpu.memory_space<vmem>> -> memref<1024xf32, #tpu.memory_space<vmem>>
        %parallel_loop3A_355 = tpu.vector_load_idx %parallel_loop3A_354[%parallel_loop3A_214] : memref<1024xf32, #tpu.memory_space<vmem>>[vector<16xi32>], vector<16xf32>,
        %parallel_loop3A_356 = arith.constant 30 : i32
        %parallel_loop3A_357 = arith.constant 0 : i32
        %parallel_loop3A_358 = tpu.memref_slice %arg9[%parallel_loop3A_356, %parallel_loop3A_357] : memref<32x1024xf32, #tpu.memory_space<vmem>> -> memref<1x1024xf32, #tpu.memory_space<vmem>>
        %parallel_loop3A_359 = tpu.memref_squeeze %parallel_loop3A_358 : memref<1x1024xf32, #tpu.memory_space<vmem>> -> memref<1024xf32, #tpu.memory_space<vmem>>
        %parallel_loop3A_360 = tpu.vector_load_idx %parallel_loop3A_359[%parallel_loop3A_218] : memref<1024xf32, #tpu.memory_space<vmem>>[vector<16xi32>], vector<16xf32>,
        %parallel_loop3A_361 = arith.addf %parallel_loop3A_325, %parallel_loop3A_330 : vector<16xf32>
        %parallel_loop3A_362 = arith.addf %parallel_loop3A_335, %parallel_loop3A_340 : vector<16xf32>
        %parallel_loop3A_363 = arith.addf %parallel_loop3A_345, %parallel_loop3A_350 : vector<16xf32>
        %parallel_loop3A_364 = arith.addf %parallel_loop3A_355, %parallel_loop3A_360 : vector<16xf32>
        %parallel_loop3A_365 = arith.addf %parallel_loop3A_361, %parallel_loop3A_362 : vector<16xf32>
        %parallel_loop3A_366 = arith.addf %parallel_loop3A_363, %parallel_loop3A_364 : vector<16xf32>
        %parallel_loop3A_367 = arith.addf %parallel_loop3A_365, %parallel_loop3A_366 : vector<16xf32>
        %parallel_loop3A_368 = arith.constant 2 : i32
        %parallel_loop3A_369 = arith.index_cast %parallel_loop3A_368 : i32 to index
        %parallel_loop3A_370 = arith.index_cast %parallel_loop3A_186 : i32 to index
        %parallel_loop3A_371 = tpu.vector_load %arg11[%parallel_loop3A_369, %parallel_loop3A_370] {strides = array<i32>} : memref<4x1024xf32, #tpu.memory_space<vmem>>, vector<16xf32>,
        tpu.vector_store %arg11[%parallel_loop3A_369, %parallel_loop3A_370], %parallel_loop3A_367 {add = true, strides = array<i32>} : memref<4x1024xf32, #tpu.memory_space<vmem>>, vector<16xf32>,
        %parallel_loop3A_372 = arith.constant 3 : i32
        %parallel_loop3A_373 = arith.constant 0 : i32
        %parallel_loop3A_374 = tpu.memref_slice %arg9[%parallel_loop3A_372, %parallel_loop3A_373] : memref<32x1024xf32, #tpu.memory_space<vmem>> -> memref<1x1024xf32, #tpu.memory_space<vmem>>
        %parallel_loop3A_375 = tpu.memref_squeeze %parallel_loop3A_374 : memref<1x1024xf32, #tpu.memory_space<vmem>> -> memref<1024xf32, #tpu.memory_space<vmem>>
        %parallel_loop3A_376 = tpu.vector_load_idx %parallel_loop3A_375[%parallel_loop3A_190] : memref<1024xf32, #tpu.memory_space<vmem>>[vector<16xi32>], vector<16xf32>,
        %parallel_loop3A_377 = arith.constant 7 : i32
        %parallel_loop3A_378 = arith.constant 0 : i32
        %parallel_loop3A_379 = tpu.memref_slice %arg9[%parallel_loop3A_377, %parallel_loop3A_378] : memref<32x1024xf32, #tpu.memory_space<vmem>> -> memref<1x1024xf32, #tpu.memory_space<vmem>>
        %parallel_loop3A_380 = tpu.memref_squeeze %parallel_loop3A_379 : memref<1x1024xf32, #tpu.memory_space<vmem>> -> memref<1024xf32, #tpu.memory_space<vmem>>
        %parallel_loop3A_381 = tpu.vector_load_idx %parallel_loop3A_380[%parallel_loop3A_194] : memref<1024xf32, #tpu.memory_space<vmem>>[vector<16xi32>], vector<16xf32>,
        %parallel_loop3A_382 = arith.constant 11 : i32
        %parallel_loop3A_383 = arith.constant 0 : i32
        %parallel_loop3A_384 = tpu.memref_slice %arg9[%parallel_loop3A_382, %parallel_loop3A_383] : memref<32x1024xf32, #tpu.memory_space<vmem>> -> memref<1x1024xf32, #tpu.memory_space<vmem>>
        %parallel_loop3A_385 = tpu.memref_squeeze %parallel_loop3A_384 : memref<1x1024xf32, #tpu.memory_space<vmem>> -> memref<1024xf32, #tpu.memory_space<vmem>>
        %parallel_loop3A_386 = tpu.vector_load_idx %parallel_loop3A_385[%parallel_loop3A_198] : memref<1024xf32, #tpu.memory_space<vmem>>[vector<16xi32>], vector<16xf32>,
        %parallel_loop3A_387 = arith.constant 15 : i32
        %parallel_loop3A_388 = arith.constant 0 : i32
        %parallel_loop3A_389 = tpu.memref_slice %arg9[%parallel_loop3A_387, %parallel_loop3A_388] : memref<32x1024xf32, #tpu.memory_space<vmem>> -> memref<1x1024xf32, #tpu.memory_space<vmem>>
        %parallel_loop3A_390 = tpu.memref_squeeze %parallel_loop3A_389 : memref<1x1024xf32, #tpu.memory_space<vmem>> -> memref<1024xf32, #tpu.memory_space<vmem>>
        %parallel_loop3A_391 = tpu.vector_load_idx %parallel_loop3A_390[%parallel_loop3A_202] : memref<1024xf32, #tpu.memory_space<vmem>>[vector<16xi32>], vector<16xf32>,
        %parallel_loop3A_392 = arith.constant 19 : i32
        %parallel_loop3A_393 = arith.constant 0 : i32
        %parallel_loop3A_394 = tpu.memref_slice %arg9[%parallel_loop3A_392, %parallel_loop3A_393] : memref<32x1024xf32, #tpu.memory_space<vmem>> -> memref<1x1024xf32, #tpu.memory_space<vmem>>
        %parallel_loop3A_395 = tpu.memref_squeeze %parallel_loop3A_394 : memref<1x1024xf32, #tpu.memory_space<vmem>> -> memref<1024xf32, #tpu.memory_space<vmem>>
        %parallel_loop3A_396 = tpu.vector_load_idx %parallel_loop3A_395[%parallel_loop3A_206] : memref<1024xf32, #tpu.memory_space<vmem>>[vector<16xi32>], vector<16xf32>,
        %parallel_loop3A_397 = arith.constant 23 : i32
        %parallel_loop3A_398 = arith.constant 0 : i32
        %parallel_loop3A_399 = tpu.memref_slice %arg9[%parallel_loop3A_397, %parallel_loop3A_398] : memref<32x1024xf32, #tpu.memory_space<vmem>> -> memref<1x1024xf32, #tpu.memory_space<vmem>>
        %parallel_loop3A_400 = tpu.memref_squeeze %parallel_loop3A_399 : memref<1x1024xf32, #tpu.memory_space<vmem>> -> memref<1024xf32, #tpu.memory_space<vmem>>
        %parallel_loop3A_401 = tpu.vector_load_idx %parallel_loop3A_400[%parallel_loop3A_210] : memref<1024xf32, #tpu.memory_space<vmem>>[vector<16xi32>], vector<16xf32>,
        %parallel_loop3A_402 = arith.constant 27 : i32
        %parallel_loop3A_403 = arith.constant 0 : i32
        %parallel_loop3A_404 = tpu.memref_slice %arg9[%parallel_loop3A_402, %parallel_loop3A_403] : memref<32x1024xf32, #tpu.memory_space<vmem>> -> memref<1x1024xf32, #tpu.memory_space<vmem>>
        %parallel_loop3A_405 = tpu.memref_squeeze %parallel_loop3A_404 : memref<1x1024xf32, #tpu.memory_space<vmem>> -> memref<1024xf32, #tpu.memory_space<vmem>>
        %parallel_loop3A_406 = tpu.vector_load_idx %parallel_loop3A_405[%parallel_loop3A_214] : memref<1024xf32, #tpu.memory_space<vmem>>[vector<16xi32>], vector<16xf32>,
        %parallel_loop3A_407 = arith.constant 31 : i32
        %parallel_loop3A_408 = arith.constant 0 : i32
        %parallel_loop3A_409 = tpu.memref_slice %arg9[%parallel_loop3A_407, %parallel_loop3A_408] : memref<32x1024xf32, #tpu.memory_space<vmem>> -> memref<1x1024xf32, #tpu.memory_space<vmem>>
        %parallel_loop3A_410 = tpu.memref_squeeze %parallel_loop3A_409 : memref<1x1024xf32, #tpu.memory_space<vmem>> -> memref<1024xf32, #tpu.memory_space<vmem>>
        %parallel_loop3A_411 = tpu.vector_load_idx %parallel_loop3A_410[%parallel_loop3A_218] : memref<1024xf32, #tpu.memory_space<vmem>>[vector<16xi32>], vector<16xf32>,
        %parallel_loop3A_412 = arith.addf %parallel_loop3A_376, %parallel_loop3A_381 : vector<16xf32>
        %parallel_loop3A_413 = arith.addf %parallel_loop3A_386, %parallel_loop3A_391 : vector<16xf32>
        %parallel_loop3A_414 = arith.addf %parallel_loop3A_396, %parallel_loop3A_401 : vector<16xf32>
        %parallel_loop3A_415 = arith.addf %parallel_loop3A_406, %parallel_loop3A_411 : vector<16xf32>
        %parallel_loop3A_416 = arith.addf %parallel_loop3A_412, %parallel_loop3A_413 : vector<16xf32>
        %parallel_loop3A_417 = arith.addf %parallel_loop3A_414, %parallel_loop3A_415 : vector<16xf32>
        %parallel_loop3A_418 = arith.addf %parallel_loop3A_416, %parallel_loop3A_417 : vector<16xf32>
        %parallel_loop3A_419 = arith.constant 3 : i32
        %parallel_loop3A_420 = arith.index_cast %parallel_loop3A_419 : i32 to index
        %parallel_loop3A_421 = arith.index_cast %parallel_loop3A_186 : i32 to index
        %parallel_loop3A_422 = tpu.vector_load %arg11[%parallel_loop3A_420, %parallel_loop3A_421] {strides = array<i32>} : memref<4x1024xf32, #tpu.memory_space<vmem>>, vector<16xf32>,
        tpu.vector_store %arg11[%parallel_loop3A_420, %parallel_loop3A_421], %parallel_loop3A_418 {add = true, strides = array<i32>} : memref<4x1024xf32, #tpu.memory_space<vmem>>, vector<16xf32>,
      } {sc.loop_unroll_factor = 2 : i64, sc.parallel_access}
      %add3A_140 = arith.constant 2 : i32
      %add3A_141 = arith.addi %add3A_125, %add3A_140 : i32
      %mul3A_142 = arith.constant 8 : i32
      %mul3A_143 = arith.muli %add3A_141, %mul3A_142 : i32
      %dma_start3A_144 = arith.constant 0 : i32
      %dma_start3A_145 = tpu.memref_slice %arg3[%mul3A_143, %dma_start3A_144] : memref<256x1024xi32, #tpu.memory_space<hbm>> -> memref<8x1024xi32, #tpu.memory_space<hbm>>
      %dma_start3A_146 = arith.constant 0 : i32
      %dma_start3A_147 = tpu.memref_slice %arg3[%mul3A_143, %dma_start3A_146] : memref<256x1024xi32, #tpu.memory_space<hbm>> -> memref<8x1024xi32, #tpu.memory_space<hbm>>
      tpu.enqueue_dma source(%dma_start3A_147 : memref<8x1024xi32, #tpu.memory_space<hbm>>) target(%arg7 : memref<8x1024xi32, #tpu.memory_space<vmem>>) target_semaphore(%arg12 : memref<!tpu.dma_semaphore, #tpu.memory_space<semaphore_mem>>)
      %mul3A_148 = arith.constant 32 : i32
      %mul3A_149 = arith.muli %add3A_141, %mul3A_148 : i32
      %dma_start3A_150 = tpu.memref_slice %arg6[%mul3A_149] : memref<1024xi32, #tpu.memory_space<vmem>> -> memref<32xi32, #tpu.memory_space<vmem>>
      %dma_start3A_151 = arith.constant 0 : i32
      %dma_start3A_152 = arith.constant 0 : i32
      %dma_start3A_153 = tpu.memref_slice %arg2[%dma_start3A_151, %dma_start3A_152] : memref<1024x1024xf32, #tpu.memory_space<hbm>> -> memref<1024x1024xf32, #tpu.memory_space<hbm>>
      tpu.enqueue_indirect_dma source(%dma_start3A_153 : memref<1024x1024xf32, #tpu.memory_space<hbm>>) target(%arg9 : memref<32x1024xf32, #tpu.memory_space<vmem>>) offsets(%dma_start3A_150 : memref<32xi32, #tpu.memory_space<vmem>>) semaphore(%arg14 : memref<!tpu.dma_semaphore, #tpu.memory_space<semaphore_mem>>)
      %add3A_154 = arith.constant 1 : i32
      %add3A_155 = arith.addi %mul3A_123, %add3A_154 : i32
      %dma_wait3A_156 = arith.constant 0 : i32
      %dma_wait3A_157 = arith.constant 0 : i32
      %dma_wait3A_158 = tpu.memref_slice %arg3[%dma_wait3A_156, %dma_wait3A_157] : memref<256x1024xi32, #tpu.memory_space<hbm>> -> memref<8x1024xi32, #tpu.memory_space<hbm>>
      %dma_wait3A_159 = arith.constant 0 : i32
      %dma_wait3A_160 = arith.constant 0 : i32
      %dma_wait3A_161 = tpu.memref_slice %arg3[%dma_wait3A_159, %dma_wait3A_160] : memref<256x1024xi32, #tpu.memory_space<hbm>> -> memref<8x1024xi32, #tpu.memory_space<hbm>>
      tpu.wait_dma2 semaphore(%arg13 : memref<!tpu.dma_semaphore, #tpu.memory_space<semaphore_mem>>) src(%dma_wait3A_161 : memref<8x1024xi32, #tpu.memory_space<hbm>>) dst(%arg8 : memref<8x1024xi32, #tpu.memory_space<vmem>>)
      %dma_wait3A_162 = arith.constant 0 : i32
      %dma_wait3A_163 = tpu.memref_slice %arg6[%dma_wait3A_162] : memref<1024xi32, #tpu.memory_space<vmem>> -> memref<32xi32, #tpu.memory_space<vmem>>
      %dma_wait3A_164 = arith.constant 0 : i32
      %dma_wait3A_165 = arith.constant 0 : i32
      %dma_wait3A_166 = tpu.memref_slice %arg2[%dma_wait3A_164, %dma_wait3A_165] : memref<1024x1024xf32, #tpu.memory_space<hbm>> -> memref<1024x1024xf32, #tpu.memory_space<hbm>>
      tpu.wait_indirect_dma semaphore(%arg15 : memref<!tpu.dma_semaphore, #tpu.memory_space<semaphore_mem>>) src(%dma_wait3A_166 : memref<1024x1024xf32, #tpu.memory_space<hbm>>) dst(%arg10 : memref<32x1024xf32, #tpu.memory_space<vmem>>)
      %parallel_loop3A_167 = arith.constant 0 : i32
      %parallel_loop3A_168 = arith.constant 64 : i32
      %parallel_loop3A_169 = arith.constant 1 : i32
      scf.for %parallel_loop3A_184 = %parallel_loop3A_167 to %parallel_loop3A_168 step %parallel_loop3A_169  : i32 {
        %parallel_loop3A_185 = arith.constant 16 : i32
        %parallel_loop3A_186 = arith.muli %parallel_loop3A_184, %parallel_loop3A_185 : i32
        %parallel_loop3A_187 = arith.constant 0 : i32
        %parallel_loop3A_188 = arith.index_cast %parallel_loop3A_187 : i32 to index
        %parallel_loop3A_189 = arith.index_cast %parallel_loop3A_186 : i32 to index
        %parallel_loop3A_190 = tpu.vector_load %arg8[%parallel_loop3A_188, %parallel_loop3A_189] {strides = array<i32>} : memref<8x1024xi32, #tpu.memory_space<vmem>>, vector<16xi32>,
        %parallel_loop3A_191 = arith.constant 1 : i32
        %parallel_loop3A_192 = arith.index_cast %parallel_loop3A_191 : i32 to index
        %parallel_loop3A_193 = arith.index_cast %parallel_loop3A_186 : i32 to index
        %parallel_loop3A_194 = tpu.vector_load %arg8[%parallel_loop3A_192, %parallel_loop3A_193] {strides = array<i32>} : memref<8x1024xi32, #tpu.memory_space<vmem>>, vector<16xi32>,
        %parallel_loop3A_195 = arith.constant 2 : i32
        %parallel_loop3A_196 = arith.index_cast %parallel_loop3A_195 : i32 to index
        %parallel_loop3A_197 = arith.index_cast %parallel_loop3A_186 : i32 to index
        %parallel_loop3A_198 = tpu.vector_load %arg8[%parallel_loop3A_196, %parallel_loop3A_197] {strides = array<i32>} : memref<8x1024xi32, #tpu.memory_space<vmem>>, vector<16xi32>,
        %parallel_loop3A_199 = arith.constant 3 : i32
        %parallel_loop3A_200 = arith.index_cast %parallel_loop3A_199 : i32 to index
        %parallel_loop3A_201 = arith.index_cast %parallel_loop3A_186 : i32 to index
        %parallel_loop3A_202 = tpu.vector_load %arg8[%parallel_loop3A_200, %parallel_loop3A_201] {strides = array<i32>} : memref<8x1024xi32, #tpu.memory_space<vmem>>, vector<16xi32>,
        %parallel_loop3A_203 = arith.constant 4 : i32
        %parallel_loop3A_204 = arith.index_cast %parallel_loop3A_203 : i32 to index
        %parallel_loop3A_205 = arith.index_cast %parallel_loop3A_186 : i32 to index
        %parallel_loop3A_206 = tpu.vector_load %arg8[%parallel_loop3A_204, %parallel_loop3A_205] {strides = array<i32>} : memref<8x1024xi32, #tpu.memory_space<vmem>>, vector<16xi32>,
        %parallel_loop3A_207 = arith.constant 5 : i32
        %parallel_loop3A_208 = arith.index_cast %parallel_loop3A_207 : i32 to index
        %parallel_loop3A_209 = arith.index_cast %parallel_loop3A_186 : i32 to index
        %parallel_loop3A_210 = tpu.vector_load %arg8[%parallel_loop3A_208, %parallel_loop3A_209] {strides = array<i32>} : memref<8x1024xi32, #tpu.memory_space<vmem>>, vector<16xi32>,
        %parallel_loop3A_211 = arith.constant 6 : i32
        %parallel_loop3A_212 = arith.index_cast %parallel_loop3A_211 : i32 to index
        %parallel_loop3A_213 = arith.index_cast %parallel_loop3A_186 : i32 to index
        %parallel_loop3A_214 = tpu.vector_load %arg8[%parallel_loop3A_212, %parallel_loop3A_213] {strides = array<i32>} : memref<8x1024xi32, #tpu.memory_space<vmem>>, vector<16xi32>,
        %parallel_loop3A_215 = arith.constant 7 : i32
        %parallel_loop3A_216 = arith.index_cast %parallel_loop3A_215 : i32 to index
        %parallel_loop3A_217 = arith.index_cast %parallel_loop3A_186 : i32 to index
        %parallel_loop3A_218 = tpu.vector_load %arg8[%parallel_loop3A_216, %parallel_loop3A_217] {strides = array<i32>} : memref<8x1024xi32, #tpu.memory_space<vmem>>, vector<16xi32>,
        %parallel_loop3A_219 = arith.constant 0 : i32
        %parallel_loop3A_220 = arith.constant 0 : i32
        %parallel_loop3A_221 = tpu.memref_slice %arg10[%parallel_loop3A_219, %parallel_loop3A_220] : memref<32x1024xf32, #tpu.memory_space<vmem>> -> memref<1x1024xf32, #tpu.memory_space<vmem>>
        %parallel_loop3A_222 = tpu.memref_squeeze %parallel_loop3A_221 : memref<1x1024xf32, #tpu.memory_space<vmem>> -> memref<1024xf32, #tpu.memory_space<vmem>>
        %parallel_loop3A_223 = tpu.vector_load_idx %parallel_loop3A_222[%parallel_loop3A_190] : memref<1024xf32, #tpu.memory_space<vmem>>[vector<16xi32>], vector<16xf32>,
        %parallel_loop3A_224 = arith.constant 4 : i32
        %parallel_loop3A_225 = arith.constant 0 : i32
        %parallel_loop3A_226 = tpu.memref_slice %arg10[%parallel_loop3A_224, %parallel_loop3A_225] : memref<32x1024xf32, #tpu.memory_space<vmem>> -> memref<1x1024xf32, #tpu.memory_space<vmem>>
        %parallel_loop3A_227 = tpu.memref_squeeze %parallel_loop3A_226 : memref<1x1024xf32, #tpu.memory_space<vmem>> -> memref<1024xf32, #tpu.memory_space<vmem>>
        %parallel_loop3A_228 = tpu.vector_load_idx %parallel_loop3A_227[%parallel_loop3A_194] : memref<1024xf32, #tpu.memory_space<vmem>>[vector<16xi32>], vector<16xf32>,
        %parallel_loop3A_229 = arith.constant 8 : i32
        %parallel_loop3A_230 = arith.constant 0 : i32
        %parallel_loop3A_231 = tpu.memref_slice %arg10[%parallel_loop3A_229, %parallel_loop3A_230] : memref<32x1024xf32, #tpu.memory_space<vmem>> -> memref<1x1024xf32, #tpu.memory_space<vmem>>
        %parallel_loop3A_232 = tpu.memref_squeeze %parallel_loop3A_231 : memref<1x1024xf32, #tpu.memory_space<vmem>> -> memref<1024xf32, #tpu.memory_space<vmem>>
        %parallel_loop3A_233 = tpu.vector_load_idx %parallel_loop3A_232[%parallel_loop3A_198] : memref<1024xf32, #tpu.memory_space<vmem>>[vector<16xi32>], vector<16xf32>,
        %parallel_loop3A_234 = arith.constant 12 : i32
        %parallel_loop3A_235 = arith.constant 0 : i32
        %parallel_loop3A_236 = tpu.memref_slice %arg10[%parallel_loop3A_234, %parallel_loop3A_235] : memref<32x1024xf32, #tpu.memory_space<vmem>> -> memref<1x1024xf32, #tpu.memory_space<vmem>>
        %parallel_loop3A_237 = tpu.memref_squeeze %parallel_loop3A_236 : memref<1x1024xf32, #tpu.memory_space<vmem>> -> memref<1024xf32, #tpu.memory_space<vmem>>
        %parallel_loop3A_238 = tpu.vector_load_idx %parallel_loop3A_237[%parallel_loop3A_202] : memref<1024xf32, #tpu.memory_space<vmem>>[vector<16xi32>], vector<16xf32>,
        %parallel_loop3A_239 = arith.constant 16 : i32
        %parallel_loop3A_240 = arith.constant 0 : i32
        %parallel_loop3A_241 = tpu.memref_slice %arg10[%parallel_loop3A_239, %parallel_loop3A_240] : memref<32x1024xf32, #tpu.memory_space<vmem>> -> memref<1x1024xf32, #tpu.memory_space<vmem>>
        %parallel_loop3A_242 = tpu.memref_squeeze %parallel_loop3A_241 : memref<1x1024xf32, #tpu.memory_space<vmem>> -> memref<1024xf32, #tpu.memory_space<vmem>>
        %parallel_loop3A_243 = tpu.vector_load_idx %parallel_loop3A_242[%parallel_loop3A_206] : memref<1024xf32, #tpu.memory_space<vmem>>[vector<16xi32>], vector<16xf32>,
        %parallel_loop3A_244 = arith.constant 20 : i32
        %parallel_loop3A_245 = arith.constant 0 : i32
        %parallel_loop3A_246 = tpu.memref_slice %arg10[%parallel_loop3A_244, %parallel_loop3A_245] : memref<32x1024xf32, #tpu.memory_space<vmem>> -> memref<1x1024xf32, #tpu.memory_space<vmem>>
        %parallel_loop3A_247 = tpu.memref_squeeze %parallel_loop3A_246 : memref<1x1024xf32, #tpu.memory_space<vmem>> -> memref<1024xf32, #tpu.memory_space<vmem>>
        %parallel_loop3A_248 = tpu.vector_load_idx %parallel_loop3A_247[%parallel_loop3A_210] : memref<1024xf32, #tpu.memory_space<vmem>>[vector<16xi32>], vector<16xf32>,
        %parallel_loop3A_249 = arith.constant 24 : i32
        %parallel_loop3A_250 = arith.constant 0 : i32
        %parallel_loop3A_251 = tpu.memref_slice %arg10[%parallel_loop3A_249, %parallel_loop3A_250] : memref<32x1024xf32, #tpu.memory_space<vmem>> -> memref<1x1024xf32, #tpu.memory_space<vmem>>
        %parallel_loop3A_252 = tpu.memref_squeeze %parallel_loop3A_251 : memref<1x1024xf32, #tpu.memory_space<vmem>> -> memref<1024xf32, #tpu.memory_space<vmem>>
        %parallel_loop3A_253 = tpu.vector_load_idx %parallel_loop3A_252[%parallel_loop3A_214] : memref<1024xf32, #tpu.memory_space<vmem>>[vector<16xi32>], vector<16xf32>,
        %parallel_loop3A_254 = arith.constant 28 : i32
        %parallel_loop3A_255 = arith.constant 0 : i32
        %parallel_loop3A_256 = tpu.memref_slice %arg10[%parallel_loop3A_254, %parallel_loop3A_255] : memref<32x1024xf32, #tpu.memory_space<vmem>> -> memref<1x1024xf32, #tpu.memory_space<vmem>>
        %parallel_loop3A_257 = tpu.memref_squeeze %parallel_loop3A_256 : memref<1x1024xf32, #tpu.memory_space<vmem>> -> memref<1024xf32, #tpu.memory_space<vmem>>
        %parallel_loop3A_258 = tpu.vector_load_idx %parallel_loop3A_257[%parallel_loop3A_218] : memref<1024xf32, #tpu.memory_space<vmem>>[vector<16xi32>], vector<16xf32>,
        %parallel_loop3A_259 = arith.addf %parallel_loop3A_223, %parallel_loop3A_228 : vector<16xf32>
        %parallel_loop3A_260 = arith.addf %parallel_loop3A_233, %parallel_loop3A_238 : vector<16xf32>
        %parallel_loop3A_261 = arith.addf %parallel_loop3A_243, %parallel_loop3A_248 : vector<16xf32>
        %parallel_loop3A_262 = arith.addf %parallel_loop3A_253, %parallel_loop3A_258 : vector<16xf32>
        %parallel_loop3A_263 = arith.addf %parallel_loop3A_259, %parallel_loop3A_260 : vector<16xf32>
        %parallel_loop3A_264 = arith.addf %parallel_loop3A_261, %parallel_loop3A_262 : vector<16xf32>
        %parallel_loop3A_265 = arith.addf %parallel_loop3A_263, %parallel_loop3A_264 : vector<16xf32>
        %parallel_loop3A_266 = arith.constant 0 : i32
        %parallel_loop3A_267 = arith.index_cast %parallel_loop3A_266 : i32 to index
        %parallel_loop3A_268 = arith.index_cast %parallel_loop3A_186 : i32 to index
        %parallel_loop3A_269 = tpu.vector_load %arg11[%parallel_loop3A_267, %parallel_loop3A_268] {strides = array<i32>} : memref<4x1024xf32, #tpu.memory_space<vmem>>, vector<16xf32>,
        tpu.vector_store %arg11[%parallel_loop3A_267, %parallel_loop3A_268], %parallel_loop3A_265 {add = true, strides = array<i32>} : memref<4x1024xf32, #tpu.memory_space<vmem>>, vector<16xf32>,
        %parallel_loop3A_270 = arith.constant 1 : i32
        %parallel_loop3A_271 = arith.constant 0 : i32
        %parallel_loop3A_272 = tpu.memref_slice %arg10[%parallel_loop3A_270, %parallel_loop3A_271] : memref<32x1024xf32, #tpu.memory_space<vmem>> -> memref<1x1024xf32, #tpu.memory_space<vmem>>
        %parallel_loop3A_273 = tpu.memref_squeeze %parallel_loop3A_272 : memref<1x1024xf32, #tpu.memory_space<vmem>> -> memref<1024xf32, #tpu.memory_space<vmem>>
        %parallel_loop3A_274 = tpu.vector_load_idx %parallel_loop3A_273[%parallel_loop3A_190] : memref<1024xf32, #tpu.memory_space<vmem>>[vector<16xi32>], vector<16xf32>,
        %parallel_loop3A_275 = arith.constant 5 : i32
        %parallel_loop3A_276 = arith.constant 0 : i32
        %parallel_loop3A_277 = tpu.memref_slice %arg10[%parallel_loop3A_275, %parallel_loop3A_276] : memref<32x1024xf32, #tpu.memory_space<vmem>> -> memref<1x1024xf32, #tpu.memory_space<vmem>>
        %parallel_loop3A_278 = tpu.memref_squeeze %parallel_loop3A_277 : memref<1x1024xf32, #tpu.memory_space<vmem>> -> memref<1024xf32, #tpu.memory_space<vmem>>
        %parallel_loop3A_279 = tpu.vector_load_idx %parallel_loop3A_278[%parallel_loop3A_194] : memref<1024xf32, #tpu.memory_space<vmem>>[vector<16xi32>], vector<16xf32>,
        %parallel_loop3A_280 = arith.constant 9 : i32
        %parallel_loop3A_281 = arith.constant 0 : i32
        %parallel_loop3A_282 = tpu.memref_slice %arg10[%parallel_loop3A_280, %parallel_loop3A_281] : memref<32x1024xf32, #tpu.memory_space<vmem>> -> memref<1x1024xf32, #tpu.memory_space<vmem>>
        %parallel_loop3A_283 = tpu.memref_squeeze %parallel_loop3A_282 : memref<1x1024xf32, #tpu.memory_space<vmem>> -> memref<1024xf32, #tpu.memory_space<vmem>>
        %parallel_loop3A_284 = tpu.vector_load_idx %parallel_loop3A_283[%parallel_loop3A_198] : memref<1024xf32, #tpu.memory_space<vmem>>[vector<16xi32>], vector<16xf32>,
        %parallel_loop3A_285 = arith.constant 13 : i32
        %parallel_loop3A_286 = arith.constant 0 : i32
        %parallel_loop3A_287 = tpu.memref_slice %arg10[%parallel_loop3A_285, %parallel_loop3A_286] : memref<32x1024xf32, #tpu.memory_space<vmem>> -> memref<1x1024xf32, #tpu.memory_space<vmem>>
        %parallel_loop3A_288 = tpu.memref_squeeze %parallel_loop3A_287 : memref<1x1024xf32, #tpu.memory_space<vmem>> -> memref<1024xf32, #tpu.memory_space<vmem>>
        %parallel_loop3A_289 = tpu.vector_load_idx %parallel_loop3A_288[%parallel_loop3A_202] : memref<1024xf32, #tpu.memory_space<vmem>>[vector<16xi32>], vector<16xf32>,
        %parallel_loop3A_290 = arith.constant 17 : i32
        %parallel_loop3A_291 = arith.constant 0 : i32
        %parallel_loop3A_292 = tpu.memref_slice %arg10[%parallel_loop3A_290, %parallel_loop3A_291] : memref<32x1024xf32, #tpu.memory_space<vmem>> -> memref<1x1024xf32, #tpu.memory_space<vmem>>
        %parallel_loop3A_293 = tpu.memref_squeeze %parallel_loop3A_292 : memref<1x1024xf32, #tpu.memory_space<vmem>> -> memref<1024xf32, #tpu.memory_space<vmem>>
        %parallel_loop3A_294 = tpu.vector_load_idx %parallel_loop3A_293[%parallel_loop3A_206] : memref<1024xf32, #tpu.memory_space<vmem>>[vector<16xi32>], vector<16xf32>,
        %parallel_loop3A_295 = arith.constant 21 : i32
        %parallel_loop3A_296 = arith.constant 0 : i32
        %parallel_loop3A_297 = tpu.memref_slice %arg10[%parallel_loop3A_295, %parallel_loop3A_296] : memref<32x1024xf32, #tpu.memory_space<vmem>> -> memref<1x1024xf32, #tpu.memory_space<vmem>>
        %parallel_loop3A_298 = tpu.memref_squeeze %parallel_loop3A_297 : memref<1x1024xf32, #tpu.memory_space<vmem>> -> memref<1024xf32, #tpu.memory_space<vmem>>
        %parallel_loop3A_299 = tpu.vector_load_idx %parallel_loop3A_298[%parallel_loop3A_210] : memref<1024xf32, #tpu.memory_space<vmem>>[vector<16xi32>], vector<16xf32>,
        %parallel_loop3A_300 = arith.constant 25 : i32
        %parallel_loop3A_301 = arith.constant 0 : i32
        %parallel_loop3A_302 = tpu.memref_slice %arg10[%parallel_loop3A_300, %parallel_loop3A_301] : memref<32x1024xf32, #tpu.memory_space<vmem>> -> memref<1x1024xf32, #tpu.memory_space<vmem>>
        %parallel_loop3A_303 = tpu.memref_squeeze %parallel_loop3A_302 : memref<1x1024xf32, #tpu.memory_space<vmem>> -> memref<1024xf32, #tpu.memory_space<vmem>>
        %parallel_loop3A_304 = tpu.vector_load_idx %parallel_loop3A_303[%parallel_loop3A_214] : memref<1024xf32, #tpu.memory_space<vmem>>[vector<16xi32>], vector<16xf32>,
        %parallel_loop3A_305 = arith.constant 29 : i32
        %parallel_loop3A_306 = arith.constant 0 : i32
        %parallel_loop3A_307 = tpu.memref_slice %arg10[%parallel_loop3A_305, %parallel_loop3A_306] : memref<32x1024xf32, #tpu.memory_space<vmem>> -> memref<1x1024xf32, #tpu.memory_space<vmem>>
        %parallel_loop3A_308 = tpu.memref_squeeze %parallel_loop3A_307 : memref<1x1024xf32, #tpu.memory_space<vmem>> -> memref<1024xf32, #tpu.memory_space<vmem>>
        %parallel_loop3A_309 = tpu.vector_load_idx %parallel_loop3A_308[%parallel_loop3A_218] : memref<1024xf32, #tpu.memory_space<vmem>>[vector<16xi32>], vector<16xf32>,
        %parallel_loop3A_310 = arith.addf %parallel_loop3A_274, %parallel_loop3A_279 : vector<16xf32>
        %parallel_loop3A_311 = arith.addf %parallel_loop3A_284, %parallel_loop3A_289 : vector<16xf32>
        %parallel_loop3A_312 = arith.addf %parallel_loop3A_294, %parallel_loop3A_299 : vector<16xf32>
        %parallel_loop3A_313 = arith.addf %parallel_loop3A_304, %parallel_loop3A_309 : vector<16xf32>
        %parallel_loop3A_314 = arith.addf %parallel_loop3A_310, %parallel_loop3A_311 : vector<16xf32>
        %parallel_loop3A_315 = arith.addf %parallel_loop3A_312, %parallel_loop3A_313 : vector<16xf32>
        %parallel_loop3A_316 = arith.addf %parallel_loop3A_314, %parallel_loop3A_315 : vector<16xf32>
        %parallel_loop3A_317 = arith.constant 1 : i32
        %parallel_loop3A_318 = arith.index_cast %parallel_loop3A_317 : i32 to index
        %parallel_loop3A_319 = arith.index_cast %parallel_loop3A_186 : i32 to index
        %parallel_loop3A_320 = tpu.vector_load %arg11[%parallel_loop3A_318, %parallel_loop3A_319] {strides = array<i32>} : memref<4x1024xf32, #tpu.memory_space<vmem>>, vector<16xf32>,
        tpu.vector_store %arg11[%parallel_loop3A_318, %parallel_loop3A_319], %parallel_loop3A_316 {add = true, strides = array<i32>} : memref<4x1024xf32, #tpu.memory_space<vmem>>, vector<16xf32>,
        %parallel_loop3A_321 = arith.constant 2 : i32
        %parallel_loop3A_322 = arith.constant 0 : i32
        %parallel_loop3A_323 = tpu.memref_slice %arg10[%parallel_loop3A_321, %parallel_loop3A_322] : memref<32x1024xf32, #tpu.memory_space<vmem>> -> memref<1x1024xf32, #tpu.memory_space<vmem>>
        %parallel_loop3A_324 = tpu.memref_squeeze %parallel_loop3A_323 : memref<1x1024xf32, #tpu.memory_space<vmem>> -> memref<1024xf32, #tpu.memory_space<vmem>>
        %parallel_loop3A_325 = tpu.vector_load_idx %parallel_loop3A_324[%parallel_loop3A_190] : memref<1024xf32, #tpu.memory_space<vmem>>[vector<16xi32>], vector<16xf32>,
        %parallel_loop3A_326 = arith.constant 6 : i32
        %parallel_loop3A_327 = arith.constant 0 : i32
        %parallel_loop3A_328 = tpu.memref_slice %arg10[%parallel_loop3A_326, %parallel_loop3A_327] : memref<32x1024xf32, #tpu.memory_space<vmem>> -> memref<1x1024xf32, #tpu.memory_space<vmem>>
        %parallel_loop3A_329 = tpu.memref_squeeze %parallel_loop3A_328 : memref<1x1024xf32, #tpu.memory_space<vmem>> -> memref<1024xf32, #tpu.memory_space<vmem>>
        %parallel_loop3A_330 = tpu.vector_load_idx %parallel_loop3A_329[%parallel_loop3A_194] : memref<1024xf32, #tpu.memory_space<vmem>>[vector<16xi32>], vector<16xf32>,
        %parallel_loop3A_331 = arith.constant 10 : i32
        %parallel_loop3A_332 = arith.constant 0 : i32
        %parallel_loop3A_333 = tpu.memref_slice %arg10[%parallel_loop3A_331, %parallel_loop3A_332] : memref<32x1024xf32, #tpu.memory_space<vmem>> -> memref<1x1024xf32, #tpu.memory_space<vmem>>
        %parallel_loop3A_334 = tpu.memref_squeeze %parallel_loop3A_333 : memref<1x1024xf32, #tpu.memory_space<vmem>> -> memref<1024xf32, #tpu.memory_space<vmem>>
        %parallel_loop3A_335 = tpu.vector_load_idx %parallel_loop3A_334[%parallel_loop3A_198] : memref<1024xf32, #tpu.memory_space<vmem>>[vector<16xi32>], vector<16xf32>,
        %parallel_loop3A_336 = arith.constant 14 : i32
        %parallel_loop3A_337 = arith.constant 0 : i32
        %parallel_loop3A_338 = tpu.memref_slice %arg10[%parallel_loop3A_336, %parallel_loop3A_337] : memref<32x1024xf32, #tpu.memory_space<vmem>> -> memref<1x1024xf32, #tpu.memory_space<vmem>>
        %parallel_loop3A_339 = tpu.memref_squeeze %parallel_loop3A_338 : memref<1x1024xf32, #tpu.memory_space<vmem>> -> memref<1024xf32, #tpu.memory_space<vmem>>
        %parallel_loop3A_340 = tpu.vector_load_idx %parallel_loop3A_339[%parallel_loop3A_202] : memref<1024xf32, #tpu.memory_space<vmem>>[vector<16xi32>], vector<16xf32>,
        %parallel_loop3A_341 = arith.constant 18 : i32
        %parallel_loop3A_342 = arith.constant 0 : i32
        %parallel_loop3A_343 = tpu.memref_slice %arg10[%parallel_loop3A_341, %parallel_loop3A_342] : memref<32x1024xf32, #tpu.memory_space<vmem>> -> memref<1x1024xf32, #tpu.memory_space<vmem>>
        %parallel_loop3A_344 = tpu.memref_squeeze %parallel_loop3A_343 : memref<1x1024xf32, #tpu.memory_space<vmem>> -> memref<1024xf32, #tpu.memory_space<vmem>>
        %parallel_loop3A_345 = tpu.vector_load_idx %parallel_loop3A_344[%parallel_loop3A_206] : memref<1024xf32, #tpu.memory_space<vmem>>[vector<16xi32>], vector<16xf32>,
        %parallel_loop3A_346 = arith.constant 22 : i32
        %parallel_loop3A_347 = arith.constant 0 : i32
        %parallel_loop3A_348 = tpu.memref_slice %arg10[%parallel_loop3A_346, %parallel_loop3A_347] : memref<32x1024xf32, #tpu.memory_space<vmem>> -> memref<1x1024xf32, #tpu.memory_space<vmem>>
        %parallel_loop3A_349 = tpu.memref_squeeze %parallel_loop3A_348 : memref<1x1024xf32, #tpu.memory_space<vmem>> -> memref<1024xf32, #tpu.memory_space<vmem>>
        %parallel_loop3A_350 = tpu.vector_load_idx %parallel_loop3A_349[%parallel_loop3A_210] : memref<1024xf32, #tpu.memory_space<vmem>>[vector<16xi32>], vector<16xf32>,
        %parallel_loop3A_351 = arith.constant 26 : i32
        %parallel_loop3A_352 = arith.constant 0 : i32
        %parallel_loop3A_353 = tpu.memref_slice %arg10[%parallel_loop3A_351, %parallel_loop3A_352] : memref<32x1024xf32, #tpu.memory_space<vmem>> -> memref<1x1024xf32, #tpu.memory_space<vmem>>
        %parallel_loop3A_354 = tpu.memref_squeeze %parallel_loop3A_353 : memref<1x1024xf32, #tpu.memory_space<vmem>> -> memref<1024xf32, #tpu.memory_space<vmem>>
        %parallel_loop3A_355 = tpu.vector_load_idx %parallel_loop3A_354[%parallel_loop3A_214] : memref<1024xf32, #tpu.memory_space<vmem>>[vector<16xi32>], vector<16xf32>,
        %parallel_loop3A_356 = arith.constant 30 : i32
        %parallel_loop3A_357 = arith.constant 0 : i32
        %parallel_loop3A_358 = tpu.memref_slice %arg10[%parallel_loop3A_356, %parallel_loop3A_357] : memref<32x1024xf32, #tpu.memory_space<vmem>> -> memref<1x1024xf32, #tpu.memory_space<vmem>>
        %parallel_loop3A_359 = tpu.memref_squeeze %parallel_loop3A_358 : memref<1x1024xf32, #tpu.memory_space<vmem>> -> memref<1024xf32, #tpu.memory_space<vmem>>
        %parallel_loop3A_360 = tpu.vector_load_idx %parallel_loop3A_359[%parallel_loop3A_218] : memref<1024xf32, #tpu.memory_space<vmem>>[vector<16xi32>], vector<16xf32>,
        %parallel_loop3A_361 = arith.addf %parallel_loop3A_325, %parallel_loop3A_330 : vector<16xf32>
        %parallel_loop3A_362 = arith.addf %parallel_loop3A_335, %parallel_loop3A_340 : vector<16xf32>
        %parallel_loop3A_363 = arith.addf %parallel_loop3A_345, %parallel_loop3A_350 : vector<16xf32>
        %parallel_loop3A_364 = arith.addf %parallel_loop3A_355, %parallel_loop3A_360 : vector<16xf32>
        %parallel_loop3A_365 = arith.addf %parallel_loop3A_361, %parallel_loop3A_362 : vector<16xf32>
        %parallel_loop3A_366 = arith.addf %parallel_loop3A_363, %parallel_loop3A_364 : vector<16xf32>
        %parallel_loop3A_367 = arith.addf %parallel_loop3A_365, %parallel_loop3A_366 : vector<16xf32>
        %parallel_loop3A_368 = arith.constant 2 : i32
        %parallel_loop3A_369 = arith.index_cast %parallel_loop3A_368 : i32 to index
        %parallel_loop3A_370 = arith.index_cast %parallel_loop3A_186 : i32 to index
        %parallel_loop3A_371 = tpu.vector_load %arg11[%parallel_loop3A_369, %parallel_loop3A_370] {strides = array<i32>} : memref<4x1024xf32, #tpu.memory_space<vmem>>, vector<16xf32>,
        tpu.vector_store %arg11[%parallel_loop3A_369, %parallel_loop3A_370], %parallel_loop3A_367 {add = true, strides = array<i32>} : memref<4x1024xf32, #tpu.memory_space<vmem>>, vector<16xf32>,
        %parallel_loop3A_372 = arith.constant 3 : i32
        %parallel_loop3A_373 = arith.constant 0 : i32
        %parallel_loop3A_374 = tpu.memref_slice %arg10[%parallel_loop3A_372, %parallel_loop3A_373] : memref<32x1024xf32, #tpu.memory_space<vmem>> -> memref<1x1024xf32, #tpu.memory_space<vmem>>
        %parallel_loop3A_375 = tpu.memref_squeeze %parallel_loop3A_374 : memref<1x1024xf32, #tpu.memory_space<vmem>> -> memref<1024xf32, #tpu.memory_space<vmem>>
        %parallel_loop3A_376 = tpu.vector_load_idx %parallel_loop3A_375[%parallel_loop3A_190] : memref<1024xf32, #tpu.memory_space<vmem>>[vector<16xi32>], vector<16xf32>,
        %parallel_loop3A_377 = arith.constant 7 : i32
        %parallel_loop3A_378 = arith.constant 0 : i32
        %parallel_loop3A_379 = tpu.memref_slice %arg10[%parallel_loop3A_377, %parallel_loop3A_378] : memref<32x1024xf32, #tpu.memory_space<vmem>> -> memref<1x1024xf32, #tpu.memory_space<vmem>>
        %parallel_loop3A_380 = tpu.memref_squeeze %parallel_loop3A_379 : memref<1x1024xf32, #tpu.memory_space<vmem>> -> memref<1024xf32, #tpu.memory_space<vmem>>
        %parallel_loop3A_381 = tpu.vector_load_idx %parallel_loop3A_380[%parallel_loop3A_194] : memref<1024xf32, #tpu.memory_space<vmem>>[vector<16xi32>], vector<16xf32>,
        %parallel_loop3A_382 = arith.constant 11 : i32
        %parallel_loop3A_383 = arith.constant 0 : i32
        %parallel_loop3A_384 = tpu.memref_slice %arg10[%parallel_loop3A_382, %parallel_loop3A_383] : memref<32x1024xf32, #tpu.memory_space<vmem>> -> memref<1x1024xf32, #tpu.memory_space<vmem>>
        %parallel_loop3A_385 = tpu.memref_squeeze %parallel_loop3A_384 : memref<1x1024xf32, #tpu.memory_space<vmem>> -> memref<1024xf32, #tpu.memory_space<vmem>>
        %parallel_loop3A_386 = tpu.vector_load_idx %parallel_loop3A_385[%parallel_loop3A_198] : memref<1024xf32, #tpu.memory_space<vmem>>[vector<16xi32>], vector<16xf32>,
        %parallel_loop3A_387 = arith.constant 15 : i32
        %parallel_loop3A_388 = arith.constant 0 : i32
        %parallel_loop3A_389 = tpu.memref_slice %arg10[%parallel_loop3A_387, %parallel_loop3A_388] : memref<32x1024xf32, #tpu.memory_space<vmem>> -> memref<1x1024xf32, #tpu.memory_space<vmem>>
        %parallel_loop3A_390 = tpu.memref_squeeze %parallel_loop3A_389 : memref<1x1024xf32, #tpu.memory_space<vmem>> -> memref<1024xf32, #tpu.memory_space<vmem>>
        %parallel_loop3A_391 = tpu.vector_load_idx %parallel_loop3A_390[%parallel_loop3A_202] : memref<1024xf32, #tpu.memory_space<vmem>>[vector<16xi32>], vector<16xf32>,
        %parallel_loop3A_392 = arith.constant 19 : i32
        %parallel_loop3A_393 = arith.constant 0 : i32
        %parallel_loop3A_394 = tpu.memref_slice %arg10[%parallel_loop3A_392, %parallel_loop3A_393] : memref<32x1024xf32, #tpu.memory_space<vmem>> -> memref<1x1024xf32, #tpu.memory_space<vmem>>
        %parallel_loop3A_395 = tpu.memref_squeeze %parallel_loop3A_394 : memref<1x1024xf32, #tpu.memory_space<vmem>> -> memref<1024xf32, #tpu.memory_space<vmem>>
        %parallel_loop3A_396 = tpu.vector_load_idx %parallel_loop3A_395[%parallel_loop3A_206] : memref<1024xf32, #tpu.memory_space<vmem>>[vector<16xi32>], vector<16xf32>,
        %parallel_loop3A_397 = arith.constant 23 : i32
        %parallel_loop3A_398 = arith.constant 0 : i32
        %parallel_loop3A_399 = tpu.memref_slice %arg10[%parallel_loop3A_397, %parallel_loop3A_398] : memref<32x1024xf32, #tpu.memory_space<vmem>> -> memref<1x1024xf32, #tpu.memory_space<vmem>>
        %parallel_loop3A_400 = tpu.memref_squeeze %parallel_loop3A_399 : memref<1x1024xf32, #tpu.memory_space<vmem>> -> memref<1024xf32, #tpu.memory_space<vmem>>
        %parallel_loop3A_401 = tpu.vector_load_idx %parallel_loop3A_400[%parallel_loop3A_210] : memref<1024xf32, #tpu.memory_space<vmem>>[vector<16xi32>], vector<16xf32>,
        %parallel_loop3A_402 = arith.constant 27 : i32
        %parallel_loop3A_403 = arith.constant 0 : i32
        %parallel_loop3A_404 = tpu.memref_slice %arg10[%parallel_loop3A_402, %parallel_loop3A_403] : memref<32x1024xf32, #tpu.memory_space<vmem>> -> memref<1x1024xf32, #tpu.memory_space<vmem>>
        %parallel_loop3A_405 = tpu.memref_squeeze %parallel_loop3A_404 : memref<1x1024xf32, #tpu.memory_space<vmem>> -> memref<1024xf32, #tpu.memory_space<vmem>>
        %parallel_loop3A_406 = tpu.vector_load_idx %parallel_loop3A_405[%parallel_loop3A_214] : memref<1024xf32, #tpu.memory_space<vmem>>[vector<16xi32>], vector<16xf32>,
        %parallel_loop3A_407 = arith.constant 31 : i32
        %parallel_loop3A_408 = arith.constant 0 : i32
        %parallel_loop3A_409 = tpu.memref_slice %arg10[%parallel_loop3A_407, %parallel_loop3A_408] : memref<32x1024xf32, #tpu.memory_space<vmem>> -> memref<1x1024xf32, #tpu.memory_space<vmem>>
        %parallel_loop3A_410 = tpu.memref_squeeze %parallel_loop3A_409 : memref<1x1024xf32, #tpu.memory_space<vmem>> -> memref<1024xf32, #tpu.memory_space<vmem>>
        %parallel_loop3A_411 = tpu.vector_load_idx %parallel_loop3A_410[%parallel_loop3A_218] : memref<1024xf32, #tpu.memory_space<vmem>>[vector<16xi32>], vector<16xf32>,
        %parallel_loop3A_412 = arith.addf %parallel_loop3A_376, %parallel_loop3A_381 : vector<16xf32>
        %parallel_loop3A_413 = arith.addf %parallel_loop3A_386, %parallel_loop3A_391 : vector<16xf32>
        %parallel_loop3A_414 = arith.addf %parallel_loop3A_396, %parallel_loop3A_401 : vector<16xf32>
        %parallel_loop3A_415 = arith.addf %parallel_loop3A_406, %parallel_loop3A_411 : vector<16xf32>
        %parallel_loop3A_416 = arith.addf %parallel_loop3A_412, %parallel_loop3A_413 : vector<16xf32>
        %parallel_loop3A_417 = arith.addf %parallel_loop3A_414, %parallel_loop3A_415 : vector<16xf32>
        %parallel_loop3A_418 = arith.addf %parallel_loop3A_416, %parallel_loop3A_417 : vector<16xf32>
        %parallel_loop3A_419 = arith.constant 3 : i32
        %parallel_loop3A_420 = arith.index_cast %parallel_loop3A_419 : i32 to index
        %parallel_loop3A_421 = arith.index_cast %parallel_loop3A_186 : i32 to index
        %parallel_loop3A_422 = tpu.vector_load %arg11[%parallel_loop3A_420, %parallel_loop3A_421] {strides = array<i32>} : memref<4x1024xf32, #tpu.memory_space<vmem>>, vector<16xf32>,
        tpu.vector_store %arg11[%parallel_loop3A_420, %parallel_loop3A_421], %parallel_loop3A_418 {add = true, strides = array<i32>} : memref<4x1024xf32, #tpu.memory_space<vmem>>, vector<16xf32>,
      } {sc.loop_unroll_factor = 2 : i64, sc.parallel_access}
      %add3A_170 = arith.constant 2 : i32
      %add3A_171 = arith.addi %add3A_155, %add3A_170 : i32
      %mul3A_172 = arith.constant 8 : i32
      %mul3A_173 = arith.muli %add3A_171, %mul3A_172 : i32
      %dma_start3A_174 = arith.constant 0 : i32
      %dma_start3A_175 = tpu.memref_slice %arg3[%mul3A_173, %dma_start3A_174] : memref<256x1024xi32, #tpu.memory_space<hbm>> -> memref<8x1024xi32, #tpu.memory_space<hbm>>
      %dma_start3A_176 = arith.constant 0 : i32
      %dma_start3A_177 = tpu.memref_slice %arg3[%mul3A_173, %dma_start3A_176] : memref<256x1024xi32, #tpu.memory_space<hbm>> -> memref<8x1024xi32, #tpu.memory_space<hbm>>
      tpu.enqueue_dma source(%dma_start3A_177 : memref<8x1024xi32, #tpu.memory_space<hbm>>) target(%arg8 : memref<8x1024xi32, #tpu.memory_space<vmem>>) target_semaphore(%arg13 : memref<!tpu.dma_semaphore, #tpu.memory_space<semaphore_mem>>)
      %mul3A_178 = arith.constant 32 : i32
      %mul3A_179 = arith.muli %add3A_171, %mul3A_178 : i32
      %dma_start3A_180 = tpu.memref_slice %arg6[%mul3A_179] : memref<1024xi32, #tpu.memory_space<vmem>> -> memref<32xi32, #tpu.memory_space<vmem>>
      %dma_start3A_181 = arith.constant 0 : i32
      %dma_start3A_182 = arith.constant 0 : i32
      %dma_start3A_183 = tpu.memref_slice %arg2[%dma_start3A_181, %dma_start3A_182] : memref<1024x1024xf32, #tpu.memory_space<hbm>> -> memref<1024x1024xf32, #tpu.memory_space<hbm>>
      tpu.enqueue_indirect_dma source(%dma_start3A_183 : memref<1024x1024xf32, #tpu.memory_space<hbm>>) target(%arg10 : memref<32x1024xf32, #tpu.memory_space<vmem>>) offsets(%dma_start3A_180 : memref<32xi32, #tpu.memory_space<vmem>>) semaphore(%arg15 : memref<!tpu.dma_semaphore, #tpu.memory_space<semaphore_mem>>)
    }
    %scan3A_93 = arith.constant 15 : i32
    %dma_wait3A = arith.constant 0 : i32
    %dma_wait3A_94 = arith.constant 0 : i32
    %dma_wait3A_95 = tpu.memref_slice %arg3[%dma_wait3A, %dma_wait3A_94] : memref<256x1024xi32, #tpu.memory_space<hbm>> -> memref<8x1024xi32, #tpu.memory_space<hbm>>
    %dma_wait3A_96 = arith.constant 0 : i32
    %dma_wait3A_97 = arith.constant 0 : i32
    %dma_wait3A_98 = tpu.memref_slice %arg3[%dma_wait3A_96, %dma_wait3A_97] : memref<256x1024xi32, #tpu.memory_space<hbm>> -> memref<8x1024xi32, #tpu.memory_space<hbm>>
    tpu.wait_dma2 semaphore(%arg12 : memref<!tpu.dma_semaphore, #tpu.memory_space<semaphore_mem>>) src(%dma_wait3A_98 : memref<8x1024xi32, #tpu.memory_space<hbm>>) dst(%arg7 : memref<8x1024xi32, #tpu.memory_space<vmem>>)
    %dma_wait3A_99 = arith.constant 0 : i32
    %dma_wait3A_100 = tpu.memref_slice %arg6[%dma_wait3A_99] : memref<1024xi32, #tpu.memory_space<vmem>> -> memref<32xi32, #tpu.memory_space<vmem>>
    %dma_wait3A_101 = arith.constant 0 : i32
    %dma_wait3A_102 = arith.constant 0 : i32
    %dma_wait3A_103 = tpu.memref_slice %arg2[%dma_wait3A_101, %dma_wait3A_102] : memref<1024x1024xf32, #tpu.memory_space<hbm>> -> memref<1024x1024xf32, #tpu.memory_space<hbm>>
    tpu.wait_indirect_dma semaphore(%arg14 : memref<!tpu.dma_semaphore, #tpu.memory_space<semaphore_mem>>) src(%dma_wait3A_103 : memref<1024x1024xf32, #tpu.memory_space<hbm>>) dst(%arg9 : memref<32x1024xf32, #tpu.memory_space<vmem>>)
    %parallel_loop3A_104 = arith.constant 0 : i32
    %parallel_loop3A_105 = arith.constant 64 : i32
    %parallel_loop3A_106 = arith.constant 1 : i32
    scf.for %parallel_loop3A_121 = %parallel_loop3A_104 to %parallel_loop3A_105 step %parallel_loop3A_106  : i32 {
      %parallel_loop3A_122 = arith.constant 16 : i32
      %parallel_loop3A_123 = arith.muli %parallel_loop3A_121, %parallel_loop3A_122 : i32
      %parallel_loop3A_124 = arith.constant 0 : i32
      %parallel_loop3A_125 = arith.index_cast %parallel_loop3A_124 : i32 to index
      %parallel_loop3A_126 = arith.index_cast %parallel_loop3A_123 : i32 to index
      %parallel_loop3A_127 = tpu.vector_load %arg7[%parallel_loop3A_125, %parallel_loop3A_126] {strides = array<i32>} : memref<8x1024xi32, #tpu.memory_space<vmem>>, vector<16xi32>,
      %parallel_loop3A_128 = arith.constant 1 : i32
      %parallel_loop3A_129 = arith.index_cast %parallel_loop3A_128 : i32 to index
      %parallel_loop3A_130 = arith.index_cast %parallel_loop3A_123 : i32 to index
      %parallel_loop3A_131 = tpu.vector_load %arg7[%parallel_loop3A_129, %parallel_loop3A_130] {strides = array<i32>} : memref<8x1024xi32, #tpu.memory_space<vmem>>, vector<16xi32>,
      %parallel_loop3A_132 = arith.constant 2 : i32
      %parallel_loop3A_133 = arith.index_cast %parallel_loop3A_132 : i32 to index
      %parallel_loop3A_134 = arith.index_cast %parallel_loop3A_123 : i32 to index
      %parallel_loop3A_135 = tpu.vector_load %arg7[%parallel_loop3A_133, %parallel_loop3A_134] {strides = array<i32>} : memref<8x1024xi32, #tpu.memory_space<vmem>>, vector<16xi32>,
      %parallel_loop3A_136 = arith.constant 3 : i32
      %parallel_loop3A_137 = arith.index_cast %parallel_loop3A_136 : i32 to index
      %parallel_loop3A_138 = arith.index_cast %parallel_loop3A_123 : i32 to index
      %parallel_loop3A_139 = tpu.vector_load %arg7[%parallel_loop3A_137, %parallel_loop3A_138] {strides = array<i32>} : memref<8x1024xi32, #tpu.memory_space<vmem>>, vector<16xi32>,
      %parallel_loop3A_140 = arith.constant 4 : i32
      %parallel_loop3A_141 = arith.index_cast %parallel_loop3A_140 : i32 to index
      %parallel_loop3A_142 = arith.index_cast %parallel_loop3A_123 : i32 to index
      %parallel_loop3A_143 = tpu.vector_load %arg7[%parallel_loop3A_141, %parallel_loop3A_142] {strides = array<i32>} : memref<8x1024xi32, #tpu.memory_space<vmem>>, vector<16xi32>,
      %parallel_loop3A_144 = arith.constant 5 : i32
      %parallel_loop3A_145 = arith.index_cast %parallel_loop3A_144 : i32 to index
      %parallel_loop3A_146 = arith.index_cast %parallel_loop3A_123 : i32 to index
      %parallel_loop3A_147 = tpu.vector_load %arg7[%parallel_loop3A_145, %parallel_loop3A_146] {strides = array<i32>} : memref<8x1024xi32, #tpu.memory_space<vmem>>, vector<16xi32>,
      %parallel_loop3A_148 = arith.constant 6 : i32
      %parallel_loop3A_149 = arith.index_cast %parallel_loop3A_148 : i32 to index
      %parallel_loop3A_150 = arith.index_cast %parallel_loop3A_123 : i32 to index
      %parallel_loop3A_151 = tpu.vector_load %arg7[%parallel_loop3A_149, %parallel_loop3A_150] {strides = array<i32>} : memref<8x1024xi32, #tpu.memory_space<vmem>>, vector<16xi32>,
      %parallel_loop3A_152 = arith.constant 7 : i32
      %parallel_loop3A_153 = arith.index_cast %parallel_loop3A_152 : i32 to index
      %parallel_loop3A_154 = arith.index_cast %parallel_loop3A_123 : i32 to index
      %parallel_loop3A_155 = tpu.vector_load %arg7[%parallel_loop3A_153, %parallel_loop3A_154] {strides = array<i32>} : memref<8x1024xi32, #tpu.memory_space<vmem>>, vector<16xi32>,
      %parallel_loop3A_156 = arith.constant 0 : i32
      %parallel_loop3A_157 = arith.constant 0 : i32
      %parallel_loop3A_158 = tpu.memref_slice %arg9[%parallel_loop3A_156, %parallel_loop3A_157] : memref<32x1024xf32, #tpu.memory_space<vmem>> -> memref<1x1024xf32, #tpu.memory_space<vmem>>
      %parallel_loop3A_159 = tpu.memref_squeeze %parallel_loop3A_158 : memref<1x1024xf32, #tpu.memory_space<vmem>> -> memref<1024xf32, #tpu.memory_space<vmem>>
      %parallel_loop3A_160 = tpu.vector_load_idx %parallel_loop3A_159[%parallel_loop3A_127] : memref<1024xf32, #tpu.memory_space<vmem>>[vector<16xi32>], vector<16xf32>,
      %parallel_loop3A_161 = arith.constant 4 : i32
      %parallel_loop3A_162 = arith.constant 0 : i32
      %parallel_loop3A_163 = tpu.memref_slice %arg9[%parallel_loop3A_161, %parallel_loop3A_162] : memref<32x1024xf32, #tpu.memory_space<vmem>> -> memref<1x1024xf32, #tpu.memory_space<vmem>>
      %parallel_loop3A_164 = tpu.memref_squeeze %parallel_loop3A_163 : memref<1x1024xf32, #tpu.memory_space<vmem>> -> memref<1024xf32, #tpu.memory_space<vmem>>
      %parallel_loop3A_165 = tpu.vector_load_idx %parallel_loop3A_164[%parallel_loop3A_131] : memref<1024xf32, #tpu.memory_space<vmem>>[vector<16xi32>], vector<16xf32>,
      %parallel_loop3A_166 = arith.constant 8 : i32
      %parallel_loop3A_167 = arith.constant 0 : i32
      %parallel_loop3A_168 = tpu.memref_slice %arg9[%parallel_loop3A_166, %parallel_loop3A_167] : memref<32x1024xf32, #tpu.memory_space<vmem>> -> memref<1x1024xf32, #tpu.memory_space<vmem>>
      %parallel_loop3A_169 = tpu.memref_squeeze %parallel_loop3A_168 : memref<1x1024xf32, #tpu.memory_space<vmem>> -> memref<1024xf32, #tpu.memory_space<vmem>>
      %parallel_loop3A_170 = tpu.vector_load_idx %parallel_loop3A_169[%parallel_loop3A_135] : memref<1024xf32, #tpu.memory_space<vmem>>[vector<16xi32>], vector<16xf32>,
      %parallel_loop3A_171 = arith.constant 12 : i32
      %parallel_loop3A_172 = arith.constant 0 : i32
      %parallel_loop3A_173 = tpu.memref_slice %arg9[%parallel_loop3A_171, %parallel_loop3A_172] : memref<32x1024xf32, #tpu.memory_space<vmem>> -> memref<1x1024xf32, #tpu.memory_space<vmem>>
      %parallel_loop3A_174 = tpu.memref_squeeze %parallel_loop3A_173 : memref<1x1024xf32, #tpu.memory_space<vmem>> -> memref<1024xf32, #tpu.memory_space<vmem>>
      %parallel_loop3A_175 = tpu.vector_load_idx %parallel_loop3A_174[%parallel_loop3A_139] : memref<1024xf32, #tpu.memory_space<vmem>>[vector<16xi32>], vector<16xf32>,
      %parallel_loop3A_176 = arith.constant 16 : i32
      %parallel_loop3A_177 = arith.constant 0 : i32
      %parallel_loop3A_178 = tpu.memref_slice %arg9[%parallel_loop3A_176, %parallel_loop3A_177] : memref<32x1024xf32, #tpu.memory_space<vmem>> -> memref<1x1024xf32, #tpu.memory_space<vmem>>
      %parallel_loop3A_179 = tpu.memref_squeeze %parallel_loop3A_178 : memref<1x1024xf32, #tpu.memory_space<vmem>> -> memref<1024xf32, #tpu.memory_space<vmem>>
      %parallel_loop3A_180 = tpu.vector_load_idx %parallel_loop3A_179[%parallel_loop3A_143] : memref<1024xf32, #tpu.memory_space<vmem>>[vector<16xi32>], vector<16xf32>,
      %parallel_loop3A_181 = arith.constant 20 : i32
      %parallel_loop3A_182 = arith.constant 0 : i32
      %parallel_loop3A_183 = tpu.memref_slice %arg9[%parallel_loop3A_181, %parallel_loop3A_182] : memref<32x1024xf32, #tpu.memory_space<vmem>> -> memref<1x1024xf32, #tpu.memory_space<vmem>>
      %parallel_loop3A_184 = tpu.memref_squeeze %parallel_loop3A_183 : memref<1x1024xf32, #tpu.memory_space<vmem>> -> memref<1024xf32, #tpu.memory_space<vmem>>
      %parallel_loop3A_185 = tpu.vector_load_idx %parallel_loop3A_184[%parallel_loop3A_147] : memref<1024xf32, #tpu.memory_space<vmem>>[vector<16xi32>], vector<16xf32>,
      %parallel_loop3A_186 = arith.constant 24 : i32
      %parallel_loop3A_187 = arith.constant 0 : i32
      %parallel_loop3A_188 = tpu.memref_slice %arg9[%parallel_loop3A_186, %parallel_loop3A_187] : memref<32x1024xf32, #tpu.memory_space<vmem>> -> memref<1x1024xf32, #tpu.memory_space<vmem>>
      %parallel_loop3A_189 = tpu.memref_squeeze %parallel_loop3A_188 : memref<1x1024xf32, #tpu.memory_space<vmem>> -> memref<1024xf32, #tpu.memory_space<vmem>>
      %parallel_loop3A_190 = tpu.vector_load_idx %parallel_loop3A_189[%parallel_loop3A_151] : memref<1024xf32, #tpu.memory_space<vmem>>[vector<16xi32>], vector<16xf32>,
      %parallel_loop3A_191 = arith.constant 28 : i32
      %parallel_loop3A_192 = arith.constant 0 : i32
      %parallel_loop3A_193 = tpu.memref_slice %arg9[%parallel_loop3A_191, %parallel_loop3A_192] : memref<32x1024xf32, #tpu.memory_space<vmem>> -> memref<1x1024xf32, #tpu.memory_space<vmem>>
      %parallel_loop3A_194 = tpu.memref_squeeze %parallel_loop3A_193 : memref<1x1024xf32, #tpu.memory_space<vmem>> -> memref<1024xf32, #tpu.memory_space<vmem>>
      %parallel_loop3A_195 = tpu.vector_load_idx %parallel_loop3A_194[%parallel_loop3A_155] : memref<1024xf32, #tpu.memory_space<vmem>>[vector<16xi32>], vector<16xf32>,
      %parallel_loop3A_196 = arith.addf %parallel_loop3A_160, %parallel_loop3A_165 : vector<16xf32>
      %parallel_loop3A_197 = arith.addf %parallel_loop3A_170, %parallel_loop3A_175 : vector<16xf32>
      %parallel_loop3A_198 = arith.addf %parallel_loop3A_180, %parallel_loop3A_185 : vector<16xf32>
      %parallel_loop3A_199 = arith.addf %parallel_loop3A_190, %parallel_loop3A_195 : vector<16xf32>
      %parallel_loop3A_200 = arith.addf %parallel_loop3A_196, %parallel_loop3A_197 : vector<16xf32>
      %parallel_loop3A_201 = arith.addf %parallel_loop3A_198, %parallel_loop3A_199 : vector<16xf32>
      %parallel_loop3A_202 = arith.addf %parallel_loop3A_200, %parallel_loop3A_201 : vector<16xf32>
      %parallel_loop3A_203 = arith.constant 0 : i32
      %parallel_loop3A_204 = arith.index_cast %parallel_loop3A_203 : i32 to index
      %parallel_loop3A_205 = arith.index_cast %parallel_loop3A_123 : i32 to index
      %parallel_loop3A_206 = tpu.vector_load %arg11[%parallel_loop3A_204, %parallel_loop3A_205] {strides = array<i32>} : memref<4x1024xf32, #tpu.memory_space<vmem>>, vector<16xf32>,
      tpu.vector_store %arg11[%parallel_loop3A_204, %parallel_loop3A_205], %parallel_loop3A_202 {add = true, strides = array<i32>} : memref<4x1024xf32, #tpu.memory_space<vmem>>, vector<16xf32>,
      %parallel_loop3A_207 = arith.constant 1 : i32
      %parallel_loop3A_208 = arith.constant 0 : i32
      %parallel_loop3A_209 = tpu.memref_slice %arg9[%parallel_loop3A_207, %parallel_loop3A_208] : memref<32x1024xf32, #tpu.memory_space<vmem>> -> memref<1x1024xf32, #tpu.memory_space<vmem>>
      %parallel_loop3A_210 = tpu.memref_squeeze %parallel_loop3A_209 : memref<1x1024xf32, #tpu.memory_space<vmem>> -> memref<1024xf32, #tpu.memory_space<vmem>>
      %parallel_loop3A_211 = tpu.vector_load_idx %parallel_loop3A_210[%parallel_loop3A_127] : memref<1024xf32, #tpu.memory_space<vmem>>[vector<16xi32>], vector<16xf32>,
      %parallel_loop3A_212 = arith.constant 5 : i32
      %parallel_loop3A_213 = arith.constant 0 : i32
      %parallel_loop3A_214 = tpu.memref_slice %arg9[%parallel_loop3A_212, %parallel_loop3A_213] : memref<32x1024xf32, #tpu.memory_space<vmem>> -> memref<1x1024xf32, #tpu.memory_space<vmem>>
      %parallel_loop3A_215 = tpu.memref_squeeze %parallel_loop3A_214 : memref<1x1024xf32, #tpu.memory_space<vmem>> -> memref<1024xf32, #tpu.memory_space<vmem>>
      %parallel_loop3A_216 = tpu.vector_load_idx %parallel_loop3A_215[%parallel_loop3A_131] : memref<1024xf32, #tpu.memory_space<vmem>>[vector<16xi32>], vector<16xf32>,
      %parallel_loop3A_217 = arith.constant 9 : i32
      %parallel_loop3A_218 = arith.constant 0 : i32
      %parallel_loop3A_219 = tpu.memref_slice %arg9[%parallel_loop3A_217, %parallel_loop3A_218] : memref<32x1024xf32, #tpu.memory_space<vmem>> -> memref<1x1024xf32, #tpu.memory_space<vmem>>
      %parallel_loop3A_220 = tpu.memref_squeeze %parallel_loop3A_219 : memref<1x1024xf32, #tpu.memory_space<vmem>> -> memref<1024xf32, #tpu.memory_space<vmem>>
      %parallel_loop3A_221 = tpu.vector_load_idx %parallel_loop3A_220[%parallel_loop3A_135] : memref<1024xf32, #tpu.memory_space<vmem>>[vector<16xi32>], vector<16xf32>,
      %parallel_loop3A_222 = arith.constant 13 : i32
      %parallel_loop3A_223 = arith.constant 0 : i32
      %parallel_loop3A_224 = tpu.memref_slice %arg9[%parallel_loop3A_222, %parallel_loop3A_223] : memref<32x1024xf32, #tpu.memory_space<vmem>> -> memref<1x1024xf32, #tpu.memory_space<vmem>>
      %parallel_loop3A_225 = tpu.memref_squeeze %parallel_loop3A_224 : memref<1x1024xf32, #tpu.memory_space<vmem>> -> memref<1024xf32, #tpu.memory_space<vmem>>
      %parallel_loop3A_226 = tpu.vector_load_idx %parallel_loop3A_225[%parallel_loop3A_139] : memref<1024xf32, #tpu.memory_space<vmem>>[vector<16xi32>], vector<16xf32>,
      %parallel_loop3A_227 = arith.constant 17 : i32
      %parallel_loop3A_228 = arith.constant 0 : i32
      %parallel_loop3A_229 = tpu.memref_slice %arg9[%parallel_loop3A_227, %parallel_loop3A_228] : memref<32x1024xf32, #tpu.memory_space<vmem>> -> memref<1x1024xf32, #tpu.memory_space<vmem>>
      %parallel_loop3A_230 = tpu.memref_squeeze %parallel_loop3A_229 : memref<1x1024xf32, #tpu.memory_space<vmem>> -> memref<1024xf32, #tpu.memory_space<vmem>>
      %parallel_loop3A_231 = tpu.vector_load_idx %parallel_loop3A_230[%parallel_loop3A_143] : memref<1024xf32, #tpu.memory_space<vmem>>[vector<16xi32>], vector<16xf32>,
      %parallel_loop3A_232 = arith.constant 21 : i32
      %parallel_loop3A_233 = arith.constant 0 : i32
      %parallel_loop3A_234 = tpu.memref_slice %arg9[%parallel_loop3A_232, %parallel_loop3A_233] : memref<32x1024xf32, #tpu.memory_space<vmem>> -> memref<1x1024xf32, #tpu.memory_space<vmem>>
      %parallel_loop3A_235 = tpu.memref_squeeze %parallel_loop3A_234 : memref<1x1024xf32, #tpu.memory_space<vmem>> -> memref<1024xf32, #tpu.memory_space<vmem>>
      %parallel_loop3A_236 = tpu.vector_load_idx %parallel_loop3A_235[%parallel_loop3A_147] : memref<1024xf32, #tpu.memory_space<vmem>>[vector<16xi32>], vector<16xf32>,
      %parallel_loop3A_237 = arith.constant 25 : i32
      %parallel_loop3A_238 = arith.constant 0 : i32
      %parallel_loop3A_239 = tpu.memref_slice %arg9[%parallel_loop3A_237, %parallel_loop3A_238] : memref<32x1024xf32, #tpu.memory_space<vmem>> -> memref<1x1024xf32, #tpu.memory_space<vmem>>
      %parallel_loop3A_240 = tpu.memref_squeeze %parallel_loop3A_239 : memref<1x1024xf32, #tpu.memory_space<vmem>> -> memref<1024xf32, #tpu.memory_space<vmem>>
      %parallel_loop3A_241 = tpu.vector_load_idx %parallel_loop3A_240[%parallel_loop3A_151] : memref<1024xf32, #tpu.memory_space<vmem>>[vector<16xi32>], vector<16xf32>,
      %parallel_loop3A_242 = arith.constant 29 : i32
      %parallel_loop3A_243 = arith.constant 0 : i32
      %parallel_loop3A_244 = tpu.memref_slice %arg9[%parallel_loop3A_242, %parallel_loop3A_243] : memref<32x1024xf32, #tpu.memory_space<vmem>> -> memref<1x1024xf32, #tpu.memory_space<vmem>>
      %parallel_loop3A_245 = tpu.memref_squeeze %parallel_loop3A_244 : memref<1x1024xf32, #tpu.memory_space<vmem>> -> memref<1024xf32, #tpu.memory_space<vmem>>
      %parallel_loop3A_246 = tpu.vector_load_idx %parallel_loop3A_245[%parallel_loop3A_155] : memref<1024xf32, #tpu.memory_space<vmem>>[vector<16xi32>], vector<16xf32>,
      %parallel_loop3A_247 = arith.addf %parallel_loop3A_211, %parallel_loop3A_216 : vector<16xf32>
      %parallel_loop3A_248 = arith.addf %parallel_loop3A_221, %parallel_loop3A_226 : vector<16xf32>
      %parallel_loop3A_249 = arith.addf %parallel_loop3A_231, %parallel_loop3A_236 : vector<16xf32>
      %parallel_loop3A_250 = arith.addf %parallel_loop3A_241, %parallel_loop3A_246 : vector<16xf32>
      %parallel_loop3A_251 = arith.addf %parallel_loop3A_247, %parallel_loop3A_248 : vector<16xf32>
      %parallel_loop3A_252 = arith.addf %parallel_loop3A_249, %parallel_loop3A_250 : vector<16xf32>
      %parallel_loop3A_253 = arith.addf %parallel_loop3A_251, %parallel_loop3A_252 : vector<16xf32>
      %parallel_loop3A_254 = arith.constant 1 : i32
      %parallel_loop3A_255 = arith.index_cast %parallel_loop3A_254 : i32 to index
      %parallel_loop3A_256 = arith.index_cast %parallel_loop3A_123 : i32 to index
      %parallel_loop3A_257 = tpu.vector_load %arg11[%parallel_loop3A_255, %parallel_loop3A_256] {strides = array<i32>} : memref<4x1024xf32, #tpu.memory_space<vmem>>, vector<16xf32>,
      tpu.vector_store %arg11[%parallel_loop3A_255, %parallel_loop3A_256], %parallel_loop3A_253 {add = true, strides = array<i32>} : memref<4x1024xf32, #tpu.memory_space<vmem>>, vector<16xf32>,
      %parallel_loop3A_258 = arith.constant 2 : i32
      %parallel_loop3A_259 = arith.constant 0 : i32
      %parallel_loop3A_260 = tpu.memref_slice %arg9[%parallel_loop3A_258, %parallel_loop3A_259] : memref<32x1024xf32, #tpu.memory_space<vmem>> -> memref<1x1024xf32, #tpu.memory_space<vmem>>
      %parallel_loop3A_261 = tpu.memref_squeeze %parallel_loop3A_260 : memref<1x1024xf32, #tpu.memory_space<vmem>> -> memref<1024xf32, #tpu.memory_space<vmem>>
      %parallel_loop3A_262 = tpu.vector_load_idx %parallel_loop3A_261[%parallel_loop3A_127] : memref<1024xf32, #tpu.memory_space<vmem>>[vector<16xi32>], vector<16xf32>,
      %parallel_loop3A_263 = arith.constant 6 : i32
      %parallel_loop3A_264 = arith.constant 0 : i32
      %parallel_loop3A_265 = tpu.memref_slice %arg9[%parallel_loop3A_263, %parallel_loop3A_264] : memref<32x1024xf32, #tpu.memory_space<vmem>> -> memref<1x1024xf32, #tpu.memory_space<vmem>>
      %parallel_loop3A_266 = tpu.memref_squeeze %parallel_loop3A_265 : memref<1x1024xf32, #tpu.memory_space<vmem>> -> memref<1024xf32, #tpu.memory_space<vmem>>
      %parallel_loop3A_267 = tpu.vector_load_idx %parallel_loop3A_266[%parallel_loop3A_131] : memref<1024xf32, #tpu.memory_space<vmem>>[vector<16xi32>], vector<16xf32>,
      %parallel_loop3A_268 = arith.constant 10 : i32
      %parallel_loop3A_269 = arith.constant 0 : i32
      %parallel_loop3A_270 = tpu.memref_slice %arg9[%parallel_loop3A_268, %parallel_loop3A_269] : memref<32x1024xf32, #tpu.memory_space<vmem>> -> memref<1x1024xf32, #tpu.memory_space<vmem>>
      %parallel_loop3A_271 = tpu.memref_squeeze %parallel_loop3A_270 : memref<1x1024xf32, #tpu.memory_space<vmem>> -> memref<1024xf32, #tpu.memory_space<vmem>>
      %parallel_loop3A_272 = tpu.vector_load_idx %parallel_loop3A_271[%parallel_loop3A_135] : memref<1024xf32, #tpu.memory_space<vmem>>[vector<16xi32>], vector<16xf32>,
      %parallel_loop3A_273 = arith.constant 14 : i32
      %parallel_loop3A_274 = arith.constant 0 : i32
      %parallel_loop3A_275 = tpu.memref_slice %arg9[%parallel_loop3A_273, %parallel_loop3A_274] : memref<32x1024xf32, #tpu.memory_space<vmem>> -> memref<1x1024xf32, #tpu.memory_space<vmem>>
      %parallel_loop3A_276 = tpu.memref_squeeze %parallel_loop3A_275 : memref<1x1024xf32, #tpu.memory_space<vmem>> -> memref<1024xf32, #tpu.memory_space<vmem>>
      %parallel_loop3A_277 = tpu.vector_load_idx %parallel_loop3A_276[%parallel_loop3A_139] : memref<1024xf32, #tpu.memory_space<vmem>>[vector<16xi32>], vector<16xf32>,
      %parallel_loop3A_278 = arith.constant 18 : i32
      %parallel_loop3A_279 = arith.constant 0 : i32
      %parallel_loop3A_280 = tpu.memref_slice %arg9[%parallel_loop3A_278, %parallel_loop3A_279] : memref<32x1024xf32, #tpu.memory_space<vmem>> -> memref<1x1024xf32, #tpu.memory_space<vmem>>
      %parallel_loop3A_281 = tpu.memref_squeeze %parallel_loop3A_280 : memref<1x1024xf32, #tpu.memory_space<vmem>> -> memref<1024xf32, #tpu.memory_space<vmem>>
      %parallel_loop3A_282 = tpu.vector_load_idx %parallel_loop3A_281[%parallel_loop3A_143] : memref<1024xf32, #tpu.memory_space<vmem>>[vector<16xi32>], vector<16xf32>,
      %parallel_loop3A_283 = arith.constant 22 : i32
      %parallel_loop3A_284 = arith.constant 0 : i32
      %parallel_loop3A_285 = tpu.memref_slice %arg9[%parallel_loop3A_283, %parallel_loop3A_284] : memref<32x1024xf32, #tpu.memory_space<vmem>> -> memref<1x1024xf32, #tpu.memory_space<vmem>>
      %parallel_loop3A_286 = tpu.memref_squeeze %parallel_loop3A_285 : memref<1x1024xf32, #tpu.memory_space<vmem>> -> memref<1024xf32, #tpu.memory_space<vmem>>
      %parallel_loop3A_287 = tpu.vector_load_idx %parallel_loop3A_286[%parallel_loop3A_147] : memref<1024xf32, #tpu.memory_space<vmem>>[vector<16xi32>], vector<16xf32>,
      %parallel_loop3A_288 = arith.constant 26 : i32
      %parallel_loop3A_289 = arith.constant 0 : i32
      %parallel_loop3A_290 = tpu.memref_slice %arg9[%parallel_loop3A_288, %parallel_loop3A_289] : memref<32x1024xf32, #tpu.memory_space<vmem>> -> memref<1x1024xf32, #tpu.memory_space<vmem>>
      %parallel_loop3A_291 = tpu.memref_squeeze %parallel_loop3A_290 : memref<1x1024xf32, #tpu.memory_space<vmem>> -> memref<1024xf32, #tpu.memory_space<vmem>>
      %parallel_loop3A_292 = tpu.vector_load_idx %parallel_loop3A_291[%parallel_loop3A_151] : memref<1024xf32, #tpu.memory_space<vmem>>[vector<16xi32>], vector<16xf32>,
      %parallel_loop3A_293 = arith.constant 30 : i32
      %parallel_loop3A_294 = arith.constant 0 : i32
      %parallel_loop3A_295 = tpu.memref_slice %arg9[%parallel_loop3A_293, %parallel_loop3A_294] : memref<32x1024xf32, #tpu.memory_space<vmem>> -> memref<1x1024xf32, #tpu.memory_space<vmem>>
      %parallel_loop3A_296 = tpu.memref_squeeze %parallel_loop3A_295 : memref<1x1024xf32, #tpu.memory_space<vmem>> -> memref<1024xf32, #tpu.memory_space<vmem>>
      %parallel_loop3A_297 = tpu.vector_load_idx %parallel_loop3A_296[%parallel_loop3A_155] : memref<1024xf32, #tpu.memory_space<vmem>>[vector<16xi32>], vector<16xf32>,
      %parallel_loop3A_298 = arith.addf %parallel_loop3A_262, %parallel_loop3A_267 : vector<16xf32>
      %parallel_loop3A_299 = arith.addf %parallel_loop3A_272, %parallel_loop3A_277 : vector<16xf32>
      %parallel_loop3A_300 = arith.addf %parallel_loop3A_282, %parallel_loop3A_287 : vector<16xf32>
      %parallel_loop3A_301 = arith.addf %parallel_loop3A_292, %parallel_loop3A_297 : vector<16xf32>
      %parallel_loop3A_302 = arith.addf %parallel_loop3A_298, %parallel_loop3A_299 : vector<16xf32>
      %parallel_loop3A_303 = arith.addf %parallel_loop3A_300, %parallel_loop3A_301 : vector<16xf32>
      %parallel_loop3A_304 = arith.addf %parallel_loop3A_302, %parallel_loop3A_303 : vector<16xf32>
      %parallel_loop3A_305 = arith.constant 2 : i32
      %parallel_loop3A_306 = arith.index_cast %parallel_loop3A_305 : i32 to index
      %parallel_loop3A_307 = arith.index_cast %parallel_loop3A_123 : i32 to index
      %parallel_loop3A_308 = tpu.vector_load %arg11[%parallel_loop3A_306, %parallel_loop3A_307] {strides = array<i32>} : memref<4x1024xf32, #tpu.memory_space<vmem>>, vector<16xf32>,
      tpu.vector_store %arg11[%parallel_loop3A_306, %parallel_loop3A_307], %parallel_loop3A_304 {add = true, strides = array<i32>} : memref<4x1024xf32, #tpu.memory_space<vmem>>, vector<16xf32>,
      %parallel_loop3A_309 = arith.constant 3 : i32
      %parallel_loop3A_310 = arith.constant 0 : i32
      %parallel_loop3A_311 = tpu.memref_slice %arg9[%parallel_loop3A_309, %parallel_loop3A_310] : memref<32x1024xf32, #tpu.memory_space<vmem>> -> memref<1x1024xf32, #tpu.memory_space<vmem>>
      %parallel_loop3A_312 = tpu.memref_squeeze %parallel_loop3A_311 : memref<1x1024xf32, #tpu.memory_space<vmem>> -> memref<1024xf32, #tpu.memory_space<vmem>>
      %parallel_loop3A_313 = tpu.vector_load_idx %parallel_loop3A_312[%parallel_loop3A_127] : memref<1024xf32, #tpu.memory_space<vmem>>[vector<16xi32>], vector<16xf32>,
      %parallel_loop3A_314 = arith.constant 7 : i32
      %parallel_loop3A_315 = arith.constant 0 : i32
      %parallel_loop3A_316 = tpu.memref_slice %arg9[%parallel_loop3A_314, %parallel_loop3A_315] : memref<32x1024xf32, #tpu.memory_space<vmem>> -> memref<1x1024xf32, #tpu.memory_space<vmem>>
      %parallel_loop3A_317 = tpu.memref_squeeze %parallel_loop3A_316 : memref<1x1024xf32, #tpu.memory_space<vmem>> -> memref<1024xf32, #tpu.memory_space<vmem>>
      %parallel_loop3A_318 = tpu.vector_load_idx %parallel_loop3A_317[%parallel_loop3A_131] : memref<1024xf32, #tpu.memory_space<vmem>>[vector<16xi32>], vector<16xf32>,
      %parallel_loop3A_319 = arith.constant 11 : i32
      %parallel_loop3A_320 = arith.constant 0 : i32
      %parallel_loop3A_321 = tpu.memref_slice %arg9[%parallel_loop3A_319, %parallel_loop3A_320] : memref<32x1024xf32, #tpu.memory_space<vmem>> -> memref<1x1024xf32, #tpu.memory_space<vmem>>
      %parallel_loop3A_322 = tpu.memref_squeeze %parallel_loop3A_321 : memref<1x1024xf32, #tpu.memory_space<vmem>> -> memref<1024xf32, #tpu.memory_space<vmem>>
      %parallel_loop3A_323 = tpu.vector_load_idx %parallel_loop3A_322[%parallel_loop3A_135] : memref<1024xf32, #tpu.memory_space<vmem>>[vector<16xi32>], vector<16xf32>,
      %parallel_loop3A_324 = arith.constant 15 : i32
      %parallel_loop3A_325 = arith.constant 0 : i32
      %parallel_loop3A_326 = tpu.memref_slice %arg9[%parallel_loop3A_324, %parallel_loop3A_325] : memref<32x1024xf32, #tpu.memory_space<vmem>> -> memref<1x1024xf32, #tpu.memory_space<vmem>>
      %parallel_loop3A_327 = tpu.memref_squeeze %parallel_loop3A_326 : memref<1x1024xf32, #tpu.memory_space<vmem>> -> memref<1024xf32, #tpu.memory_space<vmem>>
      %parallel_loop3A_328 = tpu.vector_load_idx %parallel_loop3A_327[%parallel_loop3A_139] : memref<1024xf32, #tpu.memory_space<vmem>>[vector<16xi32>], vector<16xf32>,
      %parallel_loop3A_329 = arith.constant 19 : i32
      %parallel_loop3A_330 = arith.constant 0 : i32
      %parallel_loop3A_331 = tpu.memref_slice %arg9[%parallel_loop3A_329, %parallel_loop3A_330] : memref<32x1024xf32, #tpu.memory_space<vmem>> -> memref<1x1024xf32, #tpu.memory_space<vmem>>
      %parallel_loop3A_332 = tpu.memref_squeeze %parallel_loop3A_331 : memref<1x1024xf32, #tpu.memory_space<vmem>> -> memref<1024xf32, #tpu.memory_space<vmem>>
      %parallel_loop3A_333 = tpu.vector_load_idx %parallel_loop3A_332[%parallel_loop3A_143] : memref<1024xf32, #tpu.memory_space<vmem>>[vector<16xi32>], vector<16xf32>,
      %parallel_loop3A_334 = arith.constant 23 : i32
      %parallel_loop3A_335 = arith.constant 0 : i32
      %parallel_loop3A_336 = tpu.memref_slice %arg9[%parallel_loop3A_334, %parallel_loop3A_335] : memref<32x1024xf32, #tpu.memory_space<vmem>> -> memref<1x1024xf32, #tpu.memory_space<vmem>>
      %parallel_loop3A_337 = tpu.memref_squeeze %parallel_loop3A_336 : memref<1x1024xf32, #tpu.memory_space<vmem>> -> memref<1024xf32, #tpu.memory_space<vmem>>
      %parallel_loop3A_338 = tpu.vector_load_idx %parallel_loop3A_337[%parallel_loop3A_147] : memref<1024xf32, #tpu.memory_space<vmem>>[vector<16xi32>], vector<16xf32>,
      %parallel_loop3A_339 = arith.constant 27 : i32
      %parallel_loop3A_340 = arith.constant 0 : i32
      %parallel_loop3A_341 = tpu.memref_slice %arg9[%parallel_loop3A_339, %parallel_loop3A_340] : memref<32x1024xf32, #tpu.memory_space<vmem>> -> memref<1x1024xf32, #tpu.memory_space<vmem>>
      %parallel_loop3A_342 = tpu.memref_squeeze %parallel_loop3A_341 : memref<1x1024xf32, #tpu.memory_space<vmem>> -> memref<1024xf32, #tpu.memory_space<vmem>>
      %parallel_loop3A_343 = tpu.vector_load_idx %parallel_loop3A_342[%parallel_loop3A_151] : memref<1024xf32, #tpu.memory_space<vmem>>[vector<16xi32>], vector<16xf32>,
      %parallel_loop3A_344 = arith.constant 31 : i32
      %parallel_loop3A_345 = arith.constant 0 : i32
      %parallel_loop3A_346 = tpu.memref_slice %arg9[%parallel_loop3A_344, %parallel_loop3A_345] : memref<32x1024xf32, #tpu.memory_space<vmem>> -> memref<1x1024xf32, #tpu.memory_space<vmem>>
      %parallel_loop3A_347 = tpu.memref_squeeze %parallel_loop3A_346 : memref<1x1024xf32, #tpu.memory_space<vmem>> -> memref<1024xf32, #tpu.memory_space<vmem>>
      %parallel_loop3A_348 = tpu.vector_load_idx %parallel_loop3A_347[%parallel_loop3A_155] : memref<1024xf32, #tpu.memory_space<vmem>>[vector<16xi32>], vector<16xf32>,
      %parallel_loop3A_349 = arith.addf %parallel_loop3A_313, %parallel_loop3A_318 : vector<16xf32>
      %parallel_loop3A_350 = arith.addf %parallel_loop3A_323, %parallel_loop3A_328 : vector<16xf32>
      %parallel_loop3A_351 = arith.addf %parallel_loop3A_333, %parallel_loop3A_338 : vector<16xf32>
      %parallel_loop3A_352 = arith.addf %parallel_loop3A_343, %parallel_loop3A_348 : vector<16xf32>
      %parallel_loop3A_353 = arith.addf %parallel_loop3A_349, %parallel_loop3A_350 : vector<16xf32>
      %parallel_loop3A_354 = arith.addf %parallel_loop3A_351, %parallel_loop3A_352 : vector<16xf32>
      %parallel_loop3A_355 = arith.addf %parallel_loop3A_353, %parallel_loop3A_354 : vector<16xf32>
      %parallel_loop3A_356 = arith.constant 3 : i32
      %parallel_loop3A_357 = arith.index_cast %parallel_loop3A_356 : i32 to index
      %parallel_loop3A_358 = arith.index_cast %parallel_loop3A_123 : i32 to index
      %parallel_loop3A_359 = tpu.vector_load %arg11[%parallel_loop3A_357, %parallel_loop3A_358] {strides = array<i32>} : memref<4x1024xf32, #tpu.memory_space<vmem>>, vector<16xf32>,
      tpu.vector_store %arg11[%parallel_loop3A_357, %parallel_loop3A_358], %parallel_loop3A_355 {add = true, strides = array<i32>} : memref<4x1024xf32, #tpu.memory_space<vmem>>, vector<16xf32>,
    } {sc.loop_unroll_factor = 2 : i64, sc.parallel_access}
    %dma_wait3A_107 = arith.constant 0 : i32
    %dma_wait3A_108 = arith.constant 0 : i32
    %dma_wait3A_109 = tpu.memref_slice %arg3[%dma_wait3A_107, %dma_wait3A_108] : memref<256x1024xi32, #tpu.memory_space<hbm>> -> memref<8x1024xi32, #tpu.memory_space<hbm>>
    %dma_wait3A_110 = arith.constant 0 : i32
    %dma_wait3A_111 = arith.constant 0 : i32
    %dma_wait3A_112 = tpu.memref_slice %arg3[%dma_wait3A_110, %dma_wait3A_111] : memref<256x1024xi32, #tpu.memory_space<hbm>> -> memref<8x1024xi32, #tpu.memory_space<hbm>>
    tpu.wait_dma2 semaphore(%arg13 : memref<!tpu.dma_semaphore, #tpu.memory_space<semaphore_mem>>) src(%dma_wait3A_112 : memref<8x1024xi32, #tpu.memory_space<hbm>>) dst(%arg8 : memref<8x1024xi32, #tpu.memory_space<vmem>>)
    %dma_wait3A_113 = arith.constant 0 : i32
    %dma_wait3A_114 = tpu.memref_slice %arg6[%dma_wait3A_113] : memref<1024xi32, #tpu.memory_space<vmem>> -> memref<32xi32, #tpu.memory_space<vmem>>
    %dma_wait3A_115 = arith.constant 0 : i32
    %dma_wait3A_116 = arith.constant 0 : i32
    %dma_wait3A_117 = tpu.memref_slice %arg2[%dma_wait3A_115, %dma_wait3A_116] : memref<1024x1024xf32, #tpu.memory_space<hbm>> -> memref<1024x1024xf32, #tpu.memory_space<hbm>>
    tpu.wait_indirect_dma semaphore(%arg15 : memref<!tpu.dma_semaphore, #tpu.memory_space<semaphore_mem>>) src(%dma_wait3A_117 : memref<1024x1024xf32, #tpu.memory_space<hbm>>) dst(%arg10 : memref<32x1024xf32, #tpu.memory_space<vmem>>)
    %parallel_loop3A_118 = arith.constant 0 : i32
    %parallel_loop3A_119 = arith.constant 64 : i32
    %parallel_loop3A_120 = arith.constant 1 : i32
    scf.for %parallel_loop3A_121 = %parallel_loop3A_118 to %parallel_loop3A_119 step %parallel_loop3A_120  : i32 {
      %parallel_loop3A_122 = arith.constant 16 : i32
      %parallel_loop3A_123 = arith.muli %parallel_loop3A_121, %parallel_loop3A_122 : i32
      %parallel_loop3A_124 = arith.constant 0 : i32
      %parallel_loop3A_125 = arith.index_cast %parallel_loop3A_124 : i32 to index
      %parallel_loop3A_126 = arith.index_cast %parallel_loop3A_123 : i32 to index
      %parallel_loop3A_127 = tpu.vector_load %arg8[%parallel_loop3A_125, %parallel_loop3A_126] {strides = array<i32>} : memref<8x1024xi32, #tpu.memory_space<vmem>>, vector<16xi32>,
      %parallel_loop3A_128 = arith.constant 1 : i32
      %parallel_loop3A_129 = arith.index_cast %parallel_loop3A_128 : i32 to index
      %parallel_loop3A_130 = arith.index_cast %parallel_loop3A_123 : i32 to index
      %parallel_loop3A_131 = tpu.vector_load %arg8[%parallel_loop3A_129, %parallel_loop3A_130] {strides = array<i32>} : memref<8x1024xi32, #tpu.memory_space<vmem>>, vector<16xi32>,
      %parallel_loop3A_132 = arith.constant 2 : i32
      %parallel_loop3A_133 = arith.index_cast %parallel_loop3A_132 : i32 to index
      %parallel_loop3A_134 = arith.index_cast %parallel_loop3A_123 : i32 to index
      %parallel_loop3A_135 = tpu.vector_load %arg8[%parallel_loop3A_133, %parallel_loop3A_134] {strides = array<i32>} : memref<8x1024xi32, #tpu.memory_space<vmem>>, vector<16xi32>,
      %parallel_loop3A_136 = arith.constant 3 : i32
      %parallel_loop3A_137 = arith.index_cast %parallel_loop3A_136 : i32 to index
      %parallel_loop3A_138 = arith.index_cast %parallel_loop3A_123 : i32 to index
      %parallel_loop3A_139 = tpu.vector_load %arg8[%parallel_loop3A_137, %parallel_loop3A_138] {strides = array<i32>} : memref<8x1024xi32, #tpu.memory_space<vmem>>, vector<16xi32>,
      %parallel_loop3A_140 = arith.constant 4 : i32
      %parallel_loop3A_141 = arith.index_cast %parallel_loop3A_140 : i32 to index
      %parallel_loop3A_142 = arith.index_cast %parallel_loop3A_123 : i32 to index
      %parallel_loop3A_143 = tpu.vector_load %arg8[%parallel_loop3A_141, %parallel_loop3A_142] {strides = array<i32>} : memref<8x1024xi32, #tpu.memory_space<vmem>>, vector<16xi32>,
      %parallel_loop3A_144 = arith.constant 5 : i32
      %parallel_loop3A_145 = arith.index_cast %parallel_loop3A_144 : i32 to index
      %parallel_loop3A_146 = arith.index_cast %parallel_loop3A_123 : i32 to index
      %parallel_loop3A_147 = tpu.vector_load %arg8[%parallel_loop3A_145, %parallel_loop3A_146] {strides = array<i32>} : memref<8x1024xi32, #tpu.memory_space<vmem>>, vector<16xi32>,
      %parallel_loop3A_148 = arith.constant 6 : i32
      %parallel_loop3A_149 = arith.index_cast %parallel_loop3A_148 : i32 to index
      %parallel_loop3A_150 = arith.index_cast %parallel_loop3A_123 : i32 to index
      %parallel_loop3A_151 = tpu.vector_load %arg8[%parallel_loop3A_149, %parallel_loop3A_150] {strides = array<i32>} : memref<8x1024xi32, #tpu.memory_space<vmem>>, vector<16xi32>,
      %parallel_loop3A_152 = arith.constant 7 : i32
      %parallel_loop3A_153 = arith.index_cast %parallel_loop3A_152 : i32 to index
      %parallel_loop3A_154 = arith.index_cast %parallel_loop3A_123 : i32 to index
      %parallel_loop3A_155 = tpu.vector_load %arg8[%parallel_loop3A_153, %parallel_loop3A_154] {strides = array<i32>} : memref<8x1024xi32, #tpu.memory_space<vmem>>, vector<16xi32>,
      %parallel_loop3A_156 = arith.constant 0 : i32
      %parallel_loop3A_157 = arith.constant 0 : i32
      %parallel_loop3A_158 = tpu.memref_slice %arg10[%parallel_loop3A_156, %parallel_loop3A_157] : memref<32x1024xf32, #tpu.memory_space<vmem>> -> memref<1x1024xf32, #tpu.memory_space<vmem>>
      %parallel_loop3A_159 = tpu.memref_squeeze %parallel_loop3A_158 : memref<1x1024xf32, #tpu.memory_space<vmem>> -> memref<1024xf32, #tpu.memory_space<vmem>>
      %parallel_loop3A_160 = tpu.vector_load_idx %parallel_loop3A_159[%parallel_loop3A_127] : memref<1024xf32, #tpu.memory_space<vmem>>[vector<16xi32>], vector<16xf32>,
      %parallel_loop3A_161 = arith.constant 4 : i32
      %parallel_loop3A_162 = arith.constant 0 : i32
      %parallel_loop3A_163 = tpu.memref_slice %arg10[%parallel_loop3A_161, %parallel_loop3A_162] : memref<32x1024xf32, #tpu.memory_space<vmem>> -> memref<1x1024xf32, #tpu.memory_space<vmem>>
      %parallel_loop3A_164 = tpu.memref_squeeze %parallel_loop3A_163 : memref<1x1024xf32, #tpu.memory_space<vmem>> -> memref<1024xf32, #tpu.memory_space<vmem>>
      %parallel_loop3A_165 = tpu.vector_load_idx %parallel_loop3A_164[%parallel_loop3A_131] : memref<1024xf32, #tpu.memory_space<vmem>>[vector<16xi32>], vector<16xf32>,
      %parallel_loop3A_166 = arith.constant 8 : i32
      %parallel_loop3A_167 = arith.constant 0 : i32
      %parallel_loop3A_168 = tpu.memref_slice %arg10[%parallel_loop3A_166, %parallel_loop3A_167] : memref<32x1024xf32, #tpu.memory_space<vmem>> -> memref<1x1024xf32, #tpu.memory_space<vmem>>
      %parallel_loop3A_169 = tpu.memref_squeeze %parallel_loop3A_168 : memref<1x1024xf32, #tpu.memory_space<vmem>> -> memref<1024xf32, #tpu.memory_space<vmem>>
      %parallel_loop3A_170 = tpu.vector_load_idx %parallel_loop3A_169[%parallel_loop3A_135] : memref<1024xf32, #tpu.memory_space<vmem>>[vector<16xi32>], vector<16xf32>,
      %parallel_loop3A_171 = arith.constant 12 : i32
      %parallel_loop3A_172 = arith.constant 0 : i32
      %parallel_loop3A_173 = tpu.memref_slice %arg10[%parallel_loop3A_171, %parallel_loop3A_172] : memref<32x1024xf32, #tpu.memory_space<vmem>> -> memref<1x1024xf32, #tpu.memory_space<vmem>>
      %parallel_loop3A_174 = tpu.memref_squeeze %parallel_loop3A_173 : memref<1x1024xf32, #tpu.memory_space<vmem>> -> memref<1024xf32, #tpu.memory_space<vmem>>
      %parallel_loop3A_175 = tpu.vector_load_idx %parallel_loop3A_174[%parallel_loop3A_139] : memref<1024xf32, #tpu.memory_space<vmem>>[vector<16xi32>], vector<16xf32>,
      %parallel_loop3A_176 = arith.constant 16 : i32
      %parallel_loop3A_177 = arith.constant 0 : i32
      %parallel_loop3A_178 = tpu.memref_slice %arg10[%parallel_loop3A_176, %parallel_loop3A_177] : memref<32x1024xf32, #tpu.memory_space<vmem>> -> memref<1x1024xf32, #tpu.memory_space<vmem>>
      %parallel_loop3A_179 = tpu.memref_squeeze %parallel_loop3A_178 : memref<1x1024xf32, #tpu.memory_space<vmem>> -> memref<1024xf32, #tpu.memory_space<vmem>>
      %parallel_loop3A_180 = tpu.vector_load_idx %parallel_loop3A_179[%parallel_loop3A_143] : memref<1024xf32, #tpu.memory_space<vmem>>[vector<16xi32>], vector<16xf32>,
      %parallel_loop3A_181 = arith.constant 20 : i32
      %parallel_loop3A_182 = arith.constant 0 : i32
      %parallel_loop3A_183 = tpu.memref_slice %arg10[%parallel_loop3A_181, %parallel_loop3A_182] : memref<32x1024xf32, #tpu.memory_space<vmem>> -> memref<1x1024xf32, #tpu.memory_space<vmem>>
      %parallel_loop3A_184 = tpu.memref_squeeze %parallel_loop3A_183 : memref<1x1024xf32, #tpu.memory_space<vmem>> -> memref<1024xf32, #tpu.memory_space<vmem>>
      %parallel_loop3A_185 = tpu.vector_load_idx %parallel_loop3A_184[%parallel_loop3A_147] : memref<1024xf32, #tpu.memory_space<vmem>>[vector<16xi32>], vector<16xf32>,
      %parallel_loop3A_186 = arith.constant 24 : i32
      %parallel_loop3A_187 = arith.constant 0 : i32
      %parallel_loop3A_188 = tpu.memref_slice %arg10[%parallel_loop3A_186, %parallel_loop3A_187] : memref<32x1024xf32, #tpu.memory_space<vmem>> -> memref<1x1024xf32, #tpu.memory_space<vmem>>
      %parallel_loop3A_189 = tpu.memref_squeeze %parallel_loop3A_188 : memref<1x1024xf32, #tpu.memory_space<vmem>> -> memref<1024xf32, #tpu.memory_space<vmem>>
      %parallel_loop3A_190 = tpu.vector_load_idx %parallel_loop3A_189[%parallel_loop3A_151] : memref<1024xf32, #tpu.memory_space<vmem>>[vector<16xi32>], vector<16xf32>,
      %parallel_loop3A_191 = arith.constant 28 : i32
      %parallel_loop3A_192 = arith.constant 0 : i32
      %parallel_loop3A_193 = tpu.memref_slice %arg10[%parallel_loop3A_191, %parallel_loop3A_192] : memref<32x1024xf32, #tpu.memory_space<vmem>> -> memref<1x1024xf32, #tpu.memory_space<vmem>>
      %parallel_loop3A_194 = tpu.memref_squeeze %parallel_loop3A_193 : memref<1x1024xf32, #tpu.memory_space<vmem>> -> memref<1024xf32, #tpu.memory_space<vmem>>
      %parallel_loop3A_195 = tpu.vector_load_idx %parallel_loop3A_194[%parallel_loop3A_155] : memref<1024xf32, #tpu.memory_space<vmem>>[vector<16xi32>], vector<16xf32>,
      %parallel_loop3A_196 = arith.addf %parallel_loop3A_160, %parallel_loop3A_165 : vector<16xf32>
      %parallel_loop3A_197 = arith.addf %parallel_loop3A_170, %parallel_loop3A_175 : vector<16xf32>
      %parallel_loop3A_198 = arith.addf %parallel_loop3A_180, %parallel_loop3A_185 : vector<16xf32>
      %parallel_loop3A_199 = arith.addf %parallel_loop3A_190, %parallel_loop3A_195 : vector<16xf32>
      %parallel_loop3A_200 = arith.addf %parallel_loop3A_196, %parallel_loop3A_197 : vector<16xf32>
      %parallel_loop3A_201 = arith.addf %parallel_loop3A_198, %parallel_loop3A_199 : vector<16xf32>
      %parallel_loop3A_202 = arith.addf %parallel_loop3A_200, %parallel_loop3A_201 : vector<16xf32>
      %parallel_loop3A_203 = arith.constant 0 : i32
      %parallel_loop3A_204 = arith.index_cast %parallel_loop3A_203 : i32 to index
      %parallel_loop3A_205 = arith.index_cast %parallel_loop3A_123 : i32 to index
      %parallel_loop3A_206 = tpu.vector_load %arg11[%parallel_loop3A_204, %parallel_loop3A_205] {strides = array<i32>} : memref<4x1024xf32, #tpu.memory_space<vmem>>, vector<16xf32>,
      tpu.vector_store %arg11[%parallel_loop3A_204, %parallel_loop3A_205], %parallel_loop3A_202 {add = true, strides = array<i32>} : memref<4x1024xf32, #tpu.memory_space<vmem>>, vector<16xf32>,
      %parallel_loop3A_207 = arith.constant 1 : i32
      %parallel_loop3A_208 = arith.constant 0 : i32
      %parallel_loop3A_209 = tpu.memref_slice %arg10[%parallel_loop3A_207, %parallel_loop3A_208] : memref<32x1024xf32, #tpu.memory_space<vmem>> -> memref<1x1024xf32, #tpu.memory_space<vmem>>
      %parallel_loop3A_210 = tpu.memref_squeeze %parallel_loop3A_209 : memref<1x1024xf32, #tpu.memory_space<vmem>> -> memref<1024xf32, #tpu.memory_space<vmem>>
      %parallel_loop3A_211 = tpu.vector_load_idx %parallel_loop3A_210[%parallel_loop3A_127] : memref<1024xf32, #tpu.memory_space<vmem>>[vector<16xi32>], vector<16xf32>,
      %parallel_loop3A_212 = arith.constant 5 : i32
      %parallel_loop3A_213 = arith.constant 0 : i32
      %parallel_loop3A_214 = tpu.memref_slice %arg10[%parallel_loop3A_212, %parallel_loop3A_213] : memref<32x1024xf32, #tpu.memory_space<vmem>> -> memref<1x1024xf32, #tpu.memory_space<vmem>>
      %parallel_loop3A_215 = tpu.memref_squeeze %parallel_loop3A_214 : memref<1x1024xf32, #tpu.memory_space<vmem>> -> memref<1024xf32, #tpu.memory_space<vmem>>
      %parallel_loop3A_216 = tpu.vector_load_idx %parallel_loop3A_215[%parallel_loop3A_131] : memref<1024xf32, #tpu.memory_space<vmem>>[vector<16xi32>], vector<16xf32>,
      %parallel_loop3A_217 = arith.constant 9 : i32
      %parallel_loop3A_218 = arith.constant 0 : i32
      %parallel_loop3A_219 = tpu.memref_slice %arg10[%parallel_loop3A_217, %parallel_loop3A_218] : memref<32x1024xf32, #tpu.memory_space<vmem>> -> memref<1x1024xf32, #tpu.memory_space<vmem>>
      %parallel_loop3A_220 = tpu.memref_squeeze %parallel_loop3A_219 : memref<1x1024xf32, #tpu.memory_space<vmem>> -> memref<1024xf32, #tpu.memory_space<vmem>>
      %parallel_loop3A_221 = tpu.vector_load_idx %parallel_loop3A_220[%parallel_loop3A_135] : memref<1024xf32, #tpu.memory_space<vmem>>[vector<16xi32>], vector<16xf32>,
      %parallel_loop3A_222 = arith.constant 13 : i32
      %parallel_loop3A_223 = arith.constant 0 : i32
      %parallel_loop3A_224 = tpu.memref_slice %arg10[%parallel_loop3A_222, %parallel_loop3A_223] : memref<32x1024xf32, #tpu.memory_space<vmem>> -> memref<1x1024xf32, #tpu.memory_space<vmem>>
      %parallel_loop3A_225 = tpu.memref_squeeze %parallel_loop3A_224 : memref<1x1024xf32, #tpu.memory_space<vmem>> -> memref<1024xf32, #tpu.memory_space<vmem>>
      %parallel_loop3A_226 = tpu.vector_load_idx %parallel_loop3A_225[%parallel_loop3A_139] : memref<1024xf32, #tpu.memory_space<vmem>>[vector<16xi32>], vector<16xf32>,
      %parallel_loop3A_227 = arith.constant 17 : i32
      %parallel_loop3A_228 = arith.constant 0 : i32
      %parallel_loop3A_229 = tpu.memref_slice %arg10[%parallel_loop3A_227, %parallel_loop3A_228] : memref<32x1024xf32, #tpu.memory_space<vmem>> -> memref<1x1024xf32, #tpu.memory_space<vmem>>
      %parallel_loop3A_230 = tpu.memref_squeeze %parallel_loop3A_229 : memref<1x1024xf32, #tpu.memory_space<vmem>> -> memref<1024xf32, #tpu.memory_space<vmem>>
      %parallel_loop3A_231 = tpu.vector_load_idx %parallel_loop3A_230[%parallel_loop3A_143] : memref<1024xf32, #tpu.memory_space<vmem>>[vector<16xi32>], vector<16xf32>,
      %parallel_loop3A_232 = arith.constant 21 : i32
      %parallel_loop3A_233 = arith.constant 0 : i32
      %parallel_loop3A_234 = tpu.memref_slice %arg10[%parallel_loop3A_232, %parallel_loop3A_233] : memref<32x1024xf32, #tpu.memory_space<vmem>> -> memref<1x1024xf32, #tpu.memory_space<vmem>>
      %parallel_loop3A_235 = tpu.memref_squeeze %parallel_loop3A_234 : memref<1x1024xf32, #tpu.memory_space<vmem>> -> memref<1024xf32, #tpu.memory_space<vmem>>
      %parallel_loop3A_236 = tpu.vector_load_idx %parallel_loop3A_235[%parallel_loop3A_147] : memref<1024xf32, #tpu.memory_space<vmem>>[vector<16xi32>], vector<16xf32>,
      %parallel_loop3A_237 = arith.constant 25 : i32
      %parallel_loop3A_238 = arith.constant 0 : i32
      %parallel_loop3A_239 = tpu.memref_slice %arg10[%parallel_loop3A_237, %parallel_loop3A_238] : memref<32x1024xf32, #tpu.memory_space<vmem>> -> memref<1x1024xf32, #tpu.memory_space<vmem>>
      %parallel_loop3A_240 = tpu.memref_squeeze %parallel_loop3A_239 : memref<1x1024xf32, #tpu.memory_space<vmem>> -> memref<1024xf32, #tpu.memory_space<vmem>>
      %parallel_loop3A_241 = tpu.vector_load_idx %parallel_loop3A_240[%parallel_loop3A_151] : memref<1024xf32, #tpu.memory_space<vmem>>[vector<16xi32>], vector<16xf32>,
      %parallel_loop3A_242 = arith.constant 29 : i32
      %parallel_loop3A_243 = arith.constant 0 : i32
      %parallel_loop3A_244 = tpu.memref_slice %arg10[%parallel_loop3A_242, %parallel_loop3A_243] : memref<32x1024xf32, #tpu.memory_space<vmem>> -> memref<1x1024xf32, #tpu.memory_space<vmem>>
      %parallel_loop3A_245 = tpu.memref_squeeze %parallel_loop3A_244 : memref<1x1024xf32, #tpu.memory_space<vmem>> -> memref<1024xf32, #tpu.memory_space<vmem>>
      %parallel_loop3A_246 = tpu.vector_load_idx %parallel_loop3A_245[%parallel_loop3A_155] : memref<1024xf32, #tpu.memory_space<vmem>>[vector<16xi32>], vector<16xf32>,
      %parallel_loop3A_247 = arith.addf %parallel_loop3A_211, %parallel_loop3A_216 : vector<16xf32>
      %parallel_loop3A_248 = arith.addf %parallel_loop3A_221, %parallel_loop3A_226 : vector<16xf32>
      %parallel_loop3A_249 = arith.addf %parallel_loop3A_231, %parallel_loop3A_236 : vector<16xf32>
      %parallel_loop3A_250 = arith.addf %parallel_loop3A_241, %parallel_loop3A_246 : vector<16xf32>
      %parallel_loop3A_251 = arith.addf %parallel_loop3A_247, %parallel_loop3A_248 : vector<16xf32>
      %parallel_loop3A_252 = arith.addf %parallel_loop3A_249, %parallel_loop3A_250 : vector<16xf32>
      %parallel_loop3A_253 = arith.addf %parallel_loop3A_251, %parallel_loop3A_252 : vector<16xf32>
      %parallel_loop3A_254 = arith.constant 1 : i32
      %parallel_loop3A_255 = arith.index_cast %parallel_loop3A_254 : i32 to index
      %parallel_loop3A_256 = arith.index_cast %parallel_loop3A_123 : i32 to index
      %parallel_loop3A_257 = tpu.vector_load %arg11[%parallel_loop3A_255, %parallel_loop3A_256] {strides = array<i32>} : memref<4x1024xf32, #tpu.memory_space<vmem>>, vector<16xf32>,
      tpu.vector_store %arg11[%parallel_loop3A_255, %parallel_loop3A_256], %parallel_loop3A_253 {add = true, strides = array<i32>} : memref<4x1024xf32, #tpu.memory_space<vmem>>, vector<16xf32>,
      %parallel_loop3A_258 = arith.constant 2 : i32
      %parallel_loop3A_259 = arith.constant 0 : i32
      %parallel_loop3A_260 = tpu.memref_slice %arg10[%parallel_loop3A_258, %parallel_loop3A_259] : memref<32x1024xf32, #tpu.memory_space<vmem>> -> memref<1x1024xf32, #tpu.memory_space<vmem>>
      %parallel_loop3A_261 = tpu.memref_squeeze %parallel_loop3A_260 : memref<1x1024xf32, #tpu.memory_space<vmem>> -> memref<1024xf32, #tpu.memory_space<vmem>>
      %parallel_loop3A_262 = tpu.vector_load_idx %parallel_loop3A_261[%parallel_loop3A_127] : memref<1024xf32, #tpu.memory_space<vmem>>[vector<16xi32>], vector<16xf32>,
      %parallel_loop3A_263 = arith.constant 6 : i32
      %parallel_loop3A_264 = arith.constant 0 : i32
      %parallel_loop3A_265 = tpu.memref_slice %arg10[%parallel_loop3A_263, %parallel_loop3A_264] : memref<32x1024xf32, #tpu.memory_space<vmem>> -> memref<1x1024xf32, #tpu.memory_space<vmem>>
      %parallel_loop3A_266 = tpu.memref_squeeze %parallel_loop3A_265 : memref<1x1024xf32, #tpu.memory_space<vmem>> -> memref<1024xf32, #tpu.memory_space<vmem>>
      %parallel_loop3A_267 = tpu.vector_load_idx %parallel_loop3A_266[%parallel_loop3A_131] : memref<1024xf32, #tpu.memory_space<vmem>>[vector<16xi32>], vector<16xf32>,
      %parallel_loop3A_268 = arith.constant 10 : i32
      %parallel_loop3A_269 = arith.constant 0 : i32
      %parallel_loop3A_270 = tpu.memref_slice %arg10[%parallel_loop3A_268, %parallel_loop3A_269] : memref<32x1024xf32, #tpu.memory_space<vmem>> -> memref<1x1024xf32, #tpu.memory_space<vmem>>
      %parallel_loop3A_271 = tpu.memref_squeeze %parallel_loop3A_270 : memref<1x1024xf32, #tpu.memory_space<vmem>> -> memref<1024xf32, #tpu.memory_space<vmem>>
      %parallel_loop3A_272 = tpu.vector_load_idx %parallel_loop3A_271[%parallel_loop3A_135] : memref<1024xf32, #tpu.memory_space<vmem>>[vector<16xi32>], vector<16xf32>,
      %parallel_loop3A_273 = arith.constant 14 : i32
      %parallel_loop3A_274 = arith.constant 0 : i32
      %parallel_loop3A_275 = tpu.memref_slice %arg10[%parallel_loop3A_273, %parallel_loop3A_274] : memref<32x1024xf32, #tpu.memory_space<vmem>> -> memref<1x1024xf32, #tpu.memory_space<vmem>>
      %parallel_loop3A_276 = tpu.memref_squeeze %parallel_loop3A_275 : memref<1x1024xf32, #tpu.memory_space<vmem>> -> memref<1024xf32, #tpu.memory_space<vmem>>
      %parallel_loop3A_277 = tpu.vector_load_idx %parallel_loop3A_276[%parallel_loop3A_139] : memref<1024xf32, #tpu.memory_space<vmem>>[vector<16xi32>], vector<16xf32>,
      %parallel_loop3A_278 = arith.constant 18 : i32
      %parallel_loop3A_279 = arith.constant 0 : i32
      %parallel_loop3A_280 = tpu.memref_slice %arg10[%parallel_loop3A_278, %parallel_loop3A_279] : memref<32x1024xf32, #tpu.memory_space<vmem>> -> memref<1x1024xf32, #tpu.memory_space<vmem>>
      %parallel_loop3A_281 = tpu.memref_squeeze %parallel_loop3A_280 : memref<1x1024xf32, #tpu.memory_space<vmem>> -> memref<1024xf32, #tpu.memory_space<vmem>>
      %parallel_loop3A_282 = tpu.vector_load_idx %parallel_loop3A_281[%parallel_loop3A_143] : memref<1024xf32, #tpu.memory_space<vmem>>[vector<16xi32>], vector<16xf32>,
      %parallel_loop3A_283 = arith.constant 22 : i32
      %parallel_loop3A_284 = arith.constant 0 : i32
      %parallel_loop3A_285 = tpu.memref_slice %arg10[%parallel_loop3A_283, %parallel_loop3A_284] : memref<32x1024xf32, #tpu.memory_space<vmem>> -> memref<1x1024xf32, #tpu.memory_space<vmem>>
      %parallel_loop3A_286 = tpu.memref_squeeze %parallel_loop3A_285 : memref<1x1024xf32, #tpu.memory_space<vmem>> -> memref<1024xf32, #tpu.memory_space<vmem>>
      %parallel_loop3A_287 = tpu.vector_load_idx %parallel_loop3A_286[%parallel_loop3A_147] : memref<1024xf32, #tpu.memory_space<vmem>>[vector<16xi32>], vector<16xf32>,
      %parallel_loop3A_288 = arith.constant 26 : i32
      %parallel_loop3A_289 = arith.constant 0 : i32
      %parallel_loop3A_290 = tpu.memref_slice %arg10[%parallel_loop3A_288, %parallel_loop3A_289] : memref<32x1024xf32, #tpu.memory_space<vmem>> -> memref<1x1024xf32, #tpu.memory_space<vmem>>
      %parallel_loop3A_291 = tpu.memref_squeeze %parallel_loop3A_290 : memref<1x1024xf32, #tpu.memory_space<vmem>> -> memref<1024xf32, #tpu.memory_space<vmem>>
      %parallel_loop3A_292 = tpu.vector_load_idx %parallel_loop3A_291[%parallel_loop3A_151] : memref<1024xf32, #tpu.memory_space<vmem>>[vector<16xi32>], vector<16xf32>,
      %parallel_loop3A_293 = arith.constant 30 : i32
      %parallel_loop3A_294 = arith.constant 0 : i32
      %parallel_loop3A_295 = tpu.memref_slice %arg10[%parallel_loop3A_293, %parallel_loop3A_294] : memref<32x1024xf32, #tpu.memory_space<vmem>> -> memref<1x1024xf32, #tpu.memory_space<vmem>>
      %parallel_loop3A_296 = tpu.memref_squeeze %parallel_loop3A_295 : memref<1x1024xf32, #tpu.memory_space<vmem>> -> memref<1024xf32, #tpu.memory_space<vmem>>
      %parallel_loop3A_297 = tpu.vector_load_idx %parallel_loop3A_296[%parallel_loop3A_155] : memref<1024xf32, #tpu.memory_space<vmem>>[vector<16xi32>], vector<16xf32>,
      %parallel_loop3A_298 = arith.addf %parallel_loop3A_262, %parallel_loop3A_267 : vector<16xf32>
      %parallel_loop3A_299 = arith.addf %parallel_loop3A_272, %parallel_loop3A_277 : vector<16xf32>
      %parallel_loop3A_300 = arith.addf %parallel_loop3A_282, %parallel_loop3A_287 : vector<16xf32>
      %parallel_loop3A_301 = arith.addf %parallel_loop3A_292, %parallel_loop3A_297 : vector<16xf32>
      %parallel_loop3A_302 = arith.addf %parallel_loop3A_298, %parallel_loop3A_299 : vector<16xf32>
      %parallel_loop3A_303 = arith.addf %parallel_loop3A_300, %parallel_loop3A_301 : vector<16xf32>
      %parallel_loop3A_304 = arith.addf %parallel_loop3A_302, %parallel_loop3A_303 : vector<16xf32>
      %parallel_loop3A_305 = arith.constant 2 : i32
      %parallel_loop3A_306 = arith.index_cast %parallel_loop3A_305 : i32 to index
      %parallel_loop3A_307 = arith.index_cast %parallel_loop3A_123 : i32 to index
      %parallel_loop3A_308 = tpu.vector_load %arg11[%parallel_loop3A_306, %parallel_loop3A_307] {strides = array<i32>} : memref<4x1024xf32, #tpu.memory_space<vmem>>, vector<16xf32>,
      tpu.vector_store %arg11[%parallel_loop3A_306, %parallel_loop3A_307], %parallel_loop3A_304 {add = true, strides = array<i32>} : memref<4x1024xf32, #tpu.memory_space<vmem>>, vector<16xf32>,
      %parallel_loop3A_309 = arith.constant 3 : i32
      %parallel_loop3A_310 = arith.constant 0 : i32
      %parallel_loop3A_311 = tpu.memref_slice %arg10[%parallel_loop3A_309, %parallel_loop3A_310] : memref<32x1024xf32, #tpu.memory_space<vmem>> -> memref<1x1024xf32, #tpu.memory_space<vmem>>
      %parallel_loop3A_312 = tpu.memref_squeeze %parallel_loop3A_311 : memref<1x1024xf32, #tpu.memory_space<vmem>> -> memref<1024xf32, #tpu.memory_space<vmem>>
      %parallel_loop3A_313 = tpu.vector_load_idx %parallel_loop3A_312[%parallel_loop3A_127] : memref<1024xf32, #tpu.memory_space<vmem>>[vector<16xi32>], vector<16xf32>,
      %parallel_loop3A_314 = arith.constant 7 : i32
      %parallel_loop3A_315 = arith.constant 0 : i32
      %parallel_loop3A_316 = tpu.memref_slice %arg10[%parallel_loop3A_314, %parallel_loop3A_315] : memref<32x1024xf32, #tpu.memory_space<vmem>> -> memref<1x1024xf32, #tpu.memory_space<vmem>>
      %parallel_loop3A_317 = tpu.memref_squeeze %parallel_loop3A_316 : memref<1x1024xf32, #tpu.memory_space<vmem>> -> memref<1024xf32, #tpu.memory_space<vmem>>
      %parallel_loop3A_318 = tpu.vector_load_idx %parallel_loop3A_317[%parallel_loop3A_131] : memref<1024xf32, #tpu.memory_space<vmem>>[vector<16xi32>], vector<16xf32>,
      %parallel_loop3A_319 = arith.constant 11 : i32
      %parallel_loop3A_320 = arith.constant 0 : i32
      %parallel_loop3A_321 = tpu.memref_slice %arg10[%parallel_loop3A_319, %parallel_loop3A_320] : memref<32x1024xf32, #tpu.memory_space<vmem>> -> memref<1x1024xf32, #tpu.memory_space<vmem>>
      %parallel_loop3A_322 = tpu.memref_squeeze %parallel_loop3A_321 : memref<1x1024xf32, #tpu.memory_space<vmem>> -> memref<1024xf32, #tpu.memory_space<vmem>>
      %parallel_loop3A_323 = tpu.vector_load_idx %parallel_loop3A_322[%parallel_loop3A_135] : memref<1024xf32, #tpu.memory_space<vmem>>[vector<16xi32>], vector<16xf32>,
      %parallel_loop3A_324 = arith.constant 15 : i32
      %parallel_loop3A_325 = arith.constant 0 : i32
      %parallel_loop3A_326 = tpu.memref_slice %arg10[%parallel_loop3A_324, %parallel_loop3A_325] : memref<32x1024xf32, #tpu.memory_space<vmem>> -> memref<1x1024xf32, #tpu.memory_space<vmem>>
      %parallel_loop3A_327 = tpu.memref_squeeze %parallel_loop3A_326 : memref<1x1024xf32, #tpu.memory_space<vmem>> -> memref<1024xf32, #tpu.memory_space<vmem>>
      %parallel_loop3A_328 = tpu.vector_load_idx %parallel_loop3A_327[%parallel_loop3A_139] : memref<1024xf32, #tpu.memory_space<vmem>>[vector<16xi32>], vector<16xf32>,
      %parallel_loop3A_329 = arith.constant 19 : i32
      %parallel_loop3A_330 = arith.constant 0 : i32
      %parallel_loop3A_331 = tpu.memref_slice %arg10[%parallel_loop3A_329, %parallel_loop3A_330] : memref<32x1024xf32, #tpu.memory_space<vmem>> -> memref<1x1024xf32, #tpu.memory_space<vmem>>
      %parallel_loop3A_332 = tpu.memref_squeeze %parallel_loop3A_331 : memref<1x1024xf32, #tpu.memory_space<vmem>> -> memref<1024xf32, #tpu.memory_space<vmem>>
      %parallel_loop3A_333 = tpu.vector_load_idx %parallel_loop3A_332[%parallel_loop3A_143] : memref<1024xf32, #tpu.memory_space<vmem>>[vector<16xi32>], vector<16xf32>,
      %parallel_loop3A_334 = arith.constant 23 : i32
      %parallel_loop3A_335 = arith.constant 0 : i32
      %parallel_loop3A_336 = tpu.memref_slice %arg10[%parallel_loop3A_334, %parallel_loop3A_335] : memref<32x1024xf32, #tpu.memory_space<vmem>> -> memref<1x1024xf32, #tpu.memory_space<vmem>>
      %parallel_loop3A_337 = tpu.memref_squeeze %parallel_loop3A_336 : memref<1x1024xf32, #tpu.memory_space<vmem>> -> memref<1024xf32, #tpu.memory_space<vmem>>
      %parallel_loop3A_338 = tpu.vector_load_idx %parallel_loop3A_337[%parallel_loop3A_147] : memref<1024xf32, #tpu.memory_space<vmem>>[vector<16xi32>], vector<16xf32>,
      %parallel_loop3A_339 = arith.constant 27 : i32
      %parallel_loop3A_340 = arith.constant 0 : i32
      %parallel_loop3A_341 = tpu.memref_slice %arg10[%parallel_loop3A_339, %parallel_loop3A_340] : memref<32x1024xf32, #tpu.memory_space<vmem>> -> memref<1x1024xf32, #tpu.memory_space<vmem>>
      %parallel_loop3A_342 = tpu.memref_squeeze %parallel_loop3A_341 : memref<1x1024xf32, #tpu.memory_space<vmem>> -> memref<1024xf32, #tpu.memory_space<vmem>>
      %parallel_loop3A_343 = tpu.vector_load_idx %parallel_loop3A_342[%parallel_loop3A_151] : memref<1024xf32, #tpu.memory_space<vmem>>[vector<16xi32>], vector<16xf32>,
      %parallel_loop3A_344 = arith.constant 31 : i32
      %parallel_loop3A_345 = arith.constant 0 : i32
      %parallel_loop3A_346 = tpu.memref_slice %arg10[%parallel_loop3A_344, %parallel_loop3A_345] : memref<32x1024xf32, #tpu.memory_space<vmem>> -> memref<1x1024xf32, #tpu.memory_space<vmem>>
      %parallel_loop3A_347 = tpu.memref_squeeze %parallel_loop3A_346 : memref<1x1024xf32, #tpu.memory_space<vmem>> -> memref<1024xf32, #tpu.memory_space<vmem>>
      %parallel_loop3A_348 = tpu.vector_load_idx %parallel_loop3A_347[%parallel_loop3A_155] : memref<1024xf32, #tpu.memory_space<vmem>>[vector<16xi32>], vector<16xf32>,
      %parallel_loop3A_349 = arith.addf %parallel_loop3A_313, %parallel_loop3A_318 : vector<16xf32>
      %parallel_loop3A_350 = arith.addf %parallel_loop3A_323, %parallel_loop3A_328 : vector<16xf32>
      %parallel_loop3A_351 = arith.addf %parallel_loop3A_333, %parallel_loop3A_338 : vector<16xf32>
      %parallel_loop3A_352 = arith.addf %parallel_loop3A_343, %parallel_loop3A_348 : vector<16xf32>
      %parallel_loop3A_353 = arith.addf %parallel_loop3A_349, %parallel_loop3A_350 : vector<16xf32>
      %parallel_loop3A_354 = arith.addf %parallel_loop3A_351, %parallel_loop3A_352 : vector<16xf32>
      %parallel_loop3A_355 = arith.addf %parallel_loop3A_353, %parallel_loop3A_354 : vector<16xf32>
      %parallel_loop3A_356 = arith.constant 3 : i32
      %parallel_loop3A_357 = arith.index_cast %parallel_loop3A_356 : i32 to index
      %parallel_loop3A_358 = arith.index_cast %parallel_loop3A_123 : i32 to index
      %parallel_loop3A_359 = tpu.vector_load %arg11[%parallel_loop3A_357, %parallel_loop3A_358] {strides = array<i32>} : memref<4x1024xf32, #tpu.memory_space<vmem>>, vector<16xf32>,
      tpu.vector_store %arg11[%parallel_loop3A_357, %parallel_loop3A_358], %parallel_loop3A_355 {add = true, strides = array<i32>} : memref<4x1024xf32, #tpu.memory_space<vmem>>, vector<16xf32>,
    } {sc.loop_unroll_factor = 2 : i64, sc.parallel_access}
    "tpu.region"() ({
      %run_scoped3A = tpu.sem_alloc : memref<!tpu.dma_semaphore, #tpu.memory_space<semaphore_mem>>
      %dma_start3A_121 = arith.constant 0 : i32
      %dma_start3A_122 = arith.constant 0 : i32
      %dma_start3A_123 = tpu.memref_slice %arg5[%add3A, %dma_start3A_121, %dma_start3A_122] : memref<32x4x1024xf32, #tpu.memory_space<hbm>> -> memref<1x4x1024xf32, #tpu.memory_space<hbm>>
      %dma_start3A_124 = tpu.memref_squeeze %dma_start3A_123 : memref<1x4x1024xf32, #tpu.memory_space<hbm>> -> memref<4x1024xf32, #tpu.memory_space<hbm>>
      %dma_start3A_125 = arith.constant 0 : i32
      %dma_start3A_126 = arith.constant 0 : i32
      %dma_start3A_127 = tpu.memref_slice %arg5[%add3A, %dma_start3A_125, %dma_start3A_126] : memref<32x4x1024xf32, #tpu.memory_space<hbm>> -> memref<1x4x1024xf32, #tpu.memory_space<hbm>>
      %dma_start3A_128 = tpu.memref_squeeze %dma_start3A_127 : memref<1x4x1024xf32, #tpu.memory_space<hbm>> -> memref<4x1024xf32, #tpu.memory_space<hbm>>
      tpu.enqueue_dma source(%arg11 : memref<4x1024xf32, #tpu.memory_space<vmem>>) target(%dma_start3A_128 : memref<4x1024xf32, #tpu.memory_space<hbm>>) target_semaphore(%run_scoped3A : memref<!tpu.dma_semaphore, #tpu.memory_space<semaphore_mem>>)
      %dma_wait3A_129 = arith.constant 0 : i32
      %dma_wait3A_130 = arith.constant 0 : i32
      %dma_wait3A_131 = tpu.memref_slice %arg5[%add3A, %dma_wait3A_129, %dma_wait3A_130] : memref<32x4x1024xf32, #tpu.memory_space<hbm>> -> memref<1x4x1024xf32, #tpu.memory_space<hbm>>
      %dma_wait3A_132 = tpu.memref_squeeze %dma_wait3A_131 : memref<1x4x1024xf32, #tpu.memory_space<hbm>> -> memref<4x1024xf32, #tpu.memory_space<hbm>>
      %dma_wait3A_133 = arith.constant 0 : i32
      %dma_wait3A_134 = arith.constant 0 : i32
      %dma_wait3A_135 = tpu.memref_slice %arg5[%add3A, %dma_wait3A_133, %dma_wait3A_134] : memref<32x4x1024xf32, #tpu.memory_space<hbm>> -> memref<1x4x1024xf32, #tpu.memory_space<hbm>>
      %dma_wait3A_136 = tpu.memref_squeeze %dma_wait3A_135 : memref<1x4x1024xf32, #tpu.memory_space<hbm>> -> memref<4x1024xf32, #tpu.memory_space<hbm>>
      tpu.wait_dma2 semaphore(%run_scoped3A : memref<!tpu.dma_semaphore, #tpu.memory_space<semaphore_mem>>) src(%arg11 : memref<4x1024xf32, #tpu.memory_space<vmem>>) dst(%dma_wait3A_136 : memref<4x1024xf32, #tpu.memory_space<hbm>>)
      tpu.yield
    }) : () -> ()
    return
  }
}

module attributes {stable_mosaic.version = 14 : i64} {
  func.func @_transpose_body(%arg0: i32, %arg1: memref<1024x1024xf32, #tpu.memory_space<vmem>>, %arg2: memref<1024x1024xf32, #tpu.memory_space<vmem>>) attributes {dimension_semantics = [#tpu.dimension_semantics<arbitrary>], iteration_bounds = array<i64: 1>, scalar_prefetch = 0 : i64, scratch_operands = 0 : i64, tpu.core_type = #tpu.core_type<tc>, window_params = [{pipeline_mode = #tpu.pipeline_mode<synchronous>, transform_indices = @transform_0, window_bounds = array<i64: 1024, 1024>}, {pipeline_mode = #tpu.pipeline_mode<synchronous>, transform_indices = @transform_1, window_bounds = array<i64: 1024, 1024>}]} {
    %get3A = arith.constant 0 : index
    %get3A_0 = arith.constant 0 : index
    %get3A_1 = vector.load %arg1[%get3A, %get3A_0] : memref<1024x1024xf32, #tpu.memory_space<vmem>>, vector<1024x1024xf32>
    %transpose3A = tpu.transpose %get3A_1, [1, 0] : vector<1024x1024xf32> -> vector<1024x1024xf32>
    %swap3A = arith.constant 0 : index
    %swap3A_2 = arith.constant 0 : index
    %swap3A_3 = vector.load %arg2[%swap3A, %swap3A_2] : memref<1024x1024xf32, #tpu.memory_space<vmem>>, vector<1024x1024xf32>
    tpu.vector_store %arg2[%swap3A, %swap3A_2], %transpose3A {strides = array<i32>} : memref<1024x1024xf32, #tpu.memory_space<vmem>>, vector<1024x1024xf32>,
    return
  }
  func.func @transform_0(%arg0: i32) -> (i32, i32) {
    %c0_i32 = arith.constant 0 : i32
    %c0_i32_0 = arith.constant 0 : i32
    %c0_i32_1 = arith.constant 0 : i32
    return %c0_i32, %c0_i32_0 : i32, i32
  }
  func.func @transform_1(%arg0: i32) -> (i32, i32) {
    %c0_i32 = arith.constant 0 : i32
    %c0_i32_0 = arith.constant 0 : i32
    %c0_i32_1 = arith.constant 0 : i32
    return %c0_i32, %c0_i32_0 : i32, i32
  }
}

</mosaic_0001>

<sc_bundles>
// kernel: kernel.4.cloned.1.call-start
scs
__scs_entry_jumppad:
0x0: {  	(pc) =	sbr.rel $0x88, $3  }
0x1: {  	(tag) =	ssettag $0x0;
	lr =	simm.s32 $0x1  }
0x2: {  	[smem:$0x3F9E] =	sst lr;
	_ =	strace $0xD0000000  }
0x3: {  	_ = 	snop  }
0x4: {  	_ = 	snop  }
0x5: {  	_ = 	snop  }
0x6: {  	_ = 	snop  }
0x7: {  	_ = 	snop  }
__scs_overlays_trampoline_lowered:
0x8: {  	[smem:$0x3FAD] =	sst s0  }
0x9: {  	[smem:$0x3FAE] =	sst s1  }
0xa: {  	[smem:$0x3FAF] =	sst s2  }
0xb: {  	[smem:$0x3FB0] =	sst s3  }
0xc: {  	[smem:$0x3FB1] =	sst s4  }
0xd: {  	[smem:$0x3FB2] =	sst s5  }
0xe: {  	[smem:$0x3FB3] =	sst s6  }
0xf: {  	[smem:$0x3FB4] =	sst s7  }
0x10: {  	[smem:$0x3FB5] =	sst s8  }
0x11: {  	[smem:$0x3FB6] =	sst s9;
	s0 =	simm.s32 @!p0 $0x0  }
0x12: {  	s1 =	sld [smem:$0x3F9C];
	s0 =	simm.s32 @p0 $0x1  }
0x13: {  	[smem:$0x3FB7] =	sst s0;
	s0 =	simm.s32 @!p1 $0x0  }
0x14: {  	s2 =	sld [smem:$0x3F9B];
	s0 =	simm.s32 @p1 $0x1  }
0x15: {  	[smem:$0x3FB8] =	sst s0;
	s0 =	simm.s32 @!p2 $0x0  }
0x16: {  	s3 =	sld [smem:$0x3FDB];
	s0 =	simm.s32 @p2 $0x1  }
0x17: {  	s4 =	simm.s32 $0x1BF5;
	[smem:$0x3FBA] =	sst s0  }
0x18: {  	s0 =	sld [smem:$0x3F9D];
	_ =	swait.ge [sflag:s4], $0x0  }
0x19: {  	s7 =	sld [smem:$0x3F9E]  }
0x1a: {  	s8 =	sadd.s32 $0xFFFFE003, lr  }
0x1b: {  	s9 =	sadd.s32 $0xFFFFFEF7, lr;
	s5 =	simm.s32 $0xFFFFFFFF;
	p2 =	slt.u32 s8, $0xFFFFF086  }
0x1c: {  	p1 =	slt.u32 s9, $0xF7A;
	s5 =	simm.s32 @!p2 $0x0  }
0x1d: {  	s5 =	simm.s32 @p1 $0x1;
	p0 =	seq.s32 s7, s2  }
0x1e: {  	s7 =	smul.u32 @!p0 $0xF7A, s2;
	p2 =	seq.s32 @!p0 s5, $0x0  }
0x1f: {  	s9 =	smul.u32 $0xF7A, s1;
	s8 =	simm.s32 @!p0 $0x1BF5;
	p2 =	por !p2, p0  }
0x20: {  	[sflag:s8] =	ssyncset.s32 @!p0 $0xFFFFF086;
	s6 =	sadd.s32 @!p0 s3, s7;
	s7 =	simm.s32 @!p0 $0x108  }
0x21: {  	s3 =	sadd.s32 s3, s9;
	s6 =	sadd.s32 @!p0 $0x88, s6;
	s7 =	simm.s32 @p2 $0x1082  }
0x22: {  	[simem:s7], [sflag:s8] =	dma.local @!p0 [hbm:s6], $0xF7A  }
0x23: {  	s9 =	sor.u32 $0xD0000000, s2;
	s6 =	simm.s32 $0x108;
	_ =	swait.ge @!p0 [sflag:s8], $0x0  }
0x24: {  	s3 =	sadd.s32 $0x88, s3;
	s6 =	simm.s32 @!p1 $0x1082;
	[sflag:s4] =	ssyncset.s32 $0xFFFFF086  }
0x25: {  	[simem:s6], [sflag:s4] =	dma.local [hbm:s3], $0xF7A  }
0x26: {  	[smem:$0x3F9E] =	sst s1;
	(tag) =	ssettag s2;
	_ =	strace s9  }
0x27: {  	s1 =	sld [smem:$0x3FAE]  }
0x28: {  	s2 =	sld [smem:$0x3FAF]  }
0x29: {  	s4 =	sld [smem:$0x3FB1]  }
0x2a: {  	p0 =	seq.s32 s5, $0x0;
	s5 =	sld [smem:$0x3FB2]  }
0x2b: {  	s6 =	sld [smem:$0x3FB3]  }
0x2c: {  	s7 =	sld [smem:$0x3FB4]  }
0x2d: {  	s3 =	simm.s32 $0x108;
	s8 =	sld [smem:$0x3FB5]  }
0x2e: {  	s3 =	simm.s32 @!p0 $0x1082;
	s9 =	sld [smem:$0x3FB6]  }
0x2f: {  	lr =	sadd.s32 s0, s3;
	s0 =	sld [smem:$0x3FAD]  }
0x30: {  	s3 =	sld [smem:$0x3FB0]  }
0x31: {  	[smem:$0x3FB9] =	sst s10  }
0x32: {  	s10 =	sld [smem:$0x3FB7];
	_ =	sdelay $0x3  }
0x33: {  	p0 =	seq.s32 s10, $0x1;
	s10 =	sld [smem:$0x3FB9];
	_ =	sdelay $0x3  }
0x34: {  	[smem:$0x3FB9] =	sst s10  }
0x35: {  	s10 =	sld [smem:$0x3FB8];
	_ =	sdelay $0x3  }
0x36: {  	p1 =	seq.s32 s10, $0x1;
	s10 =	sld [smem:$0x3FB9];
	_ =	sdelay $0x3  }
0x37: {  	[smem:$0x3FB9] =	sst s10  }
0x38: {  	s10 =	sld [smem:$0x3FBA]  }
0x39: {  	_ = 	snop;
	(pc) =	sbr.ind lr, $3  }
0x3a: {  	_ = 	snop  }
0x3b: {  	_ = 	snop  }
0x3c: {  	p2 =	seq.s32 s10, $0x1;
	s10 =	sld [smem:$0x3FB9]  }
0x3d: {  	_ =	shalt  }
0x3e: {  	_ =	shalt  }
0x3f: {  	_ =	shalt  }
0x40: {  	_ =	shalt  }
0x41: {  	_ =	shalt  }
0x42: {  	_ =	shalt  }
0x43: {  	_ =	shalt  }
0x44: {  	_ =	shalt  }
0x45: {  	_ =	shalt  }
0x46: {  	_ =	shalt  }
0x47: {  	_ =	shalt  }
0x48: {  	_ =	shalt  }
0x49: {  	_ =	shalt  }
0x4a: {  	_ =	shalt  }
0x4b: {  	_ =	shalt  }
0x4c: {  	_ =	shalt  }
0x4d: {  	_ =	shalt  }
0x4e: {  	_ =	shalt  }
0x4f: {  	_ =	shalt  }
0x50: {  	_ =	shalt  }
0x51: {  	_ =	shalt  }
0x52: {  	_ =	shalt  }
0x53: {  	_ =	shalt  }
0x54: {  	_ =	shalt  }
0x55: {  	_ =	shalt  }
0x56: {  	_ =	shalt  }
0x57: {  	_ =	shalt  }
0x58: {  	_ =	shalt  }
0x59: {  	_ =	shalt  }
0x5a: {  	_ =	shalt  }
0x5b: {  	_ =	shalt  }
0x5c: {  	_ =	shalt  }
0x5d: {  	_ =	shalt  }
0x5e: {  	_ =	shalt  }
0x5f: {  	_ =	shalt  }
0x60: {  	_ =	shalt  }
0x61: {  	_ =	shalt  }
0x62: {  	_ =	shalt  }
0x63: {  	_ =	shalt  }
0x64: {  	_ =	shalt  }
0x65: {  	_ =	shalt  }
0x66: {  	_ =	shalt  }
0x67: {  	_ =	shalt  }
0x68: {  	_ =	shalt  }
0x69: {  	_ =	shalt  }
0x6a: {  	_ =	shalt  }
0x6b: {  	_ =	shalt  }
0x6c: {  	_ =	shalt  }
0x6d: {  	_ =	shalt  }
0x6e: {  	_ =	shalt  }
0x6f: {  	_ =	shalt  }
0x70: {  	_ =	shalt  }
0x71: {  	_ =	shalt  }
0x72: {  	_ =	shalt  }
0x73: {  	_ =	shalt  }
0x74: {  	_ =	shalt  }
0x75: {  	_ =	shalt  }
0x76: {  	_ =	shalt  }
0x77: {  	_ =	shalt  }
0x78: {  	_ =	shalt  }
0x79: {  	_ =	shalt  }
0x7a: {  	_ =	shalt  }
0x7b: {  	_ =	shalt  }
0x7c: {  	_ =	shalt  }
0x7d: {  	_ =	shalt  }
0x7e: {  	_ =	shalt  }
0x7f: {  	_ =	shalt  }
0x80: {  	_ =	shalt  }
0x81: {  	_ =	shalt  }
0x82: {  	_ =	shalt  }
0x83: {  	_ =	shalt  }
0x84: {  	_ =	shalt  }
0x85: {  	_ =	shalt  }
0x86: {  	_ =	shalt  }
0x87: {  	_ =	shalt  }
.Lfunc_end0:
.L_simem_size_0:
called_computation_lowered:
.L_overlay_start_0:
0x88: {  	s2 =	sld [smem:$0x3FD9]  }
0x89: {  	s3 =	sld [smem:$0x3FFE];
	_ =	sdelay $0x1  }
0x8a: {  	s1 =	srdreg.scid  }
0x8b: {  	s0 =	sand.u32 $0x1, s1  }
0x8c: {  	s17 =	sshll.u32 s0, $0xA;
	s2 =	sadd.s32 s3, s2  }
0x8d: {  	s2 =	sadd.s32 s2, s17  }
0x8e: {  	[smem:$0x3FC5] =	sst s2  }
0x8f: {  	_ = 	snop  }
0x90: {  	s2 =	sld [smem:$0x3FD0];
	(tm) =	ssettm $0x1  }
0x91: {  	s18 =	sld [smem:$0x3FFB];
	_ =	sdelay $0x3  }
0x92: {  	_ =	strace s18  }
0x93: {  	s3 =	sld [smem:$0x3FFC];
	_ =	sdelay $0x3  }
0x94: {  	_ =	strace s3  }
0x95: {  	s3 =	sld [smem:$0x3FFD];
	_ =	sdelay $0x3  }
0x96: {  	_ =	strace s3  }
0x97: {  	_ =	strace $0x8FFFFFFF  }
0x98: {  	s19 =	sld [smem:$0x3FDB];
	_ =	sdelay $0x1  }
0x99: {  	s4 =	simm.s32 $_scs_section_size  }
0x9a: {  	s5 =	simm.s32 $_size__tile_overlayer_lowered;
	s6 =	simm.s32 $_tile_overlayer_lowered  }
0x9b: {  	s22 =	simm.s32 $0x1BFF;
	s21 =	sshll.u32 s6, $0x1;
	s3 =	sadd.s32 s4, s19  }
0x9c: {  	s7 =	simm.s32 $0x0;
	s20 =	sshll.u32 s5, $0x1;
	s5 =	sadd.s32 s21, s3  }
0x9d: {  	[timem:s7], [sflag:s22] =	dma.local [hbm:s5], s20  }
0x9e: {  	_ =	swait.ge [sflag:s22], s20  }
0x9f: {  	s4 =	ssub.s32 $0x0, s20;
	[sflag:s22] =	ssyncset.done $0x0  }
0xa0: {  	[sflag:s22] =	ssyncadd.s32 s4;
	_ =	sdelay $0x1  }
0xa1: {  	s23 =	simm.s32 $0x1B8B  }
0xa2: {  	_ =	swait.ge [sflag:s23], $0x1  }
0xa3: {  	[sflag:s23] =	ssyncset.done $0x0  }
0xa4: {  	s25 =	simm.s32 $0x1B8E;
	s24 =	sld [smem:$0x3FFE];
	[sflag:s23] =	ssyncadd.s32 $0xFFFFFFFF  }
0xa5: {  	s26 =	simm.s32 $execute0_lowered;
	[smem:$0x3FD2] =	sst s25  }
0xa6: {  	s5 =	sshll.u32 s26, $0x1;
	_ =	strace $0x80000046;
	[dreg:$0x1] =	wrdreg $0xFFFFFFFF  }
0xa7: {  	s28 =	simm.s32 $_size_execute0_lowered;
	s3 =	sadd.s32 s3, s5;
	[dreg:$0x0] =	wrdreg $0x0  }
0xa8: {  	s5 =	sshll.u32 s28, $0x1;
	[dreg:$0x2] =	wrdreg s3  }
0xa9: {  	[dreg:$0x3] =	wrdreg s5  }
0xaa: {  	[dreg:$0x4] =	wrdreg $0xC0  }
0xab: {  	_ =	task [dreg:s7], $0x5FFFF  }
0xac: {  	[dreg:$0x1] =	wrdreg $0xFFFFFFFF  }
0xad: {  	[dreg:$0x0] =	wrdreg $0x60  }
0xae: {  	[dreg:$0x2] =	wrdreg s24  }
0xaf: {  	[dreg:$0x3] =	wrdreg s2  }
0xb0: {  	[dreg:$0x4] =	wrdreg $0x9  }
0xb1: {  	_ =	task.clear_ibuf [dreg:s7], $0x5FFFF;
	_ =	strace $0x90000046  }
0xb2: {  	s29 =	simm.s32 $0x9;
	_ =	strace $0x80000048  }
0xb3: {  	_ =	swait.ge [sflag:s29], $0x1  }
0xb4: {  	[sflag:s29] =	ssyncadd.s32 $0xFFFFFFFF  }
0xb5: {  	_ =	strace $0x90000048  }
0xb6: {  	_ =	sfence  }
0xb7: {  	s30 =	sld [smem:$0x0];
	_ =	sdelay $0x2  }
0xb8: {  	s31 =	sshll.u32 s1, $0xD;
	s1 =	sshrl.u32 s1, $0x2  }
0xb9: {  	s3 =	sand.u32 $0x4000, s31;
	s1 =	sadd.s32 s1, s30  }
0xba: {  	s0 =	sor.u32 s3, s0;
	s1 =	sshll.u32 s1, $0x11  }
0xbb: {  	s0 =	sor.u32 s1, s0  }
0xbc: {  	s0 =	sadd.s32 $0x8F2B, s0  }
0xbd: {  	[sflag:s0] =	ssyncadd.remote.s32 $0x1  }
0xbe: {  	_ =	sfence.sel $0xFFFF  }
0xbf: {  	[dreg:$0x0] =	wrdreg $0xFFFFFFFF;
	(pc) =	sbr.abs _section_cstart, $3  }
0xc0: {  	[dreg:$0x1] =	wrdreg $0xFFFFFFFF  }
0xc1: {  	_ =	task.clear_ibuf [dreg:s7], $0x2FFFF;
	_ =	strace $0x9FFFFFFF  }
0xc2: {  	(tm) =	ssettm $0x7FFFFFFF  }
0xc3: {  	_ =	shalt  }
tec
execute0_lowered:
.L_overlay_start_1:
0x0: {  	(tag) =	ssettag $0x1  }
0x1: {  	s0 =	rddreg [dreg:$0x0]  }
0x2: {  	s1 =	rddreg [dreg:$0x1]  }
0x3: {  	s17 =	simm.s32 $0x0;
	s2 =	srdreg.scid;
	s3 =	stileid.u32  }
0x4: {  	s19 =	simm.s32 $0x5;
	[smem:$0x7FF] =	sst s17;
	s2 =	sand.u32 $0x1, s2  }
0x5: {  	s3 =	sshll.u32 s3, $0x1;
	s4 =	sadd.s32 $0xA00, s0;
	s28 =	sadd.s32 $0x21A00, s0  }
0x6: {  	_ =	strace $0x80000047;
	[dreg:$0x3] =	wrdreg s4;
	s3 =	sor.u32 s2, s3  }
0x7: {  	s2 =	ssub.s32 $0x2, s2;
	[dreg:$0x4] =	wrdreg s28;
	s29 =	sshll.u32 s3, $0x7  }
0x8: {  	s3 =	sshll.u32 s3, $0x9;
	s4 =	sadd.s32 s29, s0;
	s0 =	sadd.s32 $0x21E00, s0  }
0x9: {  	s5 =	sshrl.u32 s2, $0x1;
	s30 =	sadd.s32 s1, s3;
	[dreg:$0x6] =	wrdreg s0  }
0xa: {  	s2 =	ssub.s32 s2, s5;
	s4 =	sadd.s32 $0x20A00, s4;
	[dreg:$0x7] =	wrdreg s30  }
0xb: {  	s20 =	simm.s32 $0x4400;
	s31 =	smax.u32 s2, $0x1;
	[dreg:$0x5] =	wrdreg s4  }
0xc: {  	s22 =	simm.s32 $0xC400;
	v0 =	vimm.f32 $0.0e+00;
	s0 =	simm.s32 $0x0;
	[dreg:$0x8] =	wrdreg s31  }
.LBB2_1:
0xd: {  	[dreg:$0x9] =	wrdreg s0  }
0xe: {  	s18 =	rddreg [dreg:$0x5]  }
0xf: {  	[tilespmem:s17], [sflag:$0x5] =	stream.linear.gather [hbm4b:s18+s17], $0x400, $0x38;
	[tilespmem:$0x15400] =	vst v63  }
0x10: {  	_ =	swait.ge [sflag:s19], $0x400  }
0x11: {  	[sflag:s19] =	ssyncset.done $0x0  }
0x12: {  	s17 =	simm.s32 $0x14C00;
	[sflag:s19] =	ssyncadd.s32 $0xFFFFFC00  }
0x13: {  	[tilespmem:s17+$0xFFFFF800] =	vst v0  }
0x14: {  	[tilespmem:s17+$0x410] =	vst v0  }
0x15: {  	[tilespmem:s17+$0x10] =	vst v0  }
0x16: {  	[tilespmem:s17+$0xFFFFFC10] =	vst v0  }
0x17: {  	[tilespmem:s17+$0xFFFFF810] =	vst v0  }
0x18: {  	[tilespmem:s17+$0x400] =	vst v0  }
0x19: {  	s18 =	simm.s32 $0x0;
	[tilespmem:s17+$0x0] =	vst v0  }
.LBB2_2:
0x1a: {  	s18 =	sadd.s32 $0x2, s18;
	[tilespmem:s17+$0xFFFFFC00] =	vst v0;
	s17 =	sadd.s32 $0x20, s17  }
0x1b: {  	[tilespmem:s17+$0xFFFFF800] =	vst v0;
	p0 =	slt.u32 s18, $0x3E  }
0x1c: {  	[tilespmem:s17+$0x410] =	vst v0  }
.Ltmp0:
0x1d: {  	[tilespmem:s17+$0x10] =	vst v0;
	(pc) =	sbr.rel @p0 .LBB2_2-.Ltmp0, $4  }
0x1e: {  	[tilespmem:s17+$0xFFFFFC10] =	vst v0  }
0x1f: {  	[tilespmem:s17+$0xFFFFF810] =	vst v0  }
0x20: {  	[tilespmem:s17+$0x400] =	vst v0  }
0x21: {  	[tilespmem:s17+$0x0] =	vst v0  }
0x22: {  	[tilespmem:s17+$0xFFFFFC00] =	vst v0  }
0x23: {  	s1 =	simm.s32 $0x0;
	s18 =	simm.s32 $0x400;
	s17 =	rddreg [dreg:$0x4]  }
0x24: {  	[tilespmem:s18], [sflag:$0x1] =	stream.linear.gather [hbm4b:s17+s1], $0x2000, $0x38;
	[tilespmem:$0x15400] =	vst v63  }
0x25: {  	s19 =	simm.s32 $0x20;
	s30 =	rddreg [dreg:$0x3]  }
0x26: {  	[tilespmem:s20], [sflag:$0x3] =	stream.indirect.gather [hbm4b:s30+s19], $0x400, s1, s19, $0xb8;
	[tilespmem:$0x15400] =	vst v63  }
0x27: {  	s21 =	simm.s32 $0x2400;
	s0 =	simm.s32 $0x0;
	s31 =	rddreg [dreg:$0x6]  }
0x28: {  	[tilespmem:s21], [sflag:$0x2] =	stream.linear.gather [hbm4b:s31+s1], $0x2000, $0x38;
	[tilespmem:$0x15400] =	vst v63  }
0x29: {  	[dreg:$0xa] =	wrdreg s0  }
0x2a: {  	[tilespmem:s22], [sflag:$0x4] =	stream.indirect.gather [hbm4b:s30+s19], $0x400, s19, s19, $0xb8;
	[tilespmem:$0x15400] =	vst v63  }
.LBB2_4:
0x2b: {  	s17 =	simm.s32 $0x1  }
0x2c: {  	_ =	swait.ge [sflag:s17], $0x2000  }
0x2d: {  	[sflag:s17] =	ssyncset.done $0x0  }
0x2e: {  	s6 =	simm.s32 $0x3;
	[sflag:s17] =	ssyncadd.s32 $0xFFFFE000  }
0x2f: {  	_ =	swait.ge [sflag:s6], $0x8000  }
0x30: {  	[sflag:s6] =	ssyncset.done $0x0  }
0x31: {  	s17 =	simm.s32 $0x0;
	[sflag:s6] =	ssyncadd.s32 $0xFFFF8000  }
0x32: {  	v1 =	vld [tilespmem:s17+$0x410]  }
0x33: {  	v2 =	vld [tilespmem:s17+$0x810]  }
0x34: {  	v3 =	vld [tilespmem:s17+$0xC10]  }
0x35: {  	v4 =	vld [tilespmem:s17+$0x1010]  }
0x36: {  	v5 =	vld [tilespmem:s17+$0x1410]  }
0x37: {  	v6 =	vld [tilespmem:s17+$0x1810]  }
0x38: {  	v7 =	vld [tilespmem:s17+$0x1C10]  }
0x39: {  	v8 =	vld [tilespmem:s17+$0x2010]  }
0x3a: {  	s19 =	simm.s32 $0x5400;
	v9 =	vld.idx.msk [tilespmem:v1+s20+$0x0], $0xffff  }
0x3b: {  	s21 =	simm.s32 $0x6400;
	v10 =	vld.idx.msk [tilespmem:v2+s19+$0x0], $0xffff  }
0x3c: {  	s22 =	simm.s32 $0x7400;
	v11 =	vld.idx.msk [tilespmem:v3+s21+$0x0], $0xffff  }
0x3d: {  	s0 =	simm.s32 $0x8400;
	v12 =	vld.idx.msk [tilespmem:v4+s22+$0x0], $0xffff  }
0x3e: {  	s1 =	simm.s32 $0x9400;
	v13 =	vld.idx.msk [tilespmem:v5+s0+$0x0], $0xffff  }
0x3f: {  	s5 =	simm.s32 $0xA400;
	v14 =	vld.idx.msk [tilespmem:v6+s1+$0x0], $0xffff  }
0x40: {  	s6 =	simm.s32 $0xB400;
	v15 =	vld.idx.msk [tilespmem:v7+s5+$0x0], $0xffff  }
0x41: {  	v16 =	vld.idx.msk [tilespmem:v8+s6+$0x0], $0xffff;
	_ =	sdelay $0x3  }
0x42: {  	v9 =	vadd.f32 v10, v9;
	v10 =	vadd.f32 v12, v11;
	v12 =	vld [tilespmem:s17+$0x400]  }
0x43: {  	v11 =	vadd.f32 v14, v13;
	v15 =	vadd.f32 v16, v15;
	v13 =	vld [tilespmem:s17+$0x800]  }
0x44: {  	v14 =	vld [tilespmem:s17+$0xC00]  }
0x45: {  	v16 =	vld [tilespmem:s17+$0x1400];
	v9 =	vadd.f32 v10, v9;
	v10 =	vadd.f32 v15, v11  }
0x46: {  	v15 =	vld [tilespmem:s17+$0x1000]  }
0x47: {  	v11 =	vld [tilespmem:s17+$0x1C00];
	v9 =	vadd.f32 v10, v9  }
0x48: {  	v10 =	vld [tilespmem:s17+$0x1800]  }
0x49: {  	s9 =	simm.s32 $0x4800;
	[tilespmem:s17+$0x14410] =	vst.add.f32.msk $0xffff, v9  }
0x4a: {  	s30 =	simm.s32 $0x5800;
	v17 =	vld.idx.msk [tilespmem:v1+s9+$0x0], $0xffff  }
0x4b: {  	s31 =	simm.s32 $0x6800;
	v18 =	vld.idx.msk [tilespmem:v2+s30+$0x0], $0xffff  }
0x4c: {  	s10 =	simm.s32 $0x7800;
	v19 =	vld.idx.msk [tilespmem:v3+s31+$0x0], $0xffff  }
0x4d: {  	s11 =	simm.s32 $0x8800;
	v20 =	vld.idx.msk [tilespmem:v4+s10+$0x0], $0xffff  }
0x4e: {  	s2 =	simm.s32 $0x9800;
	v21 =	vld.idx.msk [tilespmem:v5+s11+$0x0], $0xffff  }
0x4f: {  	s13 =	simm.s32 $0xA800;
	v22 =	vld.idx.msk [tilespmem:v6+s2+$0x0], $0xffff  }
0x50: {  	s7 =	simm.s32 $0xB800;
	v23 =	vld.idx.msk [tilespmem:v7+s13+$0x0], $0xffff  }
0x51: {  	v24 =	vld.idx.msk [tilespmem:v8+s7+$0x0], $0xffff  }
0x52: {  	v9 =	vld [tilespmem:s17+$0x2000]  }
0x53: {  	v25 =	vld.idx.msk [tilespmem:v12+s20+$0x0], $0xffff  }
0x54: {  	v26 =	vld.idx.msk [tilespmem:v13+s19+$0x0], $0xffff  }
0x55: {  	v17 =	vadd.f32 v18, v17;
	v18 =	vadd.f32 v20, v19;
	v19 =	vld.idx.msk [tilespmem:v14+s21+$0x0], $0xffff  }
0x56: {  	v20 =	vadd.f32 v22, v21;
	v21 =	vadd.f32 v24, v23;
	v22 =	vld.idx.msk [tilespmem:v15+s22+$0x0], $0xffff  }
0x57: {  	v23 =	vld.idx.msk [tilespmem:v16+s0+$0x0], $0xffff  }
0x58: {  	v17 =	vadd.f32 v18, v17;
	v18 =	vadd.f32 v21, v20;
	v20 =	vld.idx.msk [tilespmem:v10+s1+$0x0], $0xffff  }
0x59: {  	v21 =	vld.idx.msk [tilespmem:v11+s5+$0x0], $0xffff  }
0x5a: {  	v17 =	vadd.f32 v18, v17;
	v18 =	vld.idx.msk [tilespmem:v9+s6+$0x0], $0xffff;
	_ =	sdelay $0x1  }
0x5b: {  	s3 =	simm.s32 $0x4C00;
	[tilespmem:s17+$0x14810] =	vst.add.f32.msk $0xffff, v17  }
0x5c: {  	s8 =	simm.s32 $0x5C00;
	v17 =	vld.idx.msk [tilespmem:v1+s3+$0x0], $0xffff  }
0x5d: {  	s15 =	simm.s32 $0x6C00;
	v25 =	vadd.f32 v26, v25;
	v19 =	vadd.f32 v22, v19;
	v57 =	vld.idx.msk [tilespmem:v2+s8+$0x0], $0xffff  }
0x5e: {  	s4 =	simm.s32 $0xAC00;
	v22 =	vld.idx.msk [tilespmem:v3+s15+$0x0], $0xffff;
	v20 =	vadd.f32 v20, v23;
	v18 =	vadd.f32 v18, v21  }
0x5f: {  	s15 =	simm.s32 $0x8C00;
	v58 =	vld.idx.msk [tilespmem:v7+s4+$0x0], $0xffff  }
0x60: {  	s16 =	simm.s32 $0x7C00;
	v19 =	vadd.f32 v19, v25;
	v23 =	vld.idx.msk [tilespmem:v5+s15+$0x0], $0xffff;
	v18 =	vadd.f32 v18, v20  }
0x61: {  	v21 =	vld.idx.msk [tilespmem:v4+s16+$0x0], $0xffff;
	s16 =	simm.s32 $0x9C00  }
0x62: {  	s3 =	simm.s32 $0xBC00;
	v20 =	vld.idx.msk [tilespmem:v6+s16+$0x0], $0xffff;
	v18 =	vadd.f32 v18, v19  }
0x63: {  	v19 =	vld.idx.msk [tilespmem:v8+s3+$0x0], $0xffff  }
0x64: {  	[tilespmem:s17+$0x14400] =	vst.add.f32.msk $0xffff, v18  }
0x65: {  	v18 =	vld.idx.msk [tilespmem:v12+s9+$0x0], $0xffff  }
0x66: {  	v59 =	vld.idx.msk [tilespmem:v13+s30+$0x0], $0xffff  }
0x67: {  	v17 =	vadd.f32 v57, v17;
	v21 =	vadd.f32 v21, v22;
	v22 =	vld.idx.msk [tilespmem:v14+s31+$0x0], $0xffff  }
0x68: {  	v20 =	vadd.f32 v20, v23;
	v23 =	vld.idx.msk [tilespmem:v15+s10+$0x0], $0xffff;
	v19 =	vadd.f32 v19, v58  }
0x69: {  	v60 =	vld.idx.msk [tilespmem:v16+s11+$0x0], $0xffff  }
0x6a: {  	s14 =	simm.s32 $0x9800;
	v17 =	vadd.f32 v21, v17;
	v21 =	vld.idx.msk [tilespmem:v11+s13+$0x0], $0xffff;
	v19 =	vadd.f32 v19, v20  }
0x6b: {  	s12 =	simm.s32 $0xB800;
	v20 =	vld.idx.msk [tilespmem:v10+s14+$0x0], $0xffff  }
0x6c: {  	v17 =	vadd.f32 v19, v17;
	v19 =	vld.idx.msk [tilespmem:v9+s12+$0x0], $0xffff;
	_ =	sdelay $0x1  }
0x6d: {  	s12 =	simm.s32 $0x5000;
	[tilespmem:s17+$0x14C10] =	vst.add.f32.msk $0xffff, v17  }
0x6e: {  	s14 =	simm.s32 $0x6000;
	v1 =	vld.idx.msk [tilespmem:v1+s12+$0x0], $0xffff  }
0x6f: {  	s23 =	simm.s32 $0x7000;
	v17 =	vadd.f32 v59, v18;
	v18 =	vadd.f32 v23, v22;
	v2 =	vld.idx.msk [tilespmem:v2+s14+$0x0], $0xffff  }
0x70: {  	s24 =	simm.s32 $0x8000;
	v3 =	vld.idx.msk [tilespmem:v3+s23+$0x0], $0xffff;
	v20 =	vadd.f32 v20, v60;
	v19 =	vadd.f32 v19, v21  }
0x71: {  	s25 =	simm.s32 $0x9000;
	v4 =	vld.idx.msk [tilespmem:v4+s24+$0x0], $0xffff  }
0x72: {  	s26 =	simm.s32 $0xA000;
	v5 =	vld.idx.msk [tilespmem:v5+s25+$0x0], $0xffff;
	v17 =	vadd.f32 v18, v17;
	v18 =	vadd.f32 v19, v20  }
0x73: {  	s28 =	simm.s32 $0xB000;
	v6 =	vld.idx.msk [tilespmem:v6+s26+$0x0], $0xffff  }
0x74: {  	s29 =	simm.s32 $0xC000;
	v7 =	vld.idx.msk [tilespmem:v7+s28+$0x0], $0xffff;
	v17 =	vadd.f32 v18, v17  }
0x75: {  	v8 =	vld.idx.msk [tilespmem:v8+s29+$0x0], $0xffff  }
0x76: {  	s18 =	simm.s32 $0x4C00;
	[tilespmem:s17+$0x14800] =	vst.add.f32.msk $0xffff, v17  }
0x77: {  	s2 =	simm.s32 $0x5C00;
	v17 =	vld.idx.msk [tilespmem:v12+s18+$0x0], $0xffff  }
0x78: {  	s7 =	simm.s32 $0x6C00;
	v18 =	vld.idx.msk [tilespmem:v13+s2+$0x0], $0xffff  }
0x79: {  	s8 =	simm.s32 $0x7C00;
	v19 =	vld.idx.msk [tilespmem:v14+s7+$0x0], $0xffff  }
0x7a: {  	v20 =	vld.idx.msk [tilespmem:v15+s8+$0x0], $0xffff  }
0x7b: {  	v21 =	vld.idx.msk [tilespmem:v16+s15+$0x0], $0xffff  }
0x7c: {  	v22 =	vld.idx.msk [tilespmem:v10+s16+$0x0], $0xffff  }
0x7d: {  	v23 =	vld.idx.msk [tilespmem:v11+s4+$0x0], $0xffff  }
0x7e: {  	v61 =	vld.idx.msk [tilespmem:v9+s3+$0x0], $0xffff;
	s18 =	simm.s32 $0x20  }
0x7f: {  	v62 =	vld [tilespmem:s18+$0x410]  }
0x80: {  	v63 =	vld [tilespmem:s18+$0x810]  }
0x81: {  	v27 =	vld [tilespmem:s18+$0xC10]  }
0x82: {  	v1 =	vadd.f32 v2, v1;
	v2 =	vadd.f32 v4, v3;
	v28 =	vld [tilespmem:s18+$0x1010]  }
0x83: {  	v3 =	vadd.f32 v6, v5;
	v4 =	vadd.f32 v8, v7;
	v29 =	vld [tilespmem:s18+$0x1410]  }
0x84: {  	v30 =	vld [tilespmem:s18+$0x1810]  }
0x85: {  	v1 =	vadd.f32 v2, v1;
	v2 =	vadd.f32 v4, v3;
	v31 =	vld [tilespmem:s18+$0x1C10]  }
0x86: {  	v32 =	vld [tilespmem:s18+$0x2010]  }
0x87: {  	v1 =	vadd.f32 v2, v1;
	v2 =	vld [tilespmem:s18+$0x800]  }
0x88: {  	v3 =	vld [tilespmem:s18+$0xC00]  }
0x89: {  	v4 =	vld [tilespmem:s18+$0x1000]  }
0x8a: {  	v5 =	vld [tilespmem:s18+$0x1400]  }
0x8b: {  	[tilespmem:s17+$0x15010] =	vst.add.f32.msk $0xffff, v1  }
0x8c: {  	v1 =	vld [tilespmem:s18+$0x400]  }
0x8d: {  	v6 =	vld.idx.msk [tilespmem:v62+s20+$0x0], $0xffff  }
0x8e: {  	v7 =	vld.idx.msk [tilespmem:v63+s19+$0x0], $0xffff  }
0x8f: {  	v8 =	vld.idx.msk [tilespmem:v27+s21+$0x0], $0xffff  }
0x90: {  	v33 =	vld.idx.msk [tilespmem:v28+s22+$0x0], $0xffff  }
0x91: {  	v34 =	vld.idx.msk [tilespmem:v29+s0+$0x0], $0xffff  }
0x92: {  	v35 =	vld.idx.msk [tilespmem:v30+s1+$0x0], $0xffff  }
0x93: {  	v36 =	vld.idx.msk [tilespmem:v31+s5+$0x0], $0xffff  }
0x94: {  	v17 =	vadd.f32 v18, v17;
	v18 =	vadd.f32 v20, v19;
	v37 =	vld.idx.msk [tilespmem:v32+s6+$0x0], $0xffff  }
0x95: {  	v20 =	vadd.f32 v22, v21;
	v21 =	vadd.f32 v61, v23;
	_ =	sdelay $0x1  }
0x96: {  	v17 =	vadd.f32 v18, v17;
	v18 =	vadd.f32 v21, v20;
	v45 =	vld.idx.msk [tilespmem:v2+s19+$0x0], $0xffff  }
0x97: {  	v46 =	vld.idx.msk [tilespmem:v3+s21+$0x0], $0xffff;
	v38 =	vadd.f32 v7, v6;
	v33 =	vadd.f32 v33, v8  }
0x98: {  	v23 =	vld.idx.msk [tilespmem:v4+s22+$0x0], $0xffff;
	v34 =	vadd.f32 v35, v34;
	v43 =	vadd.f32 v37, v36  }
0x99: {  	v20 =	vld.idx.msk [tilespmem:v5+s0+$0x0], $0xffff;
	v17 =	vadd.f32 v18, v17  }
0x9a: {  	v44 =	vld.idx.msk [tilespmem:v1+s20+$0x0], $0xffff;
	v33 =	vadd.f32 v33, v38;
	v34 =	vadd.f32 v43, v34  }
0x9b: {  	[tilespmem:s17+$0x14C00] =	vst.add.f32.msk $0xffff, v17  }
0x9c: {  	v6 =	vld [tilespmem:s18+$0x1800];
	v33 =	vadd.f32 v34, v33  }
0x9d: {  	v7 =	vld [tilespmem:s18+$0x1C00]  }
0x9e: {  	[tilespmem:s18+$0x14410] =	vst.add.f32.msk $0xffff, v33  }
0x9f: {  	v33 =	vld.idx.msk [tilespmem:v62+s9+$0x0], $0xffff  }
0xa0: {  	v47 =	vld.idx.msk [tilespmem:v63+s30+$0x0], $0xffff  }
0xa1: {  	v48 =	vld.idx.msk [tilespmem:v27+s31+$0x0], $0xffff  }
0xa2: {  	v39 =	vld.idx.msk [tilespmem:v28+s10+$0x0], $0xffff  }
0xa3: {  	s20 =	simm.s32 $0x9800;
	v40 =	vld.idx.msk [tilespmem:v29+s11+$0x0], $0xffff  }
0xa4: {  	v41 =	vld.idx.msk [tilespmem:v30+s20+$0x0], $0xffff  }
0xa5: {  	s21 =	simm.s32 $0xB800;
	v19 =	vld.idx.msk [tilespmem:v31+s13+$0x0], $0xffff  }
0xa6: {  	v22 =	vld.idx.msk [tilespmem:v32+s21+$0x0], $0xffff  }
0xa7: {  	v8 =	vld [tilespmem:s18+$0x2000]  }
0xa8: {  	v12 =	vld.idx.msk [tilespmem:v12+s12+$0x0], $0xffff  }
0xa9: {  	v13 =	vld.idx.msk [tilespmem:v13+s14+$0x0], $0xffff  }
0xaa: {  	v14 =	vld.idx.msk [tilespmem:v14+s23+$0x0], $0xffff;
	v49 =	vadd.f32 v47, v33;
	v51 =	vadd.f32 v39, v48  }
0xab: {  	v15 =	vld.idx.msk [tilespmem:v15+s24+$0x0], $0xffff;
	v52 =	vadd.f32 v41, v40;
	v19 =	vadd.f32 v22, v19  }
0xac: {  	v16 =	vld.idx.msk [tilespmem:v16+s25+$0x0], $0xffff  }
0xad: {  	v21 =	vld.idx.msk [tilespmem:v6+s1+$0x0], $0xffff;
	v17 =	vadd.f32 v51, v49;
	v19 =	vadd.f32 v19, v52  }
0xae: {  	v18 =	vld.idx.msk [tilespmem:v7+s5+$0x0], $0xffff  }
0xaf: {  	v50 =	vld.idx.msk [tilespmem:v8+s6+$0x0], $0xffff;
	v17 =	vadd.f32 v19, v17  }
0xb0: {  	v10 =	vld.idx.msk [tilespmem:v10+s26+$0x0], $0xffff  }
0xb1: {  	s20 =	simm.s32 $0x4C00;
	[tilespmem:s18+$0x14810] =	vst.add.f32.msk $0xffff, v17  }
0xb2: {  	s22 =	simm.s32 $0x5C00;
	v17 =	vld.idx.msk [tilespmem:v62+s20+$0x0], $0xffff  }
0xb3: {  	s2 =	simm.s32 $0x6C00;
	v22 =	vadd.f32 v23, v46;
	v20 =	vadd.f32 v21, v20;
	v23 =	vld.idx.msk [tilespmem:v63+s22+$0x0], $0xffff  }
0xb4: {  	s7 =	simm.s32 $0x7C00;
	v18 =	vadd.f32 v50, v18;
	v19 =	vadd.f32 v45, v44;
	v21 =	vld.idx.msk [tilespmem:v27+s2+$0x0], $0xffff  }
0xb5: {  	v53 =	vld.idx.msk [tilespmem:v28+s7+$0x0], $0xffff  }
0xb6: {  	v18 =	vadd.f32 v18, v20;
	v19 =	vadd.f32 v22, v19;
	v20 =	vld.idx.msk [tilespmem:v29+s15+$0x0], $0xffff  }
0xb7: {  	v22 =	vld.idx.msk [tilespmem:v30+s16+$0x0], $0xffff  }
0xb8: {  	v54 =	vld.idx.msk [tilespmem:v32+s3+$0x0], $0xffff;
	v18 =	vadd.f32 v18, v19  }
0xb9: {  	v19 =	vld.idx.msk [tilespmem:v31+s4+$0x0], $0xffff  }
0xba: {  	[tilespmem:s18+$0x14400] =	vst.add.f32.msk $0xffff, v18  }
0xbb: {  	v18 =	vld.idx.msk [tilespmem:v1+s9+$0x0], $0xffff  }
0xbc: {  	v55 =	vld.idx.msk [tilespmem:v2+s30+$0x0], $0xffff  }
0xbd: {  	v56 =	vld.idx.msk [tilespmem:v3+s31+$0x0], $0xffff;
	v17 =	vadd.f32 v23, v17;
	v21 =	vadd.f32 v53, v21  }
0xbe: {  	v57 =	vld.idx.msk [tilespmem:v4+s10+$0x0], $0xffff;
	v20 =	vadd.f32 v22, v20;
	v19 =	vadd.f32 v54, v19  }
0xbf: {  	v58 =	vld.idx.msk [tilespmem:v7+s13+$0x0], $0xffff  }
0xc0: {  	s19 =	simm.s32 $0x9800;
	v23 =	vld.idx.msk [tilespmem:v5+s11+$0x0], $0xffff;
	v17 =	vadd.f32 v21, v17;
	v19 =	vadd.f32 v19, v20  }
0xc1: {  	s8 =	simm.s32 $0xB800;
	v22 =	vld.idx.msk [tilespmem:v6+s19+$0x0], $0xffff  }
0xc2: {  	v21 =	vld.idx.msk [tilespmem:v8+s8+$0x0], $0xffff;
	v17 =	vadd.f32 v19, v17  }
0xc3: {  	v20 =	vld.idx.msk [tilespmem:v11+s28+$0x0], $0xffff  }
0xc4: {  	[tilespmem:s18+$0x14C10] =	vst.add.f32.msk $0xffff, v17  }
0xc5: {  	v11 =	vld.idx.msk [tilespmem:v62+s12+$0x0], $0xffff  }
0xc6: {  	v22 =	vadd.f32 v22, v23;
	v17 =	vadd.f32 v55, v18;
	v19 =	vld.idx.msk [tilespmem:v63+s14+$0x0], $0xffff  }
0xc7: {  	v18 =	vadd.f32 v57, v56;
	v21 =	vadd.f32 v21, v58;
	v23 =	vld.idx.msk [tilespmem:v27+s23+$0x0], $0xffff  }
0xc8: {  	v59 =	vld.idx.msk [tilespmem:v28+s24+$0x0], $0xffff  }
0xc9: {  	v60 =	vld.idx.msk [tilespmem:v32+s29+$0x0], $0xffff;
	v17 =	vadd.f32 v18, v17;
	v18 =	vadd.f32 v21, v22  }
0xca: {  	v21 =	vld.idx.msk [tilespmem:v29+s25+$0x0], $0xffff  }
0xcb: {  	v22 =	vld.idx.msk [tilespmem:v30+s26+$0x0], $0xffff;
	v17 =	vadd.f32 v18, v17  }
0xcc: {  	v18 =	vld.idx.msk [tilespmem:v31+s28+$0x0], $0xffff  }
0xcd: {  	s21 =	simm.s32 $0x4C00;
	[tilespmem:s18+$0x14800] =	vst.add.f32.msk $0xffff, v17  }
0xce: {  	v17 =	vld.idx.msk [tilespmem:v1+s21+$0x0], $0xffff  }
0xcf: {  	v12 =	vadd.f32 v13, v12;
	v13 =	vadd.f32 v15, v14;
	v61 =	vld.idx.msk [tilespmem:v2+s22+$0x0], $0xffff  }
0xd0: {  	v14 =	vadd.f32 v19, v11;
	v15 =	vadd.f32 v59, v23;
	v62 =	vld.idx.msk [tilespmem:v3+s2+$0x0], $0xffff  }
0xd1: {  	v63 =	vld.idx.msk [tilespmem:v4+s7+$0x0], $0xffff;
	v21 =	vadd.f32 v22, v21;
	v18 =	vadd.f32 v60, v18  }
0xd2: {  	v19 =	vadd.f32 v13, v12;
	v11 =	vld.idx.msk [tilespmem:v5+s15+$0x0], $0xffff  }
0xd3: {  	v13 =	vld.idx.msk [tilespmem:v6+s16+$0x0], $0xffff;
	v15 =	vadd.f32 v15, v14;
	v18 =	vadd.f32 v18, v21  }
0xd4: {  	v12 =	vld.idx.msk [tilespmem:v7+s4+$0x0], $0xffff  }
0xd5: {  	v14 =	vld.idx.msk [tilespmem:v8+s3+$0x0], $0xffff;
	v21 =	vadd.f32 v10, v16;
	v10 =	vadd.f32 v18, v15  }
0xd6: {  	s20 =	simm.s32 $0x100;
	s19 =	simm.s32 $0x2;
	s22 =	simm.s32 $0x4400;
	v16 =	vadd.f32 v61, v17;
	v17 =	vadd.f32 v63, v62;
	v15 =	vld.idx.msk [tilespmem:v9+s29+$0x0], $0xffff  }
.LBB2_5:
0xd7: {  	s21 =	sshra.s32 s20, $0x2;
	[tilespmem:s18+$0x15010] =	vst.add.f32.msk $0xffff, v10  }
0xd8: {  	v9 =	vadd.f32 v13, v11;
	v10 =	vld [tilespmem:s21+$0x410];
	v17 =	vadd.f32 v17, v16  }
0xd9: {  	v13 =	vld [tilespmem:s21+$0x810]  }
0xda: {  	v16 =	vadd.f32 v14, v12;
	v11 =	vld [tilespmem:s21+$0xC10]  }
0xdb: {  	v18 =	vadd.f32 v15, v20;
	v14 =	vld [tilespmem:s21+$0x1010]  }
0xdc: {  	v9 =	vadd.f32 v16, v9;
	v12 =	vld [tilespmem:s21+$0x1410]  }
0xdd: {  	v18 =	vadd.f32 v18, v21;
	v15 =	vld [tilespmem:s21+$0x1810]  }
0xde: {  	v20 =	vadd.f32 v9, v17;
	v16 =	vld [tilespmem:s21+$0x1C10]  }
0xdf: {  	v9 =	vadd.f32 v18, v19;
	v17 =	vld [tilespmem:s21+$0x2010]  }
0xe0: {  	s30 =	simm.s32 $0x5400;
	v18 =	vld.idx.msk [tilespmem:v10+s22+$0x0], $0xffff  }
0xe1: {  	s31 =	simm.s32 $0x6400;
	v19 =	vld.idx.msk [tilespmem:v13+s30+$0x0], $0xffff  }
0xe2: {  	s0 =	simm.s32 $0x7400;
	v21 =	vld.idx.msk [tilespmem:v11+s31+$0x0], $0xffff  }
0xe3: {  	s1 =	simm.s32 $0x8400;
	v22 =	vld.idx.msk [tilespmem:v14+s0+$0x0], $0xffff  }
0xe4: {  	s5 =	simm.s32 $0x9400;
	v23 =	vld.idx.msk [tilespmem:v12+s1+$0x0], $0xffff  }
0xe5: {  	s6 =	simm.s32 $0xA400;
	v24 =	vld.idx.msk [tilespmem:v15+s5+$0x0], $0xffff  }
0xe6: {  	s7 =	simm.s32 $0xB400;
	v25 =	vld.idx.msk [tilespmem:v16+s6+$0x0], $0xffff  }
0xe7: {  	v26 =	vld.idx.msk [tilespmem:v17+s7+$0x0], $0xffff  }
0xe8: {  	v27 =	vld [tilespmem:s21+$0x400]  }
0xe9: {  	v28 =	vld [tilespmem:s21+$0x800]  }
0xea: {  	v29 =	vld [tilespmem:s21+$0xC00]  }
0xeb: {  	v30 =	vld [tilespmem:s21+$0x1000]  }
0xec: {  	v19 =	vadd.f32 v19, v18;
	v21 =	vadd.f32 v22, v21;
	v31 =	vld [tilespmem:s21+$0x1400]  }
0xed: {  	v23 =	vadd.f32 v24, v23;
	v24 =	vadd.f32 v26, v25;
	v22 =	vld [tilespmem:s21+$0x1800]  }
0xee: {  	v25 =	vld [tilespmem:s21+$0x1C00]  }
0xef: {  	v19 =	vadd.f32 v21, v19;
	v21 =	vadd.f32 v24, v23;
	v18 =	vld [tilespmem:s21+$0x2000]  }
0xf0: {  	v23 =	vld.idx.msk [tilespmem:v27+s22+$0x0], $0xffff  }
0xf1: {  	v19 =	vadd.f32 v21, v19;
	v24 =	vld.idx.msk [tilespmem:v28+s30+$0x0], $0xffff  }
0xf2: {  	v21 =	vld.idx.msk [tilespmem:v29+s31+$0x0], $0xffff  }
0xf3: {  	s19 =	sadd.s32 $0x2, s19;
	s30 =	simm.s32 $0x4800;
	[tilespmem:s21+$0x14410] =	vst.add.f32.msk $0xffff, v19  }
0xf4: {  	p0 =	slt.u32 s19, $0x3E;
	s31 =	simm.s32 $0x5800;
	v19 =	vld.idx.msk [tilespmem:v10+s30+$0x0], $0xffff  }
0xf5: {  	s8 =	simm.s32 $0x6800;
	v26 =	vld.idx.msk [tilespmem:v13+s31+$0x0], $0xffff  }
0xf6: {  	s9 =	simm.s32 $0x7800;
	v32 =	vld.idx.msk [tilespmem:v11+s8+$0x0], $0xffff  }
0xf7: {  	s10 =	simm.s32 $0x8800;
	v23 =	vadd.f32 v24, v23;
	v24 =	vld.idx.msk [tilespmem:v14+s9+$0x0], $0xffff  }
0xf8: {  	s13 =	simm.s32 $0x9800;
	v33 =	vld.idx.msk [tilespmem:v12+s10+$0x0], $0xffff  }
0xf9: {  	s2 =	simm.s32 $0xA800;
	v34 =	vld.idx.msk [tilespmem:v15+s13+$0x0], $0xffff  }
0xfa: {  	s11 =	simm.s32 $0xB800;
	v35 =	vld.idx.msk [tilespmem:v16+s2+$0x0], $0xffff  }
0xfb: {  	v36 =	vld.idx.msk [tilespmem:v17+s11+$0x0], $0xffff  }
0xfc: {  	v37 =	vld.idx.msk [tilespmem:v30+s0+$0x0], $0xffff  }
0xfd: {  	v38 =	vld.idx.msk [tilespmem:v31+s1+$0x0], $0xffff  }
0xfe: {  	v39 =	vld.idx.msk [tilespmem:v22+s5+$0x0], $0xffff  }
0xff: {  	v40 =	vld.idx.msk [tilespmem:v25+s6+$0x0], $0xffff  }
0x100: {  	v19 =	vadd.f32 v26, v19;
	v24 =	vadd.f32 v24, v32;
	v41 =	vld.idx.msk [tilespmem:v18+s7+$0x0], $0xffff  }
0x101: {  	v26 =	vadd.f32 v34, v33;
	v32 =	vadd.f32 v36, v35;
	[tilespmem:s18+$0x14C00] =	vst.add.f32.msk $0xffff, v20  }
0x102: {  	v20 =	vadd.f32 v37, v21;
	v21 =	vld.idx.msk [tilespmem:v1+s12+$0x0], $0xffff;
	v1 =	vmov v27  }
0x103: {  	v19 =	vadd.f32 v24, v19;
	v24 =	vadd.f32 v32, v26;
	v26 =	vld.idx.msk [tilespmem:v2+s14+$0x0], $0xffff;
	v2 =	vmov v28  }
0x104: {  	v27 =	vadd.f32 v39, v38;
	v20 =	vadd.f32 v20, v23;
	v23 =	vld.idx.msk [tilespmem:v3+s23+$0x0], $0xffff;
	v3 =	vmov v29  }
0x105: {  	v19 =	vadd.f32 v24, v19;
	v24 =	vld.idx.msk [tilespmem:v4+s24+$0x0], $0xffff;
	v4 =	vmov v30  }
0x106: {  	v28 =	vadd.f32 v41, v40;
	v29 =	vld.idx.msk [tilespmem:v5+s25+$0x0], $0xffff;
	v5 =	vmov v31  }
0x107: {  	s0 =	simm.s32 $0x4C00;
	[tilespmem:s21+$0x14810] =	vst.add.f32.msk $0xffff, v19  }
0x108: {  	s1 =	simm.s32 $0x5C00;
	v19 =	vadd.f32 v28, v27;
	v27 =	vld.idx.msk [tilespmem:v10+s0+$0x0], $0xffff  }
0x109: {  	s5 =	simm.s32 $0x6C00;
	v21 =	vadd.f32 v26, v21;
	v28 =	vld.idx.msk [tilespmem:v13+s1+$0x0], $0xffff  }
0x10a: {  	s6 =	simm.s32 $0x7C00;
	v20 =	vadd.f32 v19, v20;
	v26 =	vld.idx.msk [tilespmem:v11+s5+$0x0], $0xffff  }
0x10b: {  	v19 =	vadd.f32 v24, v23;
	v30 =	vld.idx.msk [tilespmem:v14+s6+$0x0], $0xffff  }
0x10c: {  	v23 =	vld.idx.msk [tilespmem:v12+s15+$0x0], $0xffff  }
0x10d: {  	v19 =	vadd.f32 v19, v21;
	v24 =	vld.idx.msk [tilespmem:v15+s16+$0x0], $0xffff  }
0x10e: {  	v21 =	vld.idx.msk [tilespmem:v16+s4+$0x0], $0xffff  }
0x10f: {  	v31 =	vld.idx.msk [tilespmem:v17+s3+$0x0], $0xffff  }
0x110: {  	[tilespmem:s21+$0x14400] =	vst.add.f32.msk $0xffff, v20  }
0x111: {  	v20 =	vld.idx.msk [tilespmem:v1+s30+$0x0], $0xffff  }
0x112: {  	v32 =	vld.idx.msk [tilespmem:v2+s31+$0x0], $0xffff  }
0x113: {  	v33 =	vld.idx.msk [tilespmem:v3+s8+$0x0], $0xffff  }
0x114: {  	v27 =	vadd.f32 v28, v27;
	v26 =	vadd.f32 v30, v26;
	v34 =	vld.idx.msk [tilespmem:v4+s9+$0x0], $0xffff  }
0x115: {  	v23 =	vadd.f32 v24, v23;
	v21 =	vadd.f32 v31, v21;
	v28 =	vld.idx.msk [tilespmem:v5+s10+$0x0], $0xffff  }
0x116: {  	v24 =	vld.idx.msk [tilespmem:v22+s13+$0x0], $0xffff  }
0x117: {  	v26 =	vadd.f32 v26, v27;
	v21 =	vadd.f32 v21, v23;
	v30 =	vld.idx.msk [tilespmem:v25+s2+$0x0], $0xffff  }
0x118: {  	v27 =	vadd.f32 v32, v20;
	v23 =	vld.idx.msk [tilespmem:v18+s11+$0x0], $0xffff  }
0x119: {  	v21 =	vadd.f32 v21, v26;
	v26 =	vld.idx.msk [tilespmem:v6+s26+$0x0], $0xffff;
	v6 =	vmov v22  }
0x11a: {  	v22 =	vadd.f32 v34, v33;
	v20 =	vld.idx.msk [tilespmem:v7+s28+$0x0], $0xffff;
	v7 =	vmov v25  }
0x11b: {  	[tilespmem:s21+$0x14C10] =	vst.add.f32.msk $0xffff, v21  }
0x11c: {  	v24 =	vadd.f32 v24, v28;
	v22 =	vadd.f32 v22, v27;
	v10 =	vld.idx.msk [tilespmem:v10+s12+$0x0], $0xffff  }
0x11d: {  	v13 =	vld.idx.msk [tilespmem:v13+s14+$0x0], $0xffff  }
0x11e: {  	v23 =	vadd.f32 v23, v30;
	v11 =	vld.idx.msk [tilespmem:v11+s23+$0x0], $0xffff  }
0x11f: {  	v21 =	vadd.f32 v26, v29;
	v14 =	vld.idx.msk [tilespmem:v14+s24+$0x0], $0xffff  }
0x120: {  	v23 =	vadd.f32 v23, v24;
	v12 =	vld.idx.msk [tilespmem:v12+s25+$0x0], $0xffff  }
0x121: {  	v15 =	vld.idx.msk [tilespmem:v15+s26+$0x0], $0xffff  }
0x122: {  	v22 =	vadd.f32 v23, v22;
	v16 =	vld.idx.msk [tilespmem:v16+s28+$0x0], $0xffff  }
0x123: {  	v17 =	vld.idx.msk [tilespmem:v17+s29+$0x0], $0xffff  }
0x124: {  	[tilespmem:s21+$0x14800] =	vst.add.f32.msk $0xffff, v22  }
0x125: {  	v22 =	vld.idx.msk [tilespmem:v1+s0+$0x0], $0xffff  }
0x126: {  	v23 =	vld.idx.msk [tilespmem:v2+s1+$0x0], $0xffff  }
0x127: {  	v24 =	vld.idx.msk [tilespmem:v3+s5+$0x0], $0xffff  }
0x128: {  	v10 =	vadd.f32 v13, v10;
	v14 =	vadd.f32 v14, v11;
	v25 =	vld.idx.msk [tilespmem:v4+s6+$0x0], $0xffff  }
0x129: {  	v15 =	vadd.f32 v15, v12;
	v16 =	vadd.f32 v17, v16;
	v11 =	vld.idx.msk [tilespmem:v5+s15+$0x0], $0xffff  }
.Ltmp1:
0x12a: {  	v13 =	vld.idx.msk [tilespmem:v6+s16+$0x0], $0xffff;
	(pc) =	sbr.rel @p0 .LBB2_5-.Ltmp1, $4  }
0x12b: {  	v10 =	vadd.f32 v14, v10;
	v15 =	vadd.f32 v16, v15;
	v12 =	vld.idx.msk [tilespmem:v7+s4+$0x0], $0xffff  }
0x12c: {  	v16 =	vadd.f32 v23, v22;
	v14 =	vld.idx.msk [tilespmem:v18+s3+$0x0], $0xffff  }
0x12d: {  	v10 =	vadd.f32 v15, v10;
	v15 =	vld.idx.msk [tilespmem:v8+s29+$0x0], $0xffff;
	v8 =	vmov v18  }
0x12e: {  	s20 =	sadd.s32 $0x80, s20;
	v17 =	vadd.f32 v25, v24;
	[tilespmem:s17+$0x15000] =	vst.add.f32.msk $0xffff, v9;
	s17 =	smov.u32 s18;
	s18 =	smov.u32 s21  }
0x12f: {  	_ =	sdelay $0x1  }
0x130: {  	v9 =	vadd.f32 v13, v11;
	v11 =	vadd.f32 v14, v12;
	_ =	sdelay $0x1  }
0x131: {  	v12 =	vadd.f32 v17, v16;
	v9 =	vadd.f32 v11, v9;
	_ =	sdelay $0x1  }
0x132: {  	v9 =	vadd.f32 v9, v12;
	_ =	sdelay $0x1  }
0x133: {  	[tilespmem:s18+$0x14C00] =	vst.add.f32.msk $0xffff, v9  }
0x134: {  	v1 =	vld.idx.msk [tilespmem:v1+s12+$0x0], $0xffff  }
0x135: {  	v2 =	vld.idx.msk [tilespmem:v2+s14+$0x0], $0xffff  }
0x136: {  	v3 =	vld.idx.msk [tilespmem:v3+s23+$0x0], $0xffff  }
0x137: {  	v4 =	vld.idx.msk [tilespmem:v4+s24+$0x0], $0xffff  }
0x138: {  	v5 =	vld.idx.msk [tilespmem:v5+s25+$0x0], $0xffff  }
0x139: {  	v6 =	vld.idx.msk [tilespmem:v6+s26+$0x0], $0xffff  }
0x13a: {  	v7 =	vld.idx.msk [tilespmem:v7+s28+$0x0], $0xffff  }
0x13b: {  	v8 =	vld.idx.msk [tilespmem:v8+s29+$0x0], $0xffff;
	_ =	sdelay $0x2  }
0x13c: {  	v9 =	vadd.f32 v15, v20  }
0x13d: {  	v1 =	vadd.f32 v2, v1;
	v2 =	vadd.f32 v4, v3  }
0x13e: {  	v3 =	vadd.f32 v6, v5;
	v4 =	vadd.f32 v8, v7  }
0x13f: {  	v5 =	vadd.f32 v9, v21  }
0x140: {  	s0 =	rddreg [dreg:$0xa];
	v1 =	vadd.f32 v2, v1;
	v2 =	vadd.f32 v4, v3  }
0x141: {  	[tilespmem:s18+$0x15010] =	vst.add.f32.msk $0xffff, v10;
	s0 =	sshll.u32 s0, $0x1;
	v3 =	vadd.f32 v5, v19  }
0x142: {  	[dreg:$0xb] =	wrdreg s0;
	v1 =	vadd.f32 v2, v1  }
0x143: {  	[tilespmem:s17+$0x15000] =	vst.add.f32.msk $0xffff, v3  }
0x144: {  	s20 =	simm.s32 $0x400;
	s19 =	sadd.s32 $0x2, s0;
	[tilespmem:s18+$0x15000] =	vst.add.f32.msk $0xffff, v1  }
0x145: {  	s15 =	simm.s32 $0x20;
	s11 =	sshll.u32 s19, $0xA;
	s18 =	rddreg [dreg:$0x4]  }
0x146: {  	s12 =	simm.s32 $0x0;
	s13 =	sshll.u32 s19, $0x5;
	s17 =	sadd.s32 s18, s11  }
0x147: {  	[tilespmem:s20], [sflag:$0x1] =	stream.linear.gather [hbm4b:s17+s12], $0x2000, $0x38;
	[tilespmem:$0x15400] =	vst v63  }
0x148: {  	s16 =	simm.s32 $0x2;
	s14 =	rddreg [dreg:$0x3];
	s17 =	sand.u32 $0x3FFFFFC0, s13  }
0x149: {  	[tilespmem:s22], [sflag:$0x3] =	stream.indirect.gather [hbm4b:s14+s15], $0x400, s17, s15, $0xb8;
	[tilespmem:$0x15400] =	vst v63  }
0x14a: {  	_ =	swait.ge [sflag:s16], $0x2000  }
0x14b: {  	[sflag:s16] =	ssyncset.done $0x0  }
0x14c: {  	s17 =	simm.s32 $0x4;
	[sflag:s16] =	ssyncadd.s32 $0xFFFFE000  }
0x14d: {  	_ =	swait.ge [sflag:s17], $0x8000  }
0x14e: {  	[sflag:s17] =	ssyncset.done $0x0  }
0x14f: {  	[sflag:s17] =	ssyncadd.s32 $0xFFFF8000;
	s17 =	simm.s32 $0x0  }
0x150: {  	v1 =	vld [tilespmem:s17+$0x2410]  }
0x151: {  	v2 =	vld [tilespmem:s17+$0x2810]  }
0x152: {  	v3 =	vld [tilespmem:s17+$0x2C10]  }
0x153: {  	v4 =	vld [tilespmem:s17+$0x3010]  }
0x154: {  	v5 =	vld [tilespmem:s17+$0x3410]  }
0x155: {  	v6 =	vld [tilespmem:s17+$0x3810]  }
0x156: {  	v7 =	vld [tilespmem:s17+$0x3C10]  }
0x157: {  	s5 =	simm.s32 $0xC400;
	v8 =	vld [tilespmem:s17+$0x4010]  }
0x158: {  	s6 =	simm.s32 $0xD400;
	v9 =	vld.idx.msk [tilespmem:v1+s5+$0x0], $0xffff  }
0x159: {  	s7 =	simm.s32 $0xE400;
	v10 =	vld.idx.msk [tilespmem:v2+s6+$0x0], $0xffff  }
0x15a: {  	s11 =	simm.s32 $0xF400;
	v11 =	vld.idx.msk [tilespmem:v3+s7+$0x0], $0xffff  }
0x15b: {  	s13 =	simm.s32 $0x10400;
	v12 =	vld.idx.msk [tilespmem:v4+s11+$0x0], $0xffff  }
0x15c: {  	s12 =	simm.s32 $0x11400;
	v13 =	vld.idx.msk [tilespmem:v5+s13+$0x0], $0xffff  }
0x15d: {  	s14 =	simm.s32 $0x12400;
	v14 =	vld.idx.msk [tilespmem:v6+s12+$0x0], $0xffff  }
0x15e: {  	s15 =	simm.s32 $0x13400;
	v15 =	vld.idx.msk [tilespmem:v7+s14+$0x0], $0xffff  }
0x15f: {  	v16 =	vld.idx.msk [tilespmem:v8+s15+$0x0], $0xffff;
	_ =	sdelay $0x3  }
0x160: {  	v9 =	vadd.f32 v10, v9;
	v10 =	vadd.f32 v12, v11;
	v12 =	vld [tilespmem:s17+$0x2400]  }
0x161: {  	v11 =	vadd.f32 v14, v13;
	v15 =	vadd.f32 v16, v15;
	v13 =	vld [tilespmem:s17+$0x2800]  }
0x162: {  	v14 =	vld [tilespmem:s17+$0x2C00]  }
0x163: {  	v16 =	vld [tilespmem:s17+$0x3400];
	v9 =	vadd.f32 v10, v9;
	v10 =	vadd.f32 v15, v11  }
0x164: {  	v15 =	vld [tilespmem:s17+$0x3000]  }
0x165: {  	v11 =	vld [tilespmem:s17+$0x3C00];
	v9 =	vadd.f32 v10, v9  }
0x166: {  	v10 =	vld [tilespmem:s17+$0x3800]  }
0x167: {  	s16 =	simm.s32 $0xC800;
	[tilespmem:s17+$0x14410] =	vst.add.f32.msk $0xffff, v9  }
0x168: {  	s19 =	simm.s32 $0xD800;
	v17 =	vld.idx.msk [tilespmem:v1+s16+$0x0], $0xffff  }
0x169: {  	s20 =	simm.s32 $0xE800;
	v18 =	vld.idx.msk [tilespmem:v2+s19+$0x0], $0xffff  }
0x16a: {  	s21 =	simm.s32 $0xF800;
	v19 =	vld.idx.msk [tilespmem:v3+s20+$0x0], $0xffff  }
0x16b: {  	s23 =	simm.s32 $0x10800;
	v20 =	vld.idx.msk [tilespmem:v4+s21+$0x0], $0xffff  }
0x16c: {  	s18 =	simm.s32 $0x11800;
	v21 =	vld.idx.msk [tilespmem:v5+s23+$0x0], $0xffff  }
0x16d: {  	s24 =	simm.s32 $0x12800;
	v22 =	vld.idx.msk [tilespmem:v6+s18+$0x0], $0xffff  }
0x16e: {  	s22 =	simm.s32 $0x13800;
	v23 =	vld.idx.msk [tilespmem:v7+s24+$0x0], $0xffff  }
0x16f: {  	v24 =	vld.idx.msk [tilespmem:v8+s22+$0x0], $0xffff  }
0x170: {  	v9 =	vld [tilespmem:s17+$0x4000]  }
0x171: {  	v25 =	vld.idx.msk [tilespmem:v12+s5+$0x0], $0xffff  }
0x172: {  	v26 =	vld.idx.msk [tilespmem:v13+s6+$0x0], $0xffff  }
0x173: {  	v17 =	vadd.f32 v18, v17;
	v18 =	vadd.f32 v20, v19;
	v19 =	vld.idx.msk [tilespmem:v14+s7+$0x0], $0xffff  }
0x174: {  	v20 =	vadd.f32 v22, v21;
	v21 =	vadd.f32 v24, v23;
	v22 =	vld.idx.msk [tilespmem:v15+s11+$0x0], $0xffff  }
0x175: {  	v23 =	vld.idx.msk [tilespmem:v16+s13+$0x0], $0xffff  }
0x176: {  	v17 =	vadd.f32 v18, v17;
	v18 =	vadd.f32 v21, v20;
	v20 =	vld.idx.msk [tilespmem:v10+s12+$0x0], $0xffff  }
0x177: {  	v21 =	vld.idx.msk [tilespmem:v11+s14+$0x0], $0xffff  }
0x178: {  	v17 =	vadd.f32 v18, v17;
	v18 =	vld.idx.msk [tilespmem:v9+s15+$0x0], $0xffff;
	_ =	sdelay $0x1  }
0x179: {  	s25 =	simm.s32 $0xCC00;
	[tilespmem:s17+$0x14810] =	vst.add.f32.msk $0xffff, v17  }
0x17a: {  	s26 =	simm.s32 $0xDC00;
	v17 =	vld.idx.msk [tilespmem:v1+s25+$0x0], $0xffff  }
0x17b: {  	s3 =	simm.s32 $0xEC00;
	v25 =	vadd.f32 v26, v25;
	v19 =	vadd.f32 v22, v19;
	v57 =	vld.idx.msk [tilespmem:v2+s26+$0x0], $0xffff  }
0x17c: {  	s28 =	simm.s32 $0x12C00;
	v22 =	vld.idx.msk [tilespmem:v3+s3+$0x0], $0xffff;
	v20 =	vadd.f32 v20, v23;
	v18 =	vadd.f32 v18, v21  }
0x17d: {  	s25 =	simm.s32 $0x10C00;
	v58 =	vld.idx.msk [tilespmem:v7+s28+$0x0], $0xffff  }
0x17e: {  	s4 =	simm.s32 $0xFC00;
	v19 =	vadd.f32 v19, v25;
	v23 =	vld.idx.msk [tilespmem:v5+s25+$0x0], $0xffff;
	v18 =	vadd.f32 v18, v20  }
0x17f: {  	s26 =	simm.s32 $0x11C00;
	v21 =	vld.idx.msk [tilespmem:v4+s4+$0x0], $0xffff  }
0x180: {  	s29 =	simm.s32 $0x13C00;
	v20 =	vld.idx.msk [tilespmem:v6+s26+$0x0], $0xffff;
	v18 =	vadd.f32 v18, v19  }
0x181: {  	v19 =	vld.idx.msk [tilespmem:v8+s29+$0x0], $0xffff  }
0x182: {  	[tilespmem:s17+$0x14400] =	vst.add.f32.msk $0xffff, v18  }
0x183: {  	v18 =	vld.idx.msk [tilespmem:v12+s16+$0x0], $0xffff  }
0x184: {  	v59 =	vld.idx.msk [tilespmem:v13+s19+$0x0], $0xffff  }
0x185: {  	v17 =	vadd.f32 v57, v17;
	v21 =	vadd.f32 v21, v22;
	v22 =	vld.idx.msk [tilespmem:v14+s20+$0x0], $0xffff  }
0x186: {  	v20 =	vadd.f32 v20, v23;
	v23 =	vld.idx.msk [tilespmem:v15+s21+$0x0], $0xffff;
	v19 =	vadd.f32 v19, v58  }
0x187: {  	v60 =	vld.idx.msk [tilespmem:v16+s23+$0x0], $0xffff  }
0x188: {  	s2 =	simm.s32 $0x11800;
	v17 =	vadd.f32 v21, v17;
	v21 =	vld.idx.msk [tilespmem:v11+s24+$0x0], $0xffff;
	v19 =	vadd.f32 v19, v20  }
0x189: {  	s1 =	simm.s32 $0x13800;
	v20 =	vld.idx.msk [tilespmem:v10+s2+$0x0], $0xffff  }
0x18a: {  	v17 =	vadd.f32 v19, v17;
	v19 =	vld.idx.msk [tilespmem:v9+s1+$0x0], $0xffff;
	_ =	sdelay $0x1  }
0x18b: {  	s30 =	simm.s32 $0xD000;
	[tilespmem:s17+$0x14C10] =	vst.add.f32.msk $0xffff, v17  }
0x18c: {  	s31 =	simm.s32 $0xE000;
	v1 =	vld.idx.msk [tilespmem:v1+s30+$0x0], $0xffff  }
0x18d: {  	s22 =	simm.s32 $0xF000;
	v17 =	vadd.f32 v59, v18;
	v18 =	vadd.f32 v23, v22;
	v2 =	vld.idx.msk [tilespmem:v2+s31+$0x0], $0xffff  }
0x18e: {  	s0 =	simm.s32 $0x10000;
	v3 =	vld.idx.msk [tilespmem:v3+s22+$0x0], $0xffff;
	v20 =	vadd.f32 v20, v60;
	v19 =	vadd.f32 v19, v21  }
0x18f: {  	s1 =	simm.s32 $0x11000;
	v4 =	vld.idx.msk [tilespmem:v4+s0+$0x0], $0xffff  }
0x190: {  	s2 =	simm.s32 $0x12000;
	v5 =	vld.idx.msk [tilespmem:v5+s1+$0x0], $0xffff;
	v17 =	vadd.f32 v18, v17;
	v18 =	vadd.f32 v19, v20  }
0x191: {  	s3 =	simm.s32 $0x13000;
	v6 =	vld.idx.msk [tilespmem:v6+s2+$0x0], $0xffff  }
0x192: {  	s4 =	simm.s32 $0x14000;
	v7 =	vld.idx.msk [tilespmem:v7+s3+$0x0], $0xffff;
	v17 =	vadd.f32 v18, v17  }
0x193: {  	v8 =	vld.idx.msk [tilespmem:v8+s4+$0x0], $0xffff  }
0x194: {  	s18 =	simm.s32 $0xCC00;
	[tilespmem:s17+$0x14800] =	vst.add.f32.msk $0xffff, v17  }
0x195: {  	s8 =	simm.s32 $0xDC00;
	v17 =	vld.idx.msk [tilespmem:v12+s18+$0x0], $0xffff  }
0x196: {  	s9 =	simm.s32 $0xEC00;
	v18 =	vld.idx.msk [tilespmem:v13+s8+$0x0], $0xffff  }
0x197: {  	s10 =	simm.s32 $0xFC00;
	v19 =	vld.idx.msk [tilespmem:v14+s9+$0x0], $0xffff  }
0x198: {  	v20 =	vld.idx.msk [tilespmem:v15+s10+$0x0], $0xffff  }
0x199: {  	v21 =	vld.idx.msk [tilespmem:v16+s25+$0x0], $0xffff  }
0x19a: {  	v22 =	vld.idx.msk [tilespmem:v10+s26+$0x0], $0xffff  }
0x19b: {  	v23 =	vld.idx.msk [tilespmem:v11+s28+$0x0], $0xffff  }
0x19c: {  	v61 =	vld.idx.msk [tilespmem:v9+s29+$0x0], $0xffff;
	s18 =	simm.s32 $0x20  }
0x19d: {  	v62 =	vld [tilespmem:s18+$0x2410]  }
0x19e: {  	v63 =	vld [tilespmem:s18+$0x2810]  }
0x19f: {  	v27 =	vld [tilespmem:s18+$0x2C10]  }
0x1a0: {  	v1 =	vadd.f32 v2, v1;
	v2 =	vadd.f32 v4, v3;
	v28 =	vld [tilespmem:s18+$0x3010]  }
0x1a1: {  	v3 =	vadd.f32 v6, v5;
	v4 =	vadd.f32 v8, v7;
	v29 =	vld [tilespmem:s18+$0x3410]  }
0x1a2: {  	v30 =	vld [tilespmem:s18+$0x3810]  }
0x1a3: {  	v1 =	vadd.f32 v2, v1;
	v2 =	vadd.f32 v4, v3;
	v31 =	vld [tilespmem:s18+$0x3C10]  }
0x1a4: {  	v32 =	vld [tilespmem:s18+$0x4010]  }
0x1a5: {  	v1 =	vadd.f32 v2, v1;
	v2 =	vld [tilespmem:s18+$0x2800]  }
0x1a6: {  	v3 =	vld [tilespmem:s18+$0x2C00]  }
0x1a7: {  	v4 =	vld [tilespmem:s18+$0x3000]  }
0x1a8: {  	v5 =	vld [tilespmem:s18+$0x3400]  }
0x1a9: {  	[tilespmem:s17+$0x15010] =	vst.add.f32.msk $0xffff, v1  }
0x1aa: {  	v1 =	vld [tilespmem:s18+$0x2400]  }
0x1ab: {  	v6 =	vld.idx.msk [tilespmem:v62+s5+$0x0], $0xffff  }
0x1ac: {  	v7 =	vld.idx.msk [tilespmem:v63+s6+$0x0], $0xffff  }
0x1ad: {  	v8 =	vld.idx.msk [tilespmem:v27+s7+$0x0], $0xffff  }
0x1ae: {  	v33 =	vld.idx.msk [tilespmem:v28+s11+$0x0], $0xffff  }
0x1af: {  	v34 =	vld.idx.msk [tilespmem:v29+s13+$0x0], $0xffff  }
0x1b0: {  	v35 =	vld.idx.msk [tilespmem:v30+s12+$0x0], $0xffff  }
0x1b1: {  	v36 =	vld.idx.msk [tilespmem:v31+s14+$0x0], $0xffff  }
0x1b2: {  	v17 =	vadd.f32 v18, v17;
	v18 =	vadd.f32 v20, v19;
	v37 =	vld.idx.msk [tilespmem:v32+s15+$0x0], $0xffff  }
0x1b3: {  	v20 =	vadd.f32 v22, v21;
	v21 =	vadd.f32 v61, v23;
	_ =	sdelay $0x1  }
0x1b4: {  	v17 =	vadd.f32 v18, v17;
	v18 =	vadd.f32 v21, v20;
	v45 =	vld.idx.msk [tilespmem:v2+s6+$0x0], $0xffff  }
0x1b5: {  	v46 =	vld.idx.msk [tilespmem:v3+s7+$0x0], $0xffff;
	v38 =	vadd.f32 v7, v6;
	v33 =	vadd.f32 v33, v8  }
0x1b6: {  	v23 =	vld.idx.msk [tilespmem:v4+s11+$0x0], $0xffff;
	v34 =	vadd.f32 v35, v34;
	v43 =	vadd.f32 v37, v36  }
0x1b7: {  	v20 =	vld.idx.msk [tilespmem:v5+s13+$0x0], $0xffff;
	v17 =	vadd.f32 v18, v17  }
0x1b8: {  	v44 =	vld.idx.msk [tilespmem:v1+s5+$0x0], $0xffff;
	v33 =	vadd.f32 v33, v38;
	v34 =	vadd.f32 v43, v34  }
0x1b9: {  	[tilespmem:s17+$0x14C00] =	vst.add.f32.msk $0xffff, v17  }
0x1ba: {  	v6 =	vld [tilespmem:s18+$0x3800];
	v33 =	vadd.f32 v34, v33  }
0x1bb: {  	v7 =	vld [tilespmem:s18+$0x3C00]  }
0x1bc: {  	[tilespmem:s18+$0x14410] =	vst.add.f32.msk $0xffff, v33  }
0x1bd: {  	v33 =	vld.idx.msk [tilespmem:v62+s16+$0x0], $0xffff  }
0x1be: {  	v47 =	vld.idx.msk [tilespmem:v63+s19+$0x0], $0xffff  }
0x1bf: {  	v48 =	vld.idx.msk [tilespmem:v27+s20+$0x0], $0xffff  }
0x1c0: {  	v39 =	vld.idx.msk [tilespmem:v28+s21+$0x0], $0xffff  }
0x1c1: {  	s6 =	simm.s32 $0x11800;
	v40 =	vld.idx.msk [tilespmem:v29+s23+$0x0], $0xffff  }
0x1c2: {  	v41 =	vld.idx.msk [tilespmem:v30+s6+$0x0], $0xffff  }
0x1c3: {  	s7 =	simm.s32 $0x13800;
	v19 =	vld.idx.msk [tilespmem:v31+s24+$0x0], $0xffff  }
0x1c4: {  	v22 =	vld.idx.msk [tilespmem:v32+s7+$0x0], $0xffff  }
0x1c5: {  	v8 =	vld [tilespmem:s18+$0x4000]  }
0x1c6: {  	v12 =	vld.idx.msk [tilespmem:v12+s30+$0x0], $0xffff  }
0x1c7: {  	v13 =	vld.idx.msk [tilespmem:v13+s31+$0x0], $0xffff  }
0x1c8: {  	v14 =	vld.idx.msk [tilespmem:v14+s22+$0x0], $0xffff;
	v49 =	vadd.f32 v47, v33;
	v51 =	vadd.f32 v39, v48  }
0x1c9: {  	v15 =	vld.idx.msk [tilespmem:v15+s0+$0x0], $0xffff;
	v52 =	vadd.f32 v41, v40;
	v19 =	vadd.f32 v22, v19  }
0x1ca: {  	v16 =	vld.idx.msk [tilespmem:v16+s1+$0x0], $0xffff  }
0x1cb: {  	v21 =	vld.idx.msk [tilespmem:v6+s12+$0x0], $0xffff;
	v17 =	vadd.f32 v51, v49;
	v19 =	vadd.f32 v19, v52  }
0x1cc: {  	v18 =	vld.idx.msk [tilespmem:v7+s14+$0x0], $0xffff  }
0x1cd: {  	v50 =	vld.idx.msk [tilespmem:v8+s15+$0x0], $0xffff;
	v17 =	vadd.f32 v19, v17  }
0x1ce: {  	v10 =	vld.idx.msk [tilespmem:v10+s2+$0x0], $0xffff  }
0x1cf: {  	s13 =	simm.s32 $0xCC00;
	[tilespmem:s18+$0x14810] =	vst.add.f32.msk $0xffff, v17  }
0x1d0: {  	s15 =	simm.s32 $0xDC00;
	v17 =	vld.idx.msk [tilespmem:v62+s13+$0x0], $0xffff  }
0x1d1: {  	s8 =	simm.s32 $0xEC00;
	v22 =	vadd.f32 v23, v46;
	v20 =	vadd.f32 v21, v20;
	v23 =	vld.idx.msk [tilespmem:v63+s15+$0x0], $0xffff  }
0x1d2: {  	s9 =	simm.s32 $0xFC00;
	v18 =	vadd.f32 v50, v18;
	v19 =	vadd.f32 v45, v44;
	v21 =	vld.idx.msk [tilespmem:v27+s8+$0x0], $0xffff  }
0x1d3: {  	v53 =	vld.idx.msk [tilespmem:v28+s9+$0x0], $0xffff  }
0x1d4: {  	v18 =	vadd.f32 v18, v20;
	v19 =	vadd.f32 v22, v19;
	v20 =	vld.idx.msk [tilespmem:v29+s25+$0x0], $0xffff  }
0x1d5: {  	v22 =	vld.idx.msk [tilespmem:v30+s26+$0x0], $0xffff  }
0x1d6: {  	v54 =	vld.idx.msk [tilespmem:v32+s29+$0x0], $0xffff;
	v18 =	vadd.f32 v18, v19  }
0x1d7: {  	v19 =	vld.idx.msk [tilespmem:v31+s28+$0x0], $0xffff  }
0x1d8: {  	[tilespmem:s18+$0x14400] =	vst.add.f32.msk $0xffff, v18  }
0x1d9: {  	v18 =	vld.idx.msk [tilespmem:v1+s16+$0x0], $0xffff  }
0x1da: {  	v55 =	vld.idx.msk [tilespmem:v2+s19+$0x0], $0xffff  }
0x1db: {  	v56 =	vld.idx.msk [tilespmem:v3+s20+$0x0], $0xffff;
	v17 =	vadd.f32 v23, v17;
	v21 =	vadd.f32 v53, v21  }
0x1dc: {  	v57 =	vld.idx.msk [tilespmem:v4+s21+$0x0], $0xffff;
	v20 =	vadd.f32 v22, v20;
	v19 =	vadd.f32 v54, v19  }
0x1dd: {  	v58 =	vld.idx.msk [tilespmem:v7+s24+$0x0], $0xffff  }
0x1de: {  	s10 =	simm.s32 $0x11800;
	v23 =	vld.idx.msk [tilespmem:v5+s23+$0x0], $0xffff;
	v17 =	vadd.f32 v21, v17;
	v19 =	vadd.f32 v19, v20  }
0x1df: {  	s6 =	simm.s32 $0x13800;
	v22 =	vld.idx.msk [tilespmem:v6+s10+$0x0], $0xffff  }
0x1e0: {  	v21 =	vld.idx.msk [tilespmem:v8+s6+$0x0], $0xffff;
	v17 =	vadd.f32 v19, v17  }
0x1e1: {  	v20 =	vld.idx.msk [tilespmem:v11+s3+$0x0], $0xffff  }
0x1e2: {  	[tilespmem:s18+$0x14C10] =	vst.add.f32.msk $0xffff, v17  }
0x1e3: {  	v11 =	vld.idx.msk [tilespmem:v62+s30+$0x0], $0xffff  }
0x1e4: {  	v22 =	vadd.f32 v22, v23;
	v17 =	vadd.f32 v55, v18;
	v19 =	vld.idx.msk [tilespmem:v63+s31+$0x0], $0xffff  }
0x1e5: {  	v18 =	vadd.f32 v57, v56;
	v21 =	vadd.f32 v21, v58;
	v23 =	vld.idx.msk [tilespmem:v27+s22+$0x0], $0xffff  }
0x1e6: {  	v59 =	vld.idx.msk [tilespmem:v28+s0+$0x0], $0xffff  }
0x1e7: {  	v60 =	vld.idx.msk [tilespmem:v32+s4+$0x0], $0xffff;
	v17 =	vadd.f32 v18, v17;
	v18 =	vadd.f32 v21, v22  }
0x1e8: {  	v21 =	vld.idx.msk [tilespmem:v29+s1+$0x0], $0xffff  }
0x1e9: {  	v22 =	vld.idx.msk [tilespmem:v30+s2+$0x0], $0xffff;
	v17 =	vadd.f32 v18, v17  }
0x1ea: {  	v18 =	vld.idx.msk [tilespmem:v31+s3+$0x0], $0xffff  }
0x1eb: {  	s14 =	simm.s32 $0xCC00;
	[tilespmem:s18+$0x14800] =	vst.add.f32.msk $0xffff, v17  }
0x1ec: {  	v17 =	vld.idx.msk [tilespmem:v1+s14+$0x0], $0xffff  }
0x1ed: {  	v12 =	vadd.f32 v13, v12;
	v13 =	vadd.f32 v15, v14;
	v61 =	vld.idx.msk [tilespmem:v2+s15+$0x0], $0xffff  }
0x1ee: {  	v14 =	vadd.f32 v19, v11;
	v15 =	vadd.f32 v59, v23;
	v62 =	vld.idx.msk [tilespmem:v3+s8+$0x0], $0xffff  }
0x1ef: {  	v63 =	vld.idx.msk [tilespmem:v4+s9+$0x0], $0xffff;
	v21 =	vadd.f32 v22, v21;
	v18 =	vadd.f32 v60, v18  }
0x1f0: {  	v19 =	vadd.f32 v13, v12;
	v11 =	vld.idx.msk [tilespmem:v5+s25+$0x0], $0xffff  }
0x1f1: {  	v13 =	vld.idx.msk [tilespmem:v6+s26+$0x0], $0xffff;
	v15 =	vadd.f32 v15, v14;
	v18 =	vadd.f32 v18, v21  }
0x1f2: {  	v12 =	vld.idx.msk [tilespmem:v7+s28+$0x0], $0xffff  }
0x1f3: {  	v14 =	vld.idx.msk [tilespmem:v8+s29+$0x0], $0xffff;
	v21 =	vadd.f32 v10, v16;
	v10 =	vadd.f32 v18, v15  }
0x1f4: {  	s19 =	simm.s32 $0x2;
	s20 =	simm.s32 $0x100;
	v16 =	vadd.f32 v61, v17;
	v17 =	vadd.f32 v63, v62;
	v15 =	vld.idx.msk [tilespmem:v9+s4+$0x0], $0xffff  }
.LBB2_7:
0x1f5: {  	s21 =	sshra.s32 s20, $0x2;
	[tilespmem:s18+$0x15010] =	vst.add.f32.msk $0xffff, v10  }
0x1f6: {  	v9 =	vadd.f32 v13, v11;
	v10 =	vld [tilespmem:s21+$0x2410];
	v17 =	vadd.f32 v17, v16  }
0x1f7: {  	v13 =	vld [tilespmem:s21+$0x2810]  }
0x1f8: {  	v16 =	vadd.f32 v14, v12;
	v11 =	vld [tilespmem:s21+$0x2C10]  }
0x1f9: {  	v18 =	vadd.f32 v15, v20;
	v14 =	vld [tilespmem:s21+$0x3010]  }
0x1fa: {  	v9 =	vadd.f32 v16, v9;
	v12 =	vld [tilespmem:s21+$0x3410]  }
0x1fb: {  	v18 =	vadd.f32 v18, v21;
	v15 =	vld [tilespmem:s21+$0x3810]  }
0x1fc: {  	v20 =	vadd.f32 v9, v17;
	v16 =	vld [tilespmem:s21+$0x3C10]  }
0x1fd: {  	s6 =	simm.s32 $0xC400;
	v9 =	vadd.f32 v18, v19;
	v17 =	vld [tilespmem:s21+$0x4010]  }
0x1fe: {  	s7 =	simm.s32 $0xD400;
	v18 =	vld.idx.msk [tilespmem:v10+s6+$0x0], $0xffff  }
0x1ff: {  	s8 =	simm.s32 $0xE400;
	v19 =	vld.idx.msk [tilespmem:v13+s7+$0x0], $0xffff  }
0x200: {  	s9 =	simm.s32 $0xF400;
	v21 =	vld.idx.msk [tilespmem:v11+s8+$0x0], $0xffff  }
0x201: {  	s10 =	simm.s32 $0x10400;
	v22 =	vld.idx.msk [tilespmem:v14+s9+$0x0], $0xffff  }
0x202: {  	s11 =	simm.s32 $0x11400;
	v23 =	vld.idx.msk [tilespmem:v12+s10+$0x0], $0xffff  }
0x203: {  	s12 =	simm.s32 $0x12400;
	v24 =	vld.idx.msk [tilespmem:v15+s11+$0x0], $0xffff  }
0x204: {  	s13 =	simm.s32 $0x13400;
	v25 =	vld.idx.msk [tilespmem:v16+s12+$0x0], $0xffff  }
0x205: {  	v26 =	vld.idx.msk [tilespmem:v17+s13+$0x0], $0xffff  }
0x206: {  	v27 =	vld [tilespmem:s21+$0x2400]  }
0x207: {  	v28 =	vld [tilespmem:s21+$0x2800]  }
0x208: {  	v29 =	vld [tilespmem:s21+$0x2C00]  }
0x209: {  	v30 =	vld [tilespmem:s21+$0x3000]  }
0x20a: {  	v19 =	vadd.f32 v19, v18;
	v21 =	vadd.f32 v22, v21;
	v31 =	vld [tilespmem:s21+$0x3400]  }
0x20b: {  	v23 =	vadd.f32 v24, v23;
	v24 =	vadd.f32 v26, v25;
	v22 =	vld [tilespmem:s21+$0x3800]  }
0x20c: {  	v25 =	vld [tilespmem:s21+$0x3C00]  }
0x20d: {  	v19 =	vadd.f32 v21, v19;
	v21 =	vadd.f32 v24, v23;
	v18 =	vld [tilespmem:s21+$0x4000]  }
0x20e: {  	s5 =	simm.s32 $0xC400;
	v23 =	vld.idx.msk [tilespmem:v27+s6+$0x0], $0xffff  }
0x20f: {  	v19 =	vadd.f32 v21, v19;
	v24 =	vld.idx.msk [tilespmem:v28+s7+$0x0], $0xffff  }
0x210: {  	v21 =	vld.idx.msk [tilespmem:v29+s8+$0x0], $0xffff  }
0x211: {  	s19 =	sadd.s32 $0x2, s19;
	s6 =	simm.s32 $0xC800;
	[tilespmem:s21+$0x14410] =	vst.add.f32.msk $0xffff, v19  }
0x212: {  	p0 =	slt.u32 s19, $0x3E;
	s7 =	simm.s32 $0xD800;
	v19 =	vld.idx.msk [tilespmem:v10+s6+$0x0], $0xffff  }
0x213: {  	s8 =	simm.s32 $0xE800;
	v26 =	vld.idx.msk [tilespmem:v13+s7+$0x0], $0xffff  }
0x214: {  	s14 =	simm.s32 $0xF800;
	v32 =	vld.idx.msk [tilespmem:v11+s8+$0x0], $0xffff  }
0x215: {  	s15 =	simm.s32 $0x10800;
	v23 =	vadd.f32 v24, v23;
	v24 =	vld.idx.msk [tilespmem:v14+s14+$0x0], $0xffff  }
0x216: {  	s16 =	simm.s32 $0x11800;
	v33 =	vld.idx.msk [tilespmem:v12+s15+$0x0], $0xffff  }
0x217: {  	s23 =	simm.s32 $0x12800;
	v34 =	vld.idx.msk [tilespmem:v15+s16+$0x0], $0xffff  }
0x218: {  	s24 =	simm.s32 $0x13800;
	v35 =	vld.idx.msk [tilespmem:v16+s23+$0x0], $0xffff  }
0x219: {  	v36 =	vld.idx.msk [tilespmem:v17+s24+$0x0], $0xffff  }
0x21a: {  	v37 =	vld.idx.msk [tilespmem:v30+s9+$0x0], $0xffff  }
0x21b: {  	v38 =	vld.idx.msk [tilespmem:v31+s10+$0x0], $0xffff  }
0x21c: {  	v39 =	vld.idx.msk [tilespmem:v22+s11+$0x0], $0xffff  }
0x21d: {  	v40 =	vld.idx.msk [tilespmem:v25+s12+$0x0], $0xffff  }
0x21e: {  	v19 =	vadd.f32 v26, v19;
	v24 =	vadd.f32 v24, v32;
	v41 =	vld.idx.msk [tilespmem:v18+s13+$0x0], $0xffff  }
0x21f: {  	v26 =	vadd.f32 v34, v33;
	v32 =	vadd.f32 v36, v35;
	[tilespmem:s18+$0x14C00] =	vst.add.f32.msk $0xffff, v20  }
0x220: {  	v20 =	vadd.f32 v37, v21;
	v21 =	vld.idx.msk [tilespmem:v1+s30+$0x0], $0xffff;
	v1 =	vmov v27  }
0x221: {  	v19 =	vadd.f32 v24, v19;
	v24 =	vadd.f32 v32, v26;
	v26 =	vld.idx.msk [tilespmem:v2+s31+$0x0], $0xffff;
	v2 =	vmov v28  }
0x222: {  	v27 =	vadd.f32 v39, v38;
	v20 =	vadd.f32 v20, v23;
	v23 =	vld.idx.msk [tilespmem:v3+s22+$0x0], $0xffff;
	v3 =	vmov v29  }
0x223: {  	v19 =	vadd.f32 v24, v19;
	v24 =	vld.idx.msk [tilespmem:v4+s0+$0x0], $0xffff;
	v4 =	vmov v30  }
0x224: {  	v28 =	vadd.f32 v41, v40;
	v29 =	vld.idx.msk [tilespmem:v5+s1+$0x0], $0xffff;
	v5 =	vmov v31  }
0x225: {  	s9 =	simm.s32 $0xCC00;
	[tilespmem:s21+$0x14810] =	vst.add.f32.msk $0xffff, v19  }
0x226: {  	s10 =	simm.s32 $0xDC00;
	v19 =	vadd.f32 v28, v27;
	v27 =	vld.idx.msk [tilespmem:v10+s9+$0x0], $0xffff  }
0x227: {  	s11 =	simm.s32 $0xEC00;
	v21 =	vadd.f32 v26, v21;
	v28 =	vld.idx.msk [tilespmem:v13+s10+$0x0], $0xffff  }
0x228: {  	s12 =	simm.s32 $0xFC00;
	v20 =	vadd.f32 v19, v20;
	v26 =	vld.idx.msk [tilespmem:v11+s11+$0x0], $0xffff  }
0x229: {  	v19 =	vadd.f32 v24, v23;
	v30 =	vld.idx.msk [tilespmem:v14+s12+$0x0], $0xffff  }
0x22a: {  	v23 =	vld.idx.msk [tilespmem:v12+s25+$0x0], $0xffff  }
0x22b: {  	v19 =	vadd.f32 v19, v21;
	v24 =	vld.idx.msk [tilespmem:v15+s26+$0x0], $0xffff  }
0x22c: {  	v21 =	vld.idx.msk [tilespmem:v16+s28+$0x0], $0xffff  }
0x22d: {  	v31 =	vld.idx.msk [tilespmem:v17+s29+$0x0], $0xffff  }
0x22e: {  	[tilespmem:s21+$0x14400] =	vst.add.f32.msk $0xffff, v20  }
0x22f: {  	v20 =	vld.idx.msk [tilespmem:v1+s6+$0x0], $0xffff  }
0x230: {  	v32 =	vld.idx.msk [tilespmem:v2+s7+$0x0], $0xffff  }
0x231: {  	v33 =	vld.idx.msk [tilespmem:v3+s8+$0x0], $0xffff  }
0x232: {  	v27 =	vadd.f32 v28, v27;
	v26 =	vadd.f32 v30, v26;
	v34 =	vld.idx.msk [tilespmem:v4+s14+$0x0], $0xffff  }
0x233: {  	v23 =	vadd.f32 v24, v23;
	v21 =	vadd.f32 v31, v21;
	v28 =	vld.idx.msk [tilespmem:v5+s15+$0x0], $0xffff  }
0x234: {  	v24 =	vld.idx.msk [tilespmem:v22+s16+$0x0], $0xffff  }
0x235: {  	v26 =	vadd.f32 v26, v27;
	v21 =	vadd.f32 v21, v23;
	v30 =	vld.idx.msk [tilespmem:v25+s23+$0x0], $0xffff  }
0x236: {  	v27 =	vadd.f32 v32, v20;
	v23 =	vld.idx.msk [tilespmem:v18+s24+$0x0], $0xffff  }
0x237: {  	v21 =	vadd.f32 v21, v26;
	v26 =	vld.idx.msk [tilespmem:v6+s2+$0x0], $0xffff;
	v6 =	vmov v22  }
0x238: {  	v22 =	vadd.f32 v34, v33;
	v20 =	vld.idx.msk [tilespmem:v7+s3+$0x0], $0xffff;
	v7 =	vmov v25  }
0x239: {  	[tilespmem:s21+$0x14C10] =	vst.add.f32.msk $0xffff, v21  }
0x23a: {  	v24 =	vadd.f32 v24, v28;
	v22 =	vadd.f32 v22, v27;
	v10 =	vld.idx.msk [tilespmem:v10+s30+$0x0], $0xffff  }
0x23b: {  	v13 =	vld.idx.msk [tilespmem:v13+s31+$0x0], $0xffff  }
0x23c: {  	v23 =	vadd.f32 v23, v30;
	v11 =	vld.idx.msk [tilespmem:v11+s22+$0x0], $0xffff  }
0x23d: {  	v21 =	vadd.f32 v26, v29;
	v14 =	vld.idx.msk [tilespmem:v14+s0+$0x0], $0xffff  }
0x23e: {  	v23 =	vadd.f32 v23, v24;
	v12 =	vld.idx.msk [tilespmem:v12+s1+$0x0], $0xffff  }
0x23f: {  	v15 =	vld.idx.msk [tilespmem:v15+s2+$0x0], $0xffff  }
0x240: {  	v22 =	vadd.f32 v23, v22;
	v16 =	vld.idx.msk [tilespmem:v16+s3+$0x0], $0xffff  }
0x241: {  	v17 =	vld.idx.msk [tilespmem:v17+s4+$0x0], $0xffff  }
0x242: {  	[tilespmem:s21+$0x14800] =	vst.add.f32.msk $0xffff, v22  }
0x243: {  	v22 =	vld.idx.msk [tilespmem:v1+s9+$0x0], $0xffff  }
0x244: {  	v23 =	vld.idx.msk [tilespmem:v2+s10+$0x0], $0xffff  }
0x245: {  	v24 =	vld.idx.msk [tilespmem:v3+s11+$0x0], $0xffff  }
0x246: {  	v10 =	vadd.f32 v13, v10;
	v14 =	vadd.f32 v14, v11;
	v25 =	vld.idx.msk [tilespmem:v4+s12+$0x0], $0xffff  }
0x247: {  	v15 =	vadd.f32 v15, v12;
	v16 =	vadd.f32 v17, v16;
	v11 =	vld.idx.msk [tilespmem:v5+s25+$0x0], $0xffff  }
.Ltmp2:
0x248: {  	v13 =	vld.idx.msk [tilespmem:v6+s26+$0x0], $0xffff;
	(pc) =	sbr.rel @p0 .LBB2_7-.Ltmp2, $4  }
0x249: {  	v10 =	vadd.f32 v14, v10;
	v15 =	vadd.f32 v16, v15;
	v12 =	vld.idx.msk [tilespmem:v7+s28+$0x0], $0xffff  }
0x24a: {  	v16 =	vadd.f32 v23, v22;
	v14 =	vld.idx.msk [tilespmem:v18+s29+$0x0], $0xffff  }
0x24b: {  	v10 =	vadd.f32 v15, v10;
	v15 =	vld.idx.msk [tilespmem:v8+s4+$0x0], $0xffff;
	v8 =	vmov v18  }
0x24c: {  	s20 =	sadd.s32 $0x80, s20;
	v17 =	vadd.f32 v25, v24;
	[tilespmem:s17+$0x15000] =	vst.add.f32.msk $0xffff, v9;
	s17 =	smov.u32 s18;
	s18 =	smov.u32 s21  }
0x24d: {  	_ =	sdelay $0x1  }
0x24e: {  	v9 =	vadd.f32 v13, v11;
	v59 =	vadd.f32 v14, v12;
	_ =	sdelay $0x1  }
0x24f: {  	v60 =	vadd.f32 v17, v16;
	v9 =	vadd.f32 v59, v9;
	_ =	sdelay $0x1  }
0x250: {  	v9 =	vadd.f32 v9, v60;
	_ =	sdelay $0x1  }
0x251: {  	[tilespmem:s18+$0x14C00] =	vst.add.f32.msk $0xffff, v9  }
0x252: {  	v1 =	vld.idx.msk [tilespmem:v1+s30+$0x0], $0xffff  }
0x253: {  	v2 =	vld.idx.msk [tilespmem:v2+s31+$0x0], $0xffff  }
0x254: {  	v3 =	vld.idx.msk [tilespmem:v3+s22+$0x0], $0xffff  }
0x255: {  	v4 =	vld.idx.msk [tilespmem:v4+s0+$0x0], $0xffff  }
0x256: {  	v5 =	vld.idx.msk [tilespmem:v5+s1+$0x0], $0xffff  }
0x257: {  	v6 =	vld.idx.msk [tilespmem:v6+s2+$0x0], $0xffff  }
0x258: {  	v7 =	vld.idx.msk [tilespmem:v7+s3+$0x0], $0xffff  }
0x259: {  	v8 =	vld.idx.msk [tilespmem:v8+s4+$0x0], $0xffff;
	_ =	sdelay $0x2  }
0x25a: {  	v61 =	vadd.f32 v15, v20  }
0x25b: {  	v1 =	vadd.f32 v2, v1;
	v2 =	vadd.f32 v4, v3  }
0x25c: {  	v3 =	vadd.f32 v6, v5;
	v62 =	vadd.f32 v8, v7  }
0x25d: {  	v63 =	vadd.f32 v61, v21  }
0x25e: {  	v1 =	vadd.f32 v2, v1;
	v2 =	vadd.f32 v62, v3  }
0x25f: {  	v3 =	vadd.f32 v63, v19  }
0x260: {  	[tilespmem:s18+$0x15010] =	vst.add.f32.msk $0xffff, v10;
	v1 =	vadd.f32 v2, v1  }
0x261: {  	s24 =	rddreg [dreg:$0xb];
	[tilespmem:s17+$0x15000] =	vst.add.f32.msk $0xffff, v3  }
0x262: {  	[tilespmem:s18+$0x15000] =	vst.add.f32.msk $0xffff, v1  }
0x263: {  	s31 =	rddreg [dreg:$0xa]  }
0x264: {  	s26 =	simm.s32 $0x0;
	s20 =	simm.s32 $0x2400;
	s0 =	sadd.s32 $0x1, s31  }
0x265: {  	s30 =	simm.s32 $0x20;
	s19 =	sadd.s32 $0x3, s24;
	p0 =	sne.s32 s0, $0xF  }
.Ltmp3:
0x266: {  	s25 =	sshll.u32 s19, $0xA;
	s18 =	rddreg [dreg:$0x4];
	(pc) =	sbr.rel @p0 .LBB2_4-.Ltmp3, $4  }
0x267: {  	s28 =	sshll.u32 s19, $0x5;
	s29 =	rddreg [dreg:$0x3];
	s17 =	sadd.s32 s18, s25  }
0x268: {  	[tilespmem:s20], [sflag:$0x2] =	stream.linear.gather [hbm4b:s17+s26], $0x2000, $0x38;
	[tilespmem:$0x15400] =	vst v63  }
0x269: {  	s17 =	sand.u32 $0x3FFFFFE0, s28;
	[dreg:$0xa] =	wrdreg s0;
	s20 =	simm.s32 $0x4400  }
0x26a: {  	[tilespmem:s5], [sflag:$0x4] =	stream.indirect.gather [hbm4b:s29+s30], $0x400, s17, s30, $0xb8;
	[tilespmem:$0x15400] =	vst v63  }
0x26b: {  	s17 =	simm.s32 $0x1  }
0x26c: {  	_ =	swait.ge [sflag:s17], $0x2000  }
0x26d: {  	[sflag:s17] =	ssyncset.done $0x0  }
0x26e: {  	s22 =	simm.s32 $0x3;
	[sflag:s17] =	ssyncadd.s32 $0xFFFFE000  }
0x26f: {  	_ =	swait.ge [sflag:s22], $0x8000  }
0x270: {  	[sflag:s22] =	ssyncset.done $0x0  }
0x271: {  	s17 =	simm.s32 $0x0;
	[sflag:s22] =	ssyncadd.s32 $0xFFFF8000  }
0x272: {  	v1 =	vld [tilespmem:s17+$0x410]  }
0x273: {  	v2 =	vld [tilespmem:s17+$0x810]  }
0x274: {  	v3 =	vld [tilespmem:s17+$0xC10]  }
0x275: {  	v4 =	vld [tilespmem:s17+$0x1010]  }
0x276: {  	v5 =	vld [tilespmem:s17+$0x1410]  }
0x277: {  	v6 =	vld [tilespmem:s17+$0x1810]  }
0x278: {  	v7 =	vld [tilespmem:s17+$0x1C10]  }
0x279: {  	v8 =	vld [tilespmem:s17+$0x2010]  }
0x27a: {  	s19 =	simm.s32 $0x5400;
	v9 =	vld.idx.msk [tilespmem:v1+s20+$0x0], $0xffff  }
0x27b: {  	s21 =	simm.s32 $0x6400;
	v10 =	vld.idx.msk [tilespmem:v2+s19+$0x0], $0xffff  }
0x27c: {  	s22 =	simm.s32 $0x7400;
	v11 =	vld.idx.msk [tilespmem:v3+s21+$0x0], $0xffff  }
0x27d: {  	s6 =	simm.s32 $0x8400;
	v12 =	vld.idx.msk [tilespmem:v4+s22+$0x0], $0xffff  }
0x27e: {  	s5 =	simm.s32 $0x9400;
	v13 =	vld.idx.msk [tilespmem:v5+s6+$0x0], $0xffff  }
0x27f: {  	s7 =	simm.s32 $0xA400;
	v14 =	vld.idx.msk [tilespmem:v6+s5+$0x0], $0xffff  }
0x280: {  	s8 =	simm.s32 $0xB400;
	v15 =	vld.idx.msk [tilespmem:v7+s7+$0x0], $0xffff  }
0x281: {  	v16 =	vld.idx.msk [tilespmem:v8+s8+$0x0], $0xffff;
	_ =	sdelay $0x3  }
0x282: {  	v9 =	vadd.f32 v10, v9;
	v10 =	vadd.f32 v12, v11;
	v12 =	vld [tilespmem:s17+$0x400]  }
0x283: {  	v11 =	vadd.f32 v14, v13;
	v15 =	vadd.f32 v16, v15;
	v13 =	vld [tilespmem:s17+$0x800]  }
0x284: {  	v14 =	vld [tilespmem:s17+$0xC00]  }
0x285: {  	v16 =	vld [tilespmem:s17+$0x1400];
	v9 =	vadd.f32 v10, v9;
	v10 =	vadd.f32 v15, v11  }
0x286: {  	v15 =	vld [tilespmem:s17+$0x1000]  }
0x287: {  	v11 =	vld [tilespmem:s17+$0x1C00];
	v9 =	vadd.f32 v10, v9  }
0x288: {  	v10 =	vld [tilespmem:s17+$0x1800]  }
0x289: {  	s9 =	simm.s32 $0x4800;
	[tilespmem:s17+$0x14410] =	vst.add.f32.msk $0xffff, v9  }
0x28a: {  	s30 =	simm.s32 $0x5800;
	v17 =	vld.idx.msk [tilespmem:v1+s9+$0x0], $0xffff  }
0x28b: {  	s31 =	simm.s32 $0x6800;
	v18 =	vld.idx.msk [tilespmem:v2+s30+$0x0], $0xffff  }
0x28c: {  	s10 =	simm.s32 $0x7800;
	v19 =	vld.idx.msk [tilespmem:v3+s31+$0x0], $0xffff  }
0x28d: {  	s11 =	simm.s32 $0x8800;
	v20 =	vld.idx.msk [tilespmem:v4+s10+$0x0], $0xffff  }
0x28e: {  	s0 =	simm.s32 $0x9800;
	v21 =	vld.idx.msk [tilespmem:v5+s11+$0x0], $0xffff  }
0x28f: {  	s13 =	simm.s32 $0xA800;
	v22 =	vld.idx.msk [tilespmem:v6+s0+$0x0], $0xffff  }
0x290: {  	s23 =	simm.s32 $0xB800;
	v23 =	vld.idx.msk [tilespmem:v7+s13+$0x0], $0xffff  }
0x291: {  	v24 =	vld.idx.msk [tilespmem:v8+s23+$0x0], $0xffff  }
0x292: {  	v9 =	vld [tilespmem:s17+$0x2000]  }
0x293: {  	v25 =	vld.idx.msk [tilespmem:v12+s20+$0x0], $0xffff  }
0x294: {  	v26 =	vld.idx.msk [tilespmem:v13+s19+$0x0], $0xffff  }
0x295: {  	v17 =	vadd.f32 v18, v17;
	v18 =	vadd.f32 v20, v19;
	v19 =	vld.idx.msk [tilespmem:v14+s21+$0x0], $0xffff  }
0x296: {  	v20 =	vadd.f32 v22, v21;
	v21 =	vadd.f32 v24, v23;
	v22 =	vld.idx.msk [tilespmem:v15+s22+$0x0], $0xffff  }
0x297: {  	v23 =	vld.idx.msk [tilespmem:v16+s6+$0x0], $0xffff  }
0x298: {  	v17 =	vadd.f32 v18, v17;
	v18 =	vadd.f32 v21, v20;
	v20 =	vld.idx.msk [tilespmem:v10+s5+$0x0], $0xffff  }
0x299: {  	v21 =	vld.idx.msk [tilespmem:v11+s7+$0x0], $0xffff  }
0x29a: {  	v17 =	vadd.f32 v18, v17;
	v18 =	vld.idx.msk [tilespmem:v9+s8+$0x0], $0xffff;
	_ =	sdelay $0x1  }
0x29b: {  	s3 =	simm.s32 $0x4C00;
	[tilespmem:s17+$0x14810] =	vst.add.f32.msk $0xffff, v17  }
0x29c: {  	s24 =	simm.s32 $0x5C00;
	v17 =	vld.idx.msk [tilespmem:v1+s3+$0x0], $0xffff  }
0x29d: {  	s25 =	simm.s32 $0x6C00;
	v25 =	vadd.f32 v26, v25;
	v19 =	vadd.f32 v22, v19;
	v57 =	vld.idx.msk [tilespmem:v2+s24+$0x0], $0xffff  }
0x29e: {  	s15 =	simm.s32 $0x8C00;
	v22 =	vld.idx.msk [tilespmem:v3+s25+$0x0], $0xffff;
	v20 =	vadd.f32 v20, v23;
	v18 =	vadd.f32 v18, v21  }
0x29f: {  	s4 =	simm.s32 $0xAC00;
	v23 =	vld.idx.msk [tilespmem:v5+s15+$0x0], $0xffff  }
0x2a0: {  	s26 =	simm.s32 $0x7C00;
	v19 =	vadd.f32 v19, v25;
	v58 =	vld.idx.msk [tilespmem:v7+s4+$0x0], $0xffff;
	v18 =	vadd.f32 v18, v20  }
0x2a1: {  	s16 =	simm.s32 $0x9C00;
	v21 =	vld.idx.msk [tilespmem:v4+s26+$0x0], $0xffff  }
0x2a2: {  	s3 =	simm.s32 $0xBC00;
	v20 =	vld.idx.msk [tilespmem:v6+s16+$0x0], $0xffff;
	v18 =	vadd.f32 v18, v19  }
0x2a3: {  	v19 =	vld.idx.msk [tilespmem:v8+s3+$0x0], $0xffff  }
0x2a4: {  	[tilespmem:s17+$0x14400] =	vst.add.f32.msk $0xffff, v18  }
0x2a5: {  	v18 =	vld.idx.msk [tilespmem:v12+s9+$0x0], $0xffff  }
0x2a6: {  	v59 =	vld.idx.msk [tilespmem:v13+s30+$0x0], $0xffff  }
0x2a7: {  	v17 =	vadd.f32 v57, v17;
	v21 =	vadd.f32 v21, v22;
	v22 =	vld.idx.msk [tilespmem:v14+s31+$0x0], $0xffff  }
0x2a8: {  	v20 =	vadd.f32 v20, v23;
	v23 =	vld.idx.msk [tilespmem:v15+s10+$0x0], $0xffff;
	v19 =	vadd.f32 v19, v58  }
0x2a9: {  	v60 =	vld.idx.msk [tilespmem:v16+s11+$0x0], $0xffff  }
0x2aa: {  	s14 =	simm.s32 $0x9800;
	v17 =	vadd.f32 v21, v17;
	v21 =	vld.idx.msk [tilespmem:v11+s13+$0x0], $0xffff;
	v19 =	vadd.f32 v19, v20  }
0x2ab: {  	s12 =	simm.s32 $0xB800;
	v20 =	vld.idx.msk [tilespmem:v10+s14+$0x0], $0xffff  }
0x2ac: {  	v17 =	vadd.f32 v19, v17;
	v19 =	vld.idx.msk [tilespmem:v9+s12+$0x0], $0xffff;
	_ =	sdelay $0x1  }
0x2ad: {  	s12 =	simm.s32 $0x5000;
	[tilespmem:s17+$0x14C10] =	vst.add.f32.msk $0xffff, v17  }
0x2ae: {  	s14 =	simm.s32 $0x6000;
	v1 =	vld.idx.msk [tilespmem:v1+s12+$0x0], $0xffff  }
0x2af: {  	s23 =	simm.s32 $0x7000;
	v17 =	vadd.f32 v59, v18;
	v18 =	vadd.f32 v23, v22;
	v2 =	vld.idx.msk [tilespmem:v2+s14+$0x0], $0xffff  }
0x2b0: {  	s24 =	simm.s32 $0x8000;
	v3 =	vld.idx.msk [tilespmem:v3+s23+$0x0], $0xffff;
	v20 =	vadd.f32 v20, v60;
	v19 =	vadd.f32 v19, v21  }
0x2b1: {  	s25 =	simm.s32 $0x9000;
	v4 =	vld.idx.msk [tilespmem:v4+s24+$0x0], $0xffff  }
0x2b2: {  	s26 =	simm.s32 $0xA000;
	v5 =	vld.idx.msk [tilespmem:v5+s25+$0x0], $0xffff;
	v17 =	vadd.f32 v18, v17;
	v18 =	vadd.f32 v19, v20  }
0x2b3: {  	s28 =	simm.s32 $0xB000;
	v6 =	vld.idx.msk [tilespmem:v6+s26+$0x0], $0xffff  }
0x2b4: {  	s29 =	simm.s32 $0xC000;
	v7 =	vld.idx.msk [tilespmem:v7+s28+$0x0], $0xffff;
	v17 =	vadd.f32 v18, v17  }
0x2b5: {  	v8 =	vld.idx.msk [tilespmem:v8+s29+$0x0], $0xffff  }
0x2b6: {  	s18 =	simm.s32 $0x4C00;
	[tilespmem:s17+$0x14800] =	vst.add.f32.msk $0xffff, v17  }
0x2b7: {  	s0 =	simm.s32 $0x5C00;
	v17 =	vld.idx.msk [tilespmem:v12+s18+$0x0], $0xffff  }
0x2b8: {  	s1 =	simm.s32 $0x6C00;
	v18 =	vld.idx.msk [tilespmem:v13+s0+$0x0], $0xffff  }
0x2b9: {  	s2 =	simm.s32 $0x7C00;
	v19 =	vld.idx.msk [tilespmem:v14+s1+$0x0], $0xffff  }
0x2ba: {  	v20 =	vld.idx.msk [tilespmem:v15+s2+$0x0], $0xffff  }
0x2bb: {  	v21 =	vld.idx.msk [tilespmem:v16+s15+$0x0], $0xffff  }
0x2bc: {  	v22 =	vld.idx.msk [tilespmem:v10+s16+$0x0], $0xffff  }
0x2bd: {  	v23 =	vld.idx.msk [tilespmem:v11+s4+$0x0], $0xffff  }
0x2be: {  	v61 =	vld.idx.msk [tilespmem:v9+s3+$0x0], $0xffff;
	s18 =	simm.s32 $0x20  }
0x2bf: {  	v62 =	vld [tilespmem:s18+$0x410]  }
0x2c0: {  	v63 =	vld [tilespmem:s18+$0x810]  }
0x2c1: {  	v27 =	vld [tilespmem:s18+$0xC10]  }
0x2c2: {  	v1 =	vadd.f32 v2, v1;
	v2 =	vadd.f32 v4, v3;
	v28 =	vld [tilespmem:s18+$0x1010]  }
0x2c3: {  	v3 =	vadd.f32 v6, v5;
	v4 =	vadd.f32 v8, v7;
	v29 =	vld [tilespmem:s18+$0x1410]  }
0x2c4: {  	v30 =	vld [tilespmem:s18+$0x1810]  }
0x2c5: {  	v1 =	vadd.f32 v2, v1;
	v2 =	vadd.f32 v4, v3;
	v31 =	vld [tilespmem:s18+$0x1C10]  }
0x2c6: {  	v32 =	vld [tilespmem:s18+$0x2010]  }
0x2c7: {  	v1 =	vadd.f32 v2, v1;
	v2 =	vld [tilespmem:s18+$0x800]  }
0x2c8: {  	v3 =	vld [tilespmem:s18+$0xC00]  }
0x2c9: {  	v4 =	vld [tilespmem:s18+$0x1000]  }
0x2ca: {  	v5 =	vld [tilespmem:s18+$0x1400]  }
0x2cb: {  	[tilespmem:s17+$0x15010] =	vst.add.f32.msk $0xffff, v1  }
0x2cc: {  	v1 =	vld [tilespmem:s18+$0x400]  }
0x2cd: {  	v6 =	vld.idx.msk [tilespmem:v62+s20+$0x0], $0xffff  }
0x2ce: {  	v7 =	vld.idx.msk [tilespmem:v63+s19+$0x0], $0xffff  }
0x2cf: {  	v8 =	vld.idx.msk [tilespmem:v27+s21+$0x0], $0xffff  }
0x2d0: {  	v33 =	vld.idx.msk [tilespmem:v28+s22+$0x0], $0xffff  }
0x2d1: {  	v34 =	vld.idx.msk [tilespmem:v29+s6+$0x0], $0xffff  }
0x2d2: {  	v35 =	vld.idx.msk [tilespmem:v30+s5+$0x0], $0xffff  }
0x2d3: {  	v36 =	vld.idx.msk [tilespmem:v31+s7+$0x0], $0xffff  }
0x2d4: {  	v17 =	vadd.f32 v18, v17;
	v18 =	vadd.f32 v20, v19;
	v37 =	vld.idx.msk [tilespmem:v32+s8+$0x0], $0xffff  }
0x2d5: {  	v20 =	vadd.f32 v22, v21;
	v21 =	vadd.f32 v61, v23;
	_ =	sdelay $0x1  }
0x2d6: {  	v17 =	vadd.f32 v18, v17;
	v18 =	vadd.f32 v21, v20;
	v45 =	vld.idx.msk [tilespmem:v2+s19+$0x0], $0xffff  }
0x2d7: {  	v46 =	vld.idx.msk [tilespmem:v3+s21+$0x0], $0xffff;
	v38 =	vadd.f32 v7, v6;
	v33 =	vadd.f32 v33, v8  }
0x2d8: {  	v23 =	vld.idx.msk [tilespmem:v4+s22+$0x0], $0xffff;
	v34 =	vadd.f32 v35, v34;
	v43 =	vadd.f32 v37, v36  }
0x2d9: {  	v20 =	vld.idx.msk [tilespmem:v5+s6+$0x0], $0xffff;
	v17 =	vadd.f32 v18, v17  }
0x2da: {  	v44 =	vld.idx.msk [tilespmem:v1+s20+$0x0], $0xffff;
	v33 =	vadd.f32 v33, v38;
	v34 =	vadd.f32 v43, v34  }
0x2db: {  	[tilespmem:s17+$0x14C00] =	vst.add.f32.msk $0xffff, v17  }
0x2dc: {  	v6 =	vld [tilespmem:s18+$0x1800];
	v33 =	vadd.f32 v34, v33  }
0x2dd: {  	v7 =	vld [tilespmem:s18+$0x1C00]  }
0x2de: {  	[tilespmem:s18+$0x14410] =	vst.add.f32.msk $0xffff, v33  }
0x2df: {  	v33 =	vld.idx.msk [tilespmem:v62+s9+$0x0], $0xffff  }
0x2e0: {  	v47 =	vld.idx.msk [tilespmem:v63+s30+$0x0], $0xffff  }
0x2e1: {  	v48 =	vld.idx.msk [tilespmem:v27+s31+$0x0], $0xffff  }
0x2e2: {  	v39 =	vld.idx.msk [tilespmem:v28+s10+$0x0], $0xffff  }
0x2e3: {  	s1 =	simm.s32 $0x9800;
	v40 =	vld.idx.msk [tilespmem:v29+s11+$0x0], $0xffff  }
0x2e4: {  	v41 =	vld.idx.msk [tilespmem:v30+s1+$0x0], $0xffff  }
0x2e5: {  	s2 =	simm.s32 $0xB800;
	v19 =	vld.idx.msk [tilespmem:v31+s13+$0x0], $0xffff  }
0x2e6: {  	v22 =	vld.idx.msk [tilespmem:v32+s2+$0x0], $0xffff  }
0x2e7: {  	v8 =	vld [tilespmem:s18+$0x2000]  }
0x2e8: {  	v12 =	vld.idx.msk [tilespmem:v12+s12+$0x0], $0xffff  }
0x2e9: {  	v13 =	vld.idx.msk [tilespmem:v13+s14+$0x0], $0xffff  }
0x2ea: {  	v14 =	vld.idx.msk [tilespmem:v14+s23+$0x0], $0xffff;
	v49 =	vadd.f32 v47, v33;
	v51 =	vadd.f32 v39, v48  }
0x2eb: {  	v15 =	vld.idx.msk [tilespmem:v15+s24+$0x0], $0xffff;
	v52 =	vadd.f32 v41, v40;
	v19 =	vadd.f32 v22, v19  }
0x2ec: {  	v16 =	vld.idx.msk [tilespmem:v16+s25+$0x0], $0xffff  }
0x2ed: {  	v21 =	vld.idx.msk [tilespmem:v6+s5+$0x0], $0xffff;
	v17 =	vadd.f32 v51, v49;
	v19 =	vadd.f32 v19, v52  }
0x2ee: {  	v18 =	vld.idx.msk [tilespmem:v7+s7+$0x0], $0xffff  }
0x2ef: {  	v50 =	vld.idx.msk [tilespmem:v8+s8+$0x0], $0xffff;
	v17 =	vadd.f32 v19, v17  }
0x2f0: {  	v10 =	vld.idx.msk [tilespmem:v10+s26+$0x0], $0xffff  }
0x2f1: {  	s7 =	simm.s32 $0x4C00;
	[tilespmem:s18+$0x14810] =	vst.add.f32.msk $0xffff, v17  }
0x2f2: {  	s8 =	simm.s32 $0x5C00;
	v17 =	vld.idx.msk [tilespmem:v62+s7+$0x0], $0xffff  }
0x2f3: {  	s21 =	simm.s32 $0x6C00;
	v22 =	vadd.f32 v23, v46;
	v20 =	vadd.f32 v21, v20;
	v23 =	vld.idx.msk [tilespmem:v63+s8+$0x0], $0xffff  }
0x2f4: {  	s22 =	simm.s32 $0x7C00;
	v18 =	vadd.f32 v50, v18;
	v19 =	vadd.f32 v45, v44;
	v21 =	vld.idx.msk [tilespmem:v27+s21+$0x0], $0xffff  }
0x2f5: {  	v53 =	vld.idx.msk [tilespmem:v28+s22+$0x0], $0xffff  }
0x2f6: {  	v18 =	vadd.f32 v18, v20;
	v19 =	vadd.f32 v22, v19;
	v20 =	vld.idx.msk [tilespmem:v29+s15+$0x0], $0xffff  }
0x2f7: {  	v22 =	vld.idx.msk [tilespmem:v30+s16+$0x0], $0xffff  }
0x2f8: {  	v54 =	vld.idx.msk [tilespmem:v32+s3+$0x0], $0xffff;
	v18 =	vadd.f32 v18, v19  }
0x2f9: {  	v19 =	vld.idx.msk [tilespmem:v31+s4+$0x0], $0xffff  }
0x2fa: {  	[tilespmem:s18+$0x14400] =	vst.add.f32.msk $0xffff, v18  }
0x2fb: {  	v18 =	vld.idx.msk [tilespmem:v1+s9+$0x0], $0xffff  }
0x2fc: {  	v55 =	vld.idx.msk [tilespmem:v2+s30+$0x0], $0xffff  }
0x2fd: {  	v56 =	vld.idx.msk [tilespmem:v3+s31+$0x0], $0xffff;
	v17 =	vadd.f32 v23, v17;
	v21 =	vadd.f32 v53, v21  }
0x2fe: {  	v57 =	vld.idx.msk [tilespmem:v4+s10+$0x0], $0xffff;
	v20 =	vadd.f32 v22, v20;
	v19 =	vadd.f32 v54, v19  }
0x2ff: {  	v58 =	vld.idx.msk [tilespmem:v7+s13+$0x0], $0xffff  }
0x300: {  	v23 =	vld.idx.msk [tilespmem:v5+s11+$0x0], $0xffff;
	v17 =	vadd.f32 v21, v17;
	v19 =	vadd.f32 v19, v20  }
0x301: {  	v22 =	vld.idx.msk [tilespmem:v6+s1+$0x0], $0xffff  }
0x302: {  	v21 =	vld.idx.msk [tilespmem:v8+s2+$0x0], $0xffff;
	v17 =	vadd.f32 v19, v17  }
0x303: {  	v20 =	vld.idx.msk [tilespmem:v11+s28+$0x0], $0xffff  }
0x304: {  	[tilespmem:s18+$0x14C10] =	vst.add.f32.msk $0xffff, v17  }
0x305: {  	v11 =	vld.idx.msk [tilespmem:v62+s12+$0x0], $0xffff  }
0x306: {  	v22 =	vadd.f32 v22, v23;
	v17 =	vadd.f32 v55, v18;
	v19 =	vld.idx.msk [tilespmem:v63+s14+$0x0], $0xffff  }
0x307: {  	v18 =	vadd.f32 v57, v56;
	v21 =	vadd.f32 v21, v58;
	v23 =	vld.idx.msk [tilespmem:v27+s23+$0x0], $0xffff  }
0x308: {  	v59 =	vld.idx.msk [tilespmem:v28+s24+$0x0], $0xffff  }
0x309: {  	v60 =	vld.idx.msk [tilespmem:v32+s29+$0x0], $0xffff;
	v17 =	vadd.f32 v18, v17;
	v18 =	vadd.f32 v21, v22  }
0x30a: {  	v21 =	vld.idx.msk [tilespmem:v29+s25+$0x0], $0xffff  }
0x30b: {  	v22 =	vld.idx.msk [tilespmem:v30+s26+$0x0], $0xffff;
	v17 =	vadd.f32 v18, v17  }
0x30c: {  	v18 =	vld.idx.msk [tilespmem:v31+s28+$0x0], $0xffff  }
0x30d: {  	[tilespmem:s18+$0x14800] =	vst.add.f32.msk $0xffff, v17  }
0x30e: {  	v17 =	vld.idx.msk [tilespmem:v1+s7+$0x0], $0xffff  }
0x30f: {  	v12 =	vadd.f32 v13, v12;
	v13 =	vadd.f32 v15, v14;
	v61 =	vld.idx.msk [tilespmem:v2+s8+$0x0], $0xffff  }
0x310: {  	v14 =	vadd.f32 v19, v11;
	v15 =	vadd.f32 v59, v23;
	v62 =	vld.idx.msk [tilespmem:v3+s21+$0x0], $0xffff  }
0x311: {  	v63 =	vld.idx.msk [tilespmem:v4+s22+$0x0], $0xffff;
	v21 =	vadd.f32 v22, v21;
	v18 =	vadd.f32 v60, v18  }
0x312: {  	v19 =	vadd.f32 v13, v12;
	v11 =	vld.idx.msk [tilespmem:v5+s15+$0x0], $0xffff  }
0x313: {  	v13 =	vld.idx.msk [tilespmem:v6+s16+$0x0], $0xffff;
	v15 =	vadd.f32 v15, v14;
	v18 =	vadd.f32 v18, v21  }
0x314: {  	v12 =	vld.idx.msk [tilespmem:v7+s4+$0x0], $0xffff  }
0x315: {  	v14 =	vld.idx.msk [tilespmem:v8+s3+$0x0], $0xffff;
	v21 =	vadd.f32 v10, v16;
	v10 =	vadd.f32 v18, v15  }
0x316: {  	s19 =	simm.s32 $0x2;
	s20 =	simm.s32 $0x100;
	s22 =	simm.s32 $0x4400;
	v16 =	vadd.f32 v61, v17;
	v17 =	vadd.f32 v63, v62;
	v15 =	vld.idx.msk [tilespmem:v9+s29+$0x0], $0xffff  }
.LBB2_10:
0x317: {  	s21 =	sshra.s32 s20, $0x2;
	[tilespmem:s18+$0x15010] =	vst.add.f32.msk $0xffff, v10  }
0x318: {  	v9 =	vadd.f32 v13, v11;
	v10 =	vld [tilespmem:s21+$0x410];
	v17 =	vadd.f32 v17, v16  }
0x319: {  	v13 =	vld [tilespmem:s21+$0x810]  }
0x31a: {  	v16 =	vadd.f32 v14, v12;
	v11 =	vld [tilespmem:s21+$0xC10]  }
0x31b: {  	v18 =	vadd.f32 v15, v20;
	v14 =	vld [tilespmem:s21+$0x1010]  }
0x31c: {  	v9 =	vadd.f32 v16, v9;
	v12 =	vld [tilespmem:s21+$0x1410]  }
0x31d: {  	v18 =	vadd.f32 v18, v21;
	v15 =	vld [tilespmem:s21+$0x1810]  }
0x31e: {  	v20 =	vadd.f32 v9, v17;
	v16 =	vld [tilespmem:s21+$0x1C10]  }
0x31f: {  	v9 =	vadd.f32 v18, v19;
	v17 =	vld [tilespmem:s21+$0x2010]  }
0x320: {  	s30 =	simm.s32 $0x5400;
	v18 =	vld.idx.msk [tilespmem:v10+s22+$0x0], $0xffff  }
0x321: {  	s31 =	simm.s32 $0x6400;
	v19 =	vld.idx.msk [tilespmem:v13+s30+$0x0], $0xffff  }
0x322: {  	s0 =	simm.s32 $0x7400;
	v21 =	vld.idx.msk [tilespmem:v11+s31+$0x0], $0xffff  }
0x323: {  	s1 =	simm.s32 $0x8400;
	v22 =	vld.idx.msk [tilespmem:v14+s0+$0x0], $0xffff  }
0x324: {  	s5 =	simm.s32 $0x9400;
	v23 =	vld.idx.msk [tilespmem:v12+s1+$0x0], $0xffff  }
0x325: {  	s6 =	simm.s32 $0xA400;
	v24 =	vld.idx.msk [tilespmem:v15+s5+$0x0], $0xffff  }
0x326: {  	s7 =	simm.s32 $0xB400;
	v25 =	vld.idx.msk [tilespmem:v16+s6+$0x0], $0xffff  }
0x327: {  	v26 =	vld.idx.msk [tilespmem:v17+s7+$0x0], $0xffff  }
0x328: {  	v27 =	vld [tilespmem:s21+$0x400]  }
0x329: {  	v28 =	vld [tilespmem:s21+$0x800]  }
0x32a: {  	v29 =	vld [tilespmem:s21+$0xC00]  }
0x32b: {  	v30 =	vld [tilespmem:s21+$0x1000]  }
0x32c: {  	v19 =	vadd.f32 v19, v18;
	v21 =	vadd.f32 v22, v21;
	v31 =	vld [tilespmem:s21+$0x1400]  }
0x32d: {  	v23 =	vadd.f32 v24, v23;
	v24 =	vadd.f32 v26, v25;
	v22 =	vld [tilespmem:s21+$0x1800]  }
0x32e: {  	v25 =	vld [tilespmem:s21+$0x1C00]  }
0x32f: {  	v19 =	vadd.f32 v21, v19;
	v21 =	vadd.f32 v24, v23;
	v18 =	vld [tilespmem:s21+$0x2000]  }
0x330: {  	v23 =	vld.idx.msk [tilespmem:v27+s22+$0x0], $0xffff  }
0x331: {  	v19 =	vadd.f32 v21, v19;
	v24 =	vld.idx.msk [tilespmem:v28+s30+$0x0], $0xffff  }
0x332: {  	v21 =	vld.idx.msk [tilespmem:v29+s31+$0x0], $0xffff  }
0x333: {  	s19 =	sadd.s32 $0x2, s19;
	s30 =	simm.s32 $0x4800;
	[tilespmem:s21+$0x14410] =	vst.add.f32.msk $0xffff, v19  }
0x334: {  	p0 =	slt.u32 s19, $0x3E;
	s31 =	simm.s32 $0x5800;
	v19 =	vld.idx.msk [tilespmem:v10+s30+$0x0], $0xffff  }
0x335: {  	s8 =	simm.s32 $0x6800;
	v26 =	vld.idx.msk [tilespmem:v13+s31+$0x0], $0xffff  }
0x336: {  	s9 =	simm.s32 $0x7800;
	v32 =	vld.idx.msk [tilespmem:v11+s8+$0x0], $0xffff  }
0x337: {  	s10 =	simm.s32 $0x8800;
	v23 =	vadd.f32 v24, v23;
	v24 =	vld.idx.msk [tilespmem:v14+s9+$0x0], $0xffff  }
0x338: {  	s13 =	simm.s32 $0x9800;
	v33 =	vld.idx.msk [tilespmem:v12+s10+$0x0], $0xffff  }
0x339: {  	s2 =	simm.s32 $0xA800;
	v34 =	vld.idx.msk [tilespmem:v15+s13+$0x0], $0xffff  }
0x33a: {  	s11 =	simm.s32 $0xB800;
	v35 =	vld.idx.msk [tilespmem:v16+s2+$0x0], $0xffff  }
0x33b: {  	v36 =	vld.idx.msk [tilespmem:v17+s11+$0x0], $0xffff  }
0x33c: {  	v37 =	vld.idx.msk [tilespmem:v30+s0+$0x0], $0xffff  }
0x33d: {  	v38 =	vld.idx.msk [tilespmem:v31+s1+$0x0], $0xffff  }
0x33e: {  	v39 =	vld.idx.msk [tilespmem:v22+s5+$0x0], $0xffff  }
0x33f: {  	v40 =	vld.idx.msk [tilespmem:v25+s6+$0x0], $0xffff  }
0x340: {  	v19 =	vadd.f32 v26, v19;
	v24 =	vadd.f32 v24, v32;
	v41 =	vld.idx.msk [tilespmem:v18+s7+$0x0], $0xffff  }
0x341: {  	v26 =	vadd.f32 v34, v33;
	v32 =	vadd.f32 v36, v35;
	[tilespmem:s18+$0x14C00] =	vst.add.f32.msk $0xffff, v20  }
0x342: {  	v20 =	vadd.f32 v37, v21;
	v21 =	vld.idx.msk [tilespmem:v1+s12+$0x0], $0xffff;
	v1 =	vmov v27  }
0x343: {  	v19 =	vadd.f32 v24, v19;
	v24 =	vadd.f32 v32, v26;
	v26 =	vld.idx.msk [tilespmem:v2+s14+$0x0], $0xffff;
	v2 =	vmov v28  }
0x344: {  	v27 =	vadd.f32 v39, v38;
	v20 =	vadd.f32 v20, v23;
	v23 =	vld.idx.msk [tilespmem:v3+s23+$0x0], $0xffff;
	v3 =	vmov v29  }
0x345: {  	v19 =	vadd.f32 v24, v19;
	v24 =	vld.idx.msk [tilespmem:v4+s24+$0x0], $0xffff;
	v4 =	vmov v30  }
0x346: {  	v28 =	vadd.f32 v41, v40;
	v29 =	vld.idx.msk [tilespmem:v5+s25+$0x0], $0xffff;
	v5 =	vmov v31  }
0x347: {  	s0 =	simm.s32 $0x4C00;
	[tilespmem:s21+$0x14810] =	vst.add.f32.msk $0xffff, v19  }
0x348: {  	s1 =	simm.s32 $0x5C00;
	v19 =	vadd.f32 v28, v27;
	v27 =	vld.idx.msk [tilespmem:v10+s0+$0x0], $0xffff  }
0x349: {  	s5 =	simm.s32 $0x6C00;
	v21 =	vadd.f32 v26, v21;
	v28 =	vld.idx.msk [tilespmem:v13+s1+$0x0], $0xffff  }
0x34a: {  	s6 =	simm.s32 $0x7C00;
	v20 =	vadd.f32 v19, v20;
	v26 =	vld.idx.msk [tilespmem:v11+s5+$0x0], $0xffff  }
0x34b: {  	v19 =	vadd.f32 v24, v23;
	v30 =	vld.idx.msk [tilespmem:v14+s6+$0x0], $0xffff  }
0x34c: {  	v23 =	vld.idx.msk [tilespmem:v12+s15+$0x0], $0xffff  }
0x34d: {  	v19 =	vadd.f32 v19, v21;
	v24 =	vld.idx.msk [tilespmem:v15+s16+$0x0], $0xffff  }
0x34e: {  	v21 =	vld.idx.msk [tilespmem:v16+s4+$0x0], $0xffff  }
0x34f: {  	v31 =	vld.idx.msk [tilespmem:v17+s3+$0x0], $0xffff  }
0x350: {  	[tilespmem:s21+$0x14400] =	vst.add.f32.msk $0xffff, v20  }
0x351: {  	v20 =	vld.idx.msk [tilespmem:v1+s30+$0x0], $0xffff  }
0x352: {  	v32 =	vld.idx.msk [tilespmem:v2+s31+$0x0], $0xffff  }
0x353: {  	v33 =	vld.idx.msk [tilespmem:v3+s8+$0x0], $0xffff  }
0x354: {  	v27 =	vadd.f32 v28, v27;
	v26 =	vadd.f32 v30, v26;
	v34 =	vld.idx.msk [tilespmem:v4+s9+$0x0], $0xffff  }
0x355: {  	v23 =	vadd.f32 v24, v23;
	v21 =	vadd.f32 v31, v21;
	v28 =	vld.idx.msk [tilespmem:v5+s10+$0x0], $0xffff  }
0x356: {  	v24 =	vld.idx.msk [tilespmem:v22+s13+$0x0], $0xffff  }
0x357: {  	v26 =	vadd.f32 v26, v27;
	v21 =	vadd.f32 v21, v23;
	v30 =	vld.idx.msk [tilespmem:v25+s2+$0x0], $0xffff  }
0x358: {  	v27 =	vadd.f32 v32, v20;
	v23 =	vld.idx.msk [tilespmem:v18+s11+$0x0], $0xffff  }
0x359: {  	v21 =	vadd.f32 v21, v26;
	v26 =	vld.idx.msk [tilespmem:v6+s26+$0x0], $0xffff;
	v6 =	vmov v22  }
0x35a: {  	v22 =	vadd.f32 v34, v33;
	v20 =	vld.idx.msk [tilespmem:v7+s28+$0x0], $0xffff;
	v7 =	vmov v25  }
0x35b: {  	[tilespmem:s21+$0x14C10] =	vst.add.f32.msk $0xffff, v21  }
0x35c: {  	v24 =	vadd.f32 v24, v28;
	v22 =	vadd.f32 v22, v27;
	v10 =	vld.idx.msk [tilespmem:v10+s12+$0x0], $0xffff  }
0x35d: {  	v13 =	vld.idx.msk [tilespmem:v13+s14+$0x0], $0xffff  }
0x35e: {  	v23 =	vadd.f32 v23, v30;
	v11 =	vld.idx.msk [tilespmem:v11+s23+$0x0], $0xffff  }
0x35f: {  	v21 =	vadd.f32 v26, v29;
	v14 =	vld.idx.msk [tilespmem:v14+s24+$0x0], $0xffff  }
0x360: {  	v23 =	vadd.f32 v23, v24;
	v12 =	vld.idx.msk [tilespmem:v12+s25+$0x0], $0xffff  }
0x361: {  	v15 =	vld.idx.msk [tilespmem:v15+s26+$0x0], $0xffff  }
0x362: {  	v22 =	vadd.f32 v23, v22;
	v16 =	vld.idx.msk [tilespmem:v16+s28+$0x0], $0xffff  }
0x363: {  	v17 =	vld.idx.msk [tilespmem:v17+s29+$0x0], $0xffff  }
0x364: {  	[tilespmem:s21+$0x14800] =	vst.add.f32.msk $0xffff, v22  }
0x365: {  	v22 =	vld.idx.msk [tilespmem:v1+s0+$0x0], $0xffff  }
0x366: {  	v23 =	vld.idx.msk [tilespmem:v2+s1+$0x0], $0xffff  }
0x367: {  	v24 =	vld.idx.msk [tilespmem:v3+s5+$0x0], $0xffff  }
0x368: {  	v10 =	vadd.f32 v13, v10;
	v14 =	vadd.f32 v14, v11;
	v25 =	vld.idx.msk [tilespmem:v4+s6+$0x0], $0xffff  }
0x369: {  	v15 =	vadd.f32 v15, v12;
	v16 =	vadd.f32 v17, v16;
	v11 =	vld.idx.msk [tilespmem:v5+s15+$0x0], $0xffff  }
.Ltmp4:
0x36a: {  	v13 =	vld.idx.msk [tilespmem:v6+s16+$0x0], $0xffff;
	(pc) =	sbr.rel @p0 .LBB2_10-.Ltmp4, $4  }
0x36b: {  	v10 =	vadd.f32 v14, v10;
	v15 =	vadd.f32 v16, v15;
	v12 =	vld.idx.msk [tilespmem:v7+s4+$0x0], $0xffff  }
0x36c: {  	v16 =	vadd.f32 v23, v22;
	v14 =	vld.idx.msk [tilespmem:v18+s3+$0x0], $0xffff  }
0x36d: {  	v10 =	vadd.f32 v15, v10;
	v15 =	vld.idx.msk [tilespmem:v8+s29+$0x0], $0xffff;
	v8 =	vmov v18  }
0x36e: {  	s20 =	sadd.s32 $0x80, s20;
	v17 =	vadd.f32 v25, v24;
	[tilespmem:s17+$0x15000] =	vst.add.f32.msk $0xffff, v9;
	s17 =	smov.u32 s18;
	s18 =	smov.u32 s21  }
0x36f: {  	_ =	sdelay $0x1  }
0x370: {  	v9 =	vadd.f32 v13, v11;
	v11 =	vadd.f32 v14, v12;
	_ =	sdelay $0x1  }
0x371: {  	v12 =	vadd.f32 v17, v16;
	v9 =	vadd.f32 v11, v9;
	_ =	sdelay $0x1  }
0x372: {  	v9 =	vadd.f32 v9, v12;
	_ =	sdelay $0x1  }
0x373: {  	[tilespmem:s18+$0x14C00] =	vst.add.f32.msk $0xffff, v9  }
0x374: {  	v1 =	vld.idx.msk [tilespmem:v1+s12+$0x0], $0xffff  }
0x375: {  	v2 =	vld.idx.msk [tilespmem:v2+s14+$0x0], $0xffff  }
0x376: {  	v3 =	vld.idx.msk [tilespmem:v3+s23+$0x0], $0xffff  }
0x377: {  	v4 =	vld.idx.msk [tilespmem:v4+s24+$0x0], $0xffff  }
0x378: {  	v5 =	vld.idx.msk [tilespmem:v5+s25+$0x0], $0xffff  }
0x379: {  	v6 =	vld.idx.msk [tilespmem:v6+s26+$0x0], $0xffff  }
0x37a: {  	v7 =	vld.idx.msk [tilespmem:v7+s28+$0x0], $0xffff  }
0x37b: {  	v8 =	vld.idx.msk [tilespmem:v8+s29+$0x0], $0xffff;
	_ =	sdelay $0x2  }
0x37c: {  	v9 =	vadd.f32 v15, v20  }
0x37d: {  	v1 =	vadd.f32 v2, v1;
	v2 =	vadd.f32 v4, v3  }
0x37e: {  	v3 =	vadd.f32 v6, v5;
	v4 =	vadd.f32 v8, v7  }
0x37f: {  	v5 =	vadd.f32 v9, v21  }
0x380: {  	v1 =	vadd.f32 v2, v1;
	v2 =	vadd.f32 v4, v3  }
0x381: {  	v3 =	vadd.f32 v5, v19  }
0x382: {  	[tilespmem:s18+$0x15010] =	vst.add.f32.msk $0xffff, v10;
	v1 =	vadd.f32 v2, v1  }
0x383: {  	[tilespmem:s17+$0x15000] =	vst.add.f32.msk $0xffff, v3  }
0x384: {  	s0 =	simm.s32 $0x2;
	[tilespmem:s18+$0x15000] =	vst.add.f32.msk $0xffff, v1  }
0x385: {  	_ =	swait.ge [sflag:s0], $0x2000  }
0x386: {  	[sflag:s0] =	ssyncset.done $0x0  }
0x387: {  	s23 =	simm.s32 $0x4;
	[sflag:s0] =	ssyncadd.s32 $0xFFFFE000  }
0x388: {  	_ =	swait.ge [sflag:s23], $0x8000  }
0x389: {  	[sflag:s23] =	ssyncset.done $0x0  }
0x38a: {  	s17 =	simm.s32 $0x0;
	[sflag:s23] =	ssyncadd.s32 $0xFFFF8000  }
0x38b: {  	v1 =	vld [tilespmem:s17+$0x2410]  }
0x38c: {  	v2 =	vld [tilespmem:s17+$0x2810]  }
0x38d: {  	v3 =	vld [tilespmem:s17+$0x2C10]  }
0x38e: {  	v4 =	vld [tilespmem:s17+$0x3010]  }
0x38f: {  	v5 =	vld [tilespmem:s17+$0x3410]  }
0x390: {  	v6 =	vld [tilespmem:s17+$0x3810]  }
0x391: {  	v7 =	vld [tilespmem:s17+$0x3C10]  }
0x392: {  	s22 =	simm.s32 $0xC400;
	v8 =	vld [tilespmem:s17+$0x4010]  }
0x393: {  	s19 =	simm.s32 $0xD400;
	v9 =	vld.idx.msk [tilespmem:v1+s22+$0x0], $0xffff  }
0x394: {  	s6 =	simm.s32 $0xE400;
	v10 =	vld.idx.msk [tilespmem:v2+s19+$0x0], $0xffff  }
0x395: {  	s10 =	simm.s32 $0xF400;
	v11 =	vld.idx.msk [tilespmem:v3+s6+$0x0], $0xffff  }
0x396: {  	s12 =	simm.s32 $0x10400;
	v12 =	vld.idx.msk [tilespmem:v4+s10+$0x0], $0xffff  }
0x397: {  	s11 =	simm.s32 $0x11400;
	v13 =	vld.idx.msk [tilespmem:v5+s12+$0x0], $0xffff  }
0x398: {  	s13 =	simm.s32 $0x12400;
	v14 =	vld.idx.msk [tilespmem:v6+s11+$0x0], $0xffff  }
0x399: {  	s14 =	simm.s32 $0x13400;
	v15 =	vld.idx.msk [tilespmem:v7+s13+$0x0], $0xffff  }
0x39a: {  	v16 =	vld.idx.msk [tilespmem:v8+s14+$0x0], $0xffff;
	_ =	sdelay $0x3  }
0x39b: {  	v9 =	vadd.f32 v10, v9;
	v10 =	vadd.f32 v12, v11;
	v12 =	vld [tilespmem:s17+$0x2400]  }
0x39c: {  	v11 =	vadd.f32 v14, v13;
	v15 =	vadd.f32 v16, v15;
	v13 =	vld [tilespmem:s17+$0x2800]  }
0x39d: {  	v14 =	vld [tilespmem:s17+$0x2C00]  }
0x39e: {  	v16 =	vld [tilespmem:s17+$0x3400];
	v9 =	vadd.f32 v10, v9;
	v10 =	vadd.f32 v15, v11  }
0x39f: {  	v15 =	vld [tilespmem:s17+$0x3000]  }
0x3a0: {  	v11 =	vld [tilespmem:s17+$0x3C00];
	v9 =	vadd.f32 v10, v9  }
0x3a1: {  	v10 =	vld [tilespmem:s17+$0x3800]  }
0x3a2: {  	s16 =	simm.s32 $0xC800;
	[tilespmem:s17+$0x14410] =	vst.add.f32.msk $0xffff, v9  }
0x3a3: {  	s20 =	simm.s32 $0xD800;
	v17 =	vld.idx.msk [tilespmem:v1+s16+$0x0], $0xffff  }
0x3a4: {  	s21 =	simm.s32 $0xE800;
	v18 =	vld.idx.msk [tilespmem:v2+s20+$0x0], $0xffff  }
0x3a5: {  	s15 =	simm.s32 $0xF800;
	v19 =	vld.idx.msk [tilespmem:v3+s21+$0x0], $0xffff  }
0x3a6: {  	s23 =	simm.s32 $0x10800;
	v20 =	vld.idx.msk [tilespmem:v4+s15+$0x0], $0xffff  }
0x3a7: {  	s24 =	simm.s32 $0x11800;
	v21 =	vld.idx.msk [tilespmem:v5+s23+$0x0], $0xffff  }
0x3a8: {  	s25 =	simm.s32 $0x13800;
	v22 =	vld.idx.msk [tilespmem:v6+s24+$0x0], $0xffff  }
0x3a9: {  	s24 =	simm.s32 $0x12800;
	v24 =	vld.idx.msk [tilespmem:v8+s25+$0x0], $0xffff  }
0x3aa: {  	v23 =	vld.idx.msk [tilespmem:v7+s24+$0x0], $0xffff  }
0x3ab: {  	v9 =	vld [tilespmem:s17+$0x4000]  }
0x3ac: {  	v25 =	vld.idx.msk [tilespmem:v12+s22+$0x0], $0xffff  }
0x3ad: {  	v26 =	vld.idx.msk [tilespmem:v13+s19+$0x0], $0xffff  }
0x3ae: {  	v17 =	vadd.f32 v18, v17;
	v18 =	vadd.f32 v20, v19;
	v19 =	vld.idx.msk [tilespmem:v14+s6+$0x0], $0xffff  }
0x3af: {  	v20 =	vadd.f32 v22, v21;
	v22 =	vld.idx.msk [tilespmem:v15+s10+$0x0], $0xffff;
	v21 =	vadd.f32 v24, v23  }
0x3b0: {  	v23 =	vld.idx.msk [tilespmem:v16+s12+$0x0], $0xffff  }
0x3b1: {  	v17 =	vadd.f32 v18, v17;
	v18 =	vadd.f32 v21, v20;
	v20 =	vld.idx.msk [tilespmem:v10+s11+$0x0], $0xffff  }
0x3b2: {  	v21 =	vld.idx.msk [tilespmem:v11+s13+$0x0], $0xffff  }
0x3b3: {  	v17 =	vadd.f32 v18, v17;
	v18 =	vld.idx.msk [tilespmem:v9+s14+$0x0], $0xffff;
	_ =	sdelay $0x1  }
0x3b4: {  	s26 =	simm.s32 $0xCC00;
	[tilespmem:s17+$0x14810] =	vst.add.f32.msk $0xffff, v17  }
0x3b5: {  	s3 =	simm.s32 $0xDC00;
	v17 =	vld.idx.msk [tilespmem:v1+s26+$0x0], $0xffff  }
0x3b6: {  	s4 =	simm.s32 $0xEC00;
	v25 =	vadd.f32 v26, v25;
	v19 =	vadd.f32 v22, v19;
	v57 =	vld.idx.msk [tilespmem:v2+s3+$0x0], $0xffff  }
0x3b7: {  	s25 =	simm.s32 $0x10C00;
	v22 =	vld.idx.msk [tilespmem:v3+s4+$0x0], $0xffff;
	v20 =	vadd.f32 v20, v23;
	v18 =	vadd.f32 v18, v21  }
0x3b8: {  	s28 =	simm.s32 $0x12C00;
	v23 =	vld.idx.msk [tilespmem:v5+s25+$0x0], $0xffff  }
0x3b9: {  	s5 =	simm.s32 $0xFC00;
	v19 =	vadd.f32 v19, v25;
	v58 =	vld.idx.msk [tilespmem:v7+s28+$0x0], $0xffff;
	v18 =	vadd.f32 v18, v20  }
0x3ba: {  	s26 =	simm.s32 $0x11C00;
	v21 =	vld.idx.msk [tilespmem:v4+s5+$0x0], $0xffff  }
0x3bb: {  	s29 =	simm.s32 $0x13C00;
	v20 =	vld.idx.msk [tilespmem:v6+s26+$0x0], $0xffff;
	v18 =	vadd.f32 v18, v19  }
0x3bc: {  	v19 =	vld.idx.msk [tilespmem:v8+s29+$0x0], $0xffff  }
0x3bd: {  	[tilespmem:s17+$0x14400] =	vst.add.f32.msk $0xffff, v18  }
0x3be: {  	v18 =	vld.idx.msk [tilespmem:v12+s16+$0x0], $0xffff  }
0x3bf: {  	v59 =	vld.idx.msk [tilespmem:v13+s20+$0x0], $0xffff  }
0x3c0: {  	v17 =	vadd.f32 v57, v17;
	v21 =	vadd.f32 v21, v22;
	v22 =	vld.idx.msk [tilespmem:v14+s21+$0x0], $0xffff  }
0x3c1: {  	v20 =	vadd.f32 v20, v23;
	v23 =	vld.idx.msk [tilespmem:v15+s15+$0x0], $0xffff;
	v19 =	vadd.f32 v19, v58  }
0x3c2: {  	v60 =	vld.idx.msk [tilespmem:v16+s23+$0x0], $0xffff  }
0x3c3: {  	s2 =	simm.s32 $0x11800;
	v17 =	vadd.f32 v21, v17;
	v21 =	vld.idx.msk [tilespmem:v11+s24+$0x0], $0xffff;
	v19 =	vadd.f32 v19, v20  }
0x3c4: {  	s1 =	simm.s32 $0x13800;
	v20 =	vld.idx.msk [tilespmem:v10+s2+$0x0], $0xffff  }
0x3c5: {  	v17 =	vadd.f32 v19, v17;
	v19 =	vld.idx.msk [tilespmem:v9+s1+$0x0], $0xffff;
	_ =	sdelay $0x1  }
0x3c6: {  	s30 =	simm.s32 $0xD000;
	[tilespmem:s17+$0x14C10] =	vst.add.f32.msk $0xffff, v17  }
0x3c7: {  	s31 =	simm.s32 $0xE000;
	v1 =	vld.idx.msk [tilespmem:v1+s30+$0x0], $0xffff  }
0x3c8: {  	s0 =	simm.s32 $0xF000;
	v17 =	vadd.f32 v59, v18;
	v18 =	vadd.f32 v23, v22;
	v2 =	vld.idx.msk [tilespmem:v2+s31+$0x0], $0xffff  }
0x3c9: {  	s1 =	simm.s32 $0x10000;
	v3 =	vld.idx.msk [tilespmem:v3+s0+$0x0], $0xffff;
	v20 =	vadd.f32 v20, v60;
	v19 =	vadd.f32 v19, v21  }
0x3ca: {  	s2 =	simm.s32 $0x11000;
	v4 =	vld.idx.msk [tilespmem:v4+s1+$0x0], $0xffff  }
0x3cb: {  	s3 =	simm.s32 $0x12000;
	v5 =	vld.idx.msk [tilespmem:v5+s2+$0x0], $0xffff;
	v17 =	vadd.f32 v18, v17;
	v18 =	vadd.f32 v19, v20  }
0x3cc: {  	s4 =	simm.s32 $0x13000;
	v6 =	vld.idx.msk [tilespmem:v6+s3+$0x0], $0xffff  }
0x3cd: {  	s5 =	simm.s32 $0x14000;
	v7 =	vld.idx.msk [tilespmem:v7+s4+$0x0], $0xffff;
	v17 =	vadd.f32 v18, v17  }
0x3ce: {  	v8 =	vld.idx.msk [tilespmem:v8+s5+$0x0], $0xffff  }
0x3cf: {  	s18 =	simm.s32 $0xCC00;
	[tilespmem:s17+$0x14800] =	vst.add.f32.msk $0xffff, v17  }
0x3d0: {  	s7 =	simm.s32 $0xDC00;
	v17 =	vld.idx.msk [tilespmem:v12+s18+$0x0], $0xffff  }
0x3d1: {  	s8 =	simm.s32 $0xEC00;
	v18 =	vld.idx.msk [tilespmem:v13+s7+$0x0], $0xffff  }
0x3d2: {  	s9 =	simm.s32 $0xFC00;
	v19 =	vld.idx.msk [tilespmem:v14+s8+$0x0], $0xffff  }
0x3d3: {  	v20 =	vld.idx.msk [tilespmem:v15+s9+$0x0], $0xffff  }
0x3d4: {  	v21 =	vld.idx.msk [tilespmem:v16+s25+$0x0], $0xffff  }
0x3d5: {  	v22 =	vld.idx.msk [tilespmem:v10+s26+$0x0], $0xffff  }
0x3d6: {  	v23 =	vld.idx.msk [tilespmem:v11+s28+$0x0], $0xffff  }
0x3d7: {  	v61 =	vld.idx.msk [tilespmem:v9+s29+$0x0], $0xffff;
	s18 =	simm.s32 $0x20  }
0x3d8: {  	v62 =	vld [tilespmem:s18+$0x2410]  }
0x3d9: {  	v63 =	vld [tilespmem:s18+$0x2810]  }
0x3da: {  	v27 =	vld [tilespmem:s18+$0x2C10]  }
0x3db: {  	v1 =	vadd.f32 v2, v1;
	v2 =	vadd.f32 v4, v3;
	v28 =	vld [tilespmem:s18+$0x3010]  }
0x3dc: {  	v3 =	vadd.f32 v6, v5;
	v4 =	vadd.f32 v8, v7;
	v29 =	vld [tilespmem:s18+$0x3410]  }
0x3dd: {  	v30 =	vld [tilespmem:s18+$0x3810]  }
0x3de: {  	v1 =	vadd.f32 v2, v1;
	v2 =	vadd.f32 v4, v3;
	v31 =	vld [tilespmem:s18+$0x3C10]  }
0x3df: {  	v32 =	vld [tilespmem:s18+$0x4010]  }
0x3e0: {  	v1 =	vadd.f32 v2, v1;
	v2 =	vld [tilespmem:s18+$0x2800]  }
0x3e1: {  	v3 =	vld [tilespmem:s18+$0x2C00]  }
0x3e2: {  	v4 =	vld [tilespmem:s18+$0x3000]  }
0x3e3: {  	v5 =	vld [tilespmem:s18+$0x3400]  }
0x3e4: {  	[tilespmem:s17+$0x15010] =	vst.add.f32.msk $0xffff, v1  }
0x3e5: {  	v1 =	vld [tilespmem:s18+$0x2400]  }
0x3e6: {  	v6 =	vld.idx.msk [tilespmem:v62+s22+$0x0], $0xffff  }
0x3e7: {  	v7 =	vld.idx.msk [tilespmem:v63+s19+$0x0], $0xffff  }
0x3e8: {  	v8 =	vld.idx.msk [tilespmem:v27+s6+$0x0], $0xffff  }
0x3e9: {  	v33 =	vld.idx.msk [tilespmem:v28+s10+$0x0], $0xffff  }
0x3ea: {  	v34 =	vld.idx.msk [tilespmem:v29+s12+$0x0], $0xffff  }
0x3eb: {  	v35 =	vld.idx.msk [tilespmem:v30+s11+$0x0], $0xffff  }
0x3ec: {  	v36 =	vld.idx.msk [tilespmem:v31+s13+$0x0], $0xffff  }
0x3ed: {  	v17 =	vadd.f32 v18, v17;
	v18 =	vadd.f32 v20, v19;
	v37 =	vld.idx.msk [tilespmem:v32+s14+$0x0], $0xffff  }
0x3ee: {  	v20 =	vadd.f32 v22, v21;
	v21 =	vadd.f32 v61, v23;
	_ =	sdelay $0x1  }
0x3ef: {  	v17 =	vadd.f32 v18, v17;
	v18 =	vadd.f32 v21, v20;
	v45 =	vld.idx.msk [tilespmem:v2+s19+$0x0], $0xffff  }
0x3f0: {  	v46 =	vld.idx.msk [tilespmem:v3+s6+$0x0], $0xffff;
	v38 =	vadd.f32 v7, v6;
	v33 =	vadd.f32 v33, v8  }
0x3f1: {  	v23 =	vld.idx.msk [tilespmem:v4+s10+$0x0], $0xffff;
	v34 =	vadd.f32 v35, v34;
	v43 =	vadd.f32 v37, v36  }
0x3f2: {  	v20 =	vld.idx.msk [tilespmem:v5+s12+$0x0], $0xffff;
	v17 =	vadd.f32 v18, v17  }
0x3f3: {  	v44 =	vld.idx.msk [tilespmem:v1+s22+$0x0], $0xffff;
	v33 =	vadd.f32 v33, v38;
	v34 =	vadd.f32 v43, v34  }
0x3f4: {  	[tilespmem:s17+$0x14C00] =	vst.add.f32.msk $0xffff, v17  }
0x3f5: {  	v6 =	vld [tilespmem:s18+$0x3800];
	v33 =	vadd.f32 v34, v33  }
0x3f6: {  	v7 =	vld [tilespmem:s18+$0x3C00]  }
0x3f7: {  	[tilespmem:s18+$0x14410] =	vst.add.f32.msk $0xffff, v33  }
0x3f8: {  	v33 =	vld.idx.msk [tilespmem:v62+s16+$0x0], $0xffff  }
0x3f9: {  	v47 =	vld.idx.msk [tilespmem:v63+s20+$0x0], $0xffff  }
0x3fa: {  	v48 =	vld.idx.msk [tilespmem:v27+s21+$0x0], $0xffff  }
0x3fb: {  	v39 =	vld.idx.msk [tilespmem:v28+s15+$0x0], $0xffff  }
0x3fc: {  	s9 =	simm.s32 $0x11800;
	v40 =	vld.idx.msk [tilespmem:v29+s23+$0x0], $0xffff  }
0x3fd: {  	v41 =	vld.idx.msk [tilespmem:v30+s9+$0x0], $0xffff  }
0x3fe: {  	s19 =	simm.s32 $0x13800;
	v19 =	vld.idx.msk [tilespmem:v31+s24+$0x0], $0xffff  }
0x3ff: {  	v22 =	vld.idx.msk [tilespmem:v32+s19+$0x0], $0xffff  }
0x400: {  	v8 =	vld [tilespmem:s18+$0x4000]  }
0x401: {  	v12 =	vld.idx.msk [tilespmem:v12+s30+$0x0], $0xffff  }
0x402: {  	v13 =	vld.idx.msk [tilespmem:v13+s31+$0x0], $0xffff  }
0x403: {  	v14 =	vld.idx.msk [tilespmem:v14+s0+$0x0], $0xffff;
	v49 =	vadd.f32 v47, v33;
	v51 =	vadd.f32 v39, v48  }
0x404: {  	v15 =	vld.idx.msk [tilespmem:v15+s1+$0x0], $0xffff;
	v52 =	vadd.f32 v41, v40;
	v19 =	vadd.f32 v22, v19  }
0x405: {  	v16 =	vld.idx.msk [tilespmem:v16+s2+$0x0], $0xffff  }
0x406: {  	v21 =	vld.idx.msk [tilespmem:v6+s11+$0x0], $0xffff;
	v17 =	vadd.f32 v51, v49;
	v19 =	vadd.f32 v19, v52  }
0x407: {  	v18 =	vld.idx.msk [tilespmem:v7+s13+$0x0], $0xffff  }
0x408: {  	v50 =	vld.idx.msk [tilespmem:v8+s14+$0x0], $0xffff;
	v17 =	vadd.f32 v19, v17  }
0x409: {  	v10 =	vld.idx.msk [tilespmem:v10+s3+$0x0], $0xffff  }
0x40a: {  	s11 =	simm.s32 $0xCC00;
	[tilespmem:s18+$0x14810] =	vst.add.f32.msk $0xffff, v17  }
0x40b: {  	s13 =	simm.s32 $0xDC00;
	v17 =	vld.idx.msk [tilespmem:v62+s11+$0x0], $0xffff  }
0x40c: {  	s14 =	simm.s32 $0xEC00;
	v22 =	vadd.f32 v23, v46;
	v20 =	vadd.f32 v21, v20;
	v23 =	vld.idx.msk [tilespmem:v63+s13+$0x0], $0xffff  }
0x40d: {  	s8 =	simm.s32 $0xFC00;
	v18 =	vadd.f32 v50, v18;
	v19 =	vadd.f32 v45, v44;
	v21 =	vld.idx.msk [tilespmem:v27+s14+$0x0], $0xffff  }
0x40e: {  	v53 =	vld.idx.msk [tilespmem:v28+s8+$0x0], $0xffff  }
0x40f: {  	v18 =	vadd.f32 v18, v20;
	v19 =	vadd.f32 v22, v19;
	v20 =	vld.idx.msk [tilespmem:v29+s25+$0x0], $0xffff  }
0x410: {  	v22 =	vld.idx.msk [tilespmem:v30+s26+$0x0], $0xffff  }
0x411: {  	v54 =	vld.idx.msk [tilespmem:v32+s29+$0x0], $0xffff;
	v18 =	vadd.f32 v18, v19  }
0x412: {  	v19 =	vld.idx.msk [tilespmem:v31+s28+$0x0], $0xffff  }
0x413: {  	[tilespmem:s18+$0x14400] =	vst.add.f32.msk $0xffff, v18  }
0x414: {  	v18 =	vld.idx.msk [tilespmem:v1+s16+$0x0], $0xffff  }
0x415: {  	v55 =	vld.idx.msk [tilespmem:v2+s20+$0x0], $0xffff  }
0x416: {  	v56 =	vld.idx.msk [tilespmem:v3+s21+$0x0], $0xffff;
	v17 =	vadd.f32 v23, v17;
	v21 =	vadd.f32 v53, v21  }
0x417: {  	v57 =	vld.idx.msk [tilespmem:v4+s15+$0x0], $0xffff;
	v20 =	vadd.f32 v22, v20;
	v19 =	vadd.f32 v54, v19  }
0x418: {  	v58 =	vld.idx.msk [tilespmem:v7+s24+$0x0], $0xffff  }
0x419: {  	s7 =	simm.s32 $0x11800;
	v23 =	vld.idx.msk [tilespmem:v5+s23+$0x0], $0xffff;
	v17 =	vadd.f32 v21, v17;
	v19 =	vadd.f32 v19, v20  }
0x41a: {  	s9 =	simm.s32 $0x13800;
	v22 =	vld.idx.msk [tilespmem:v6+s7+$0x0], $0xffff  }
0x41b: {  	v21 =	vld.idx.msk [tilespmem:v8+s9+$0x0], $0xffff;
	v17 =	vadd.f32 v19, v17  }
0x41c: {  	v20 =	vld.idx.msk [tilespmem:v11+s4+$0x0], $0xffff  }
0x41d: {  	[tilespmem:s18+$0x14C10] =	vst.add.f32.msk $0xffff, v17  }
0x41e: {  	v11 =	vld.idx.msk [tilespmem:v62+s30+$0x0], $0xffff  }
0x41f: {  	v22 =	vadd.f32 v22, v23;
	v17 =	vadd.f32 v55, v18;
	v19 =	vld.idx.msk [tilespmem:v63+s31+$0x0], $0xffff  }
0x420: {  	v18 =	vadd.f32 v57, v56;
	v21 =	vadd.f32 v21, v58;
	v23 =	vld.idx.msk [tilespmem:v27+s0+$0x0], $0xffff  }
0x421: {  	v59 =	vld.idx.msk [tilespmem:v28+s1+$0x0], $0xffff  }
0x422: {  	v60 =	vld.idx.msk [tilespmem:v32+s5+$0x0], $0xffff;
	v17 =	vadd.f32 v18, v17;
	v18 =	vadd.f32 v21, v22  }
0x423: {  	v21 =	vld.idx.msk [tilespmem:v29+s2+$0x0], $0xffff  }
0x424: {  	v22 =	vld.idx.msk [tilespmem:v30+s3+$0x0], $0xffff;
	v17 =	vadd.f32 v18, v17  }
0x425: {  	v18 =	vld.idx.msk [tilespmem:v31+s4+$0x0], $0xffff  }
0x426: {  	s12 =	simm.s32 $0xCC00;
	[tilespmem:s18+$0x14800] =	vst.add.f32.msk $0xffff, v17  }
0x427: {  	v17 =	vld.idx.msk [tilespmem:v1+s12+$0x0], $0xffff  }
0x428: {  	v12 =	vadd.f32 v13, v12;
	v13 =	vadd.f32 v15, v14;
	v61 =	vld.idx.msk [tilespmem:v2+s13+$0x0], $0xffff  }
0x429: {  	v14 =	vadd.f32 v19, v11;
	v15 =	vadd.f32 v59, v23;
	v62 =	vld.idx.msk [tilespmem:v3+s14+$0x0], $0xffff  }
0x42a: {  	v63 =	vld.idx.msk [tilespmem:v4+s8+$0x0], $0xffff;
	v21 =	vadd.f32 v22, v21;
	v18 =	vadd.f32 v60, v18  }
0x42b: {  	v19 =	vadd.f32 v13, v12;
	v11 =	vld.idx.msk [tilespmem:v5+s25+$0x0], $0xffff  }
0x42c: {  	v13 =	vld.idx.msk [tilespmem:v6+s26+$0x0], $0xffff;
	v15 =	vadd.f32 v15, v14;
	v18 =	vadd.f32 v18, v21  }
0x42d: {  	v12 =	vld.idx.msk [tilespmem:v7+s28+$0x0], $0xffff  }
0x42e: {  	v14 =	vld.idx.msk [tilespmem:v8+s29+$0x0], $0xffff;
	v21 =	vadd.f32 v10, v16;
	v10 =	vadd.f32 v18, v15  }
0x42f: {  	s19 =	simm.s32 $0x2;
	s20 =	simm.s32 $0x100;
	v16 =	vadd.f32 v61, v17;
	v17 =	vadd.f32 v63, v62;
	v15 =	vld.idx.msk [tilespmem:v9+s5+$0x0], $0xffff  }
.LBB2_12:
0x430: {  	s21 =	sshra.s32 s20, $0x2;
	[tilespmem:s18+$0x15010] =	vst.add.f32.msk $0xffff, v10  }
0x431: {  	v9 =	vadd.f32 v13, v11;
	v10 =	vld [tilespmem:s21+$0x2410];
	v17 =	vadd.f32 v17, v16  }
0x432: {  	v13 =	vld [tilespmem:s21+$0x2810]  }
0x433: {  	v16 =	vadd.f32 v14, v12;
	v11 =	vld [tilespmem:s21+$0x2C10]  }
0x434: {  	v18 =	vadd.f32 v15, v20;
	v14 =	vld [tilespmem:s21+$0x3010]  }
0x435: {  	v9 =	vadd.f32 v16, v9;
	v12 =	vld [tilespmem:s21+$0x3410]  }
0x436: {  	v18 =	vadd.f32 v18, v21;
	v15 =	vld [tilespmem:s21+$0x3810]  }
0x437: {  	v20 =	vadd.f32 v9, v17;
	v16 =	vld [tilespmem:s21+$0x3C10]  }
0x438: {  	v9 =	vadd.f32 v18, v19;
	v17 =	vld [tilespmem:s21+$0x4010]  }
0x439: {  	s6 =	simm.s32 $0xD400;
	v18 =	vld.idx.msk [tilespmem:v10+s22+$0x0], $0xffff  }
0x43a: {  	s7 =	simm.s32 $0xE400;
	v19 =	vld.idx.msk [tilespmem:v13+s6+$0x0], $0xffff  }
0x43b: {  	s8 =	simm.s32 $0xF400;
	v21 =	vld.idx.msk [tilespmem:v11+s7+$0x0], $0xffff  }
0x43c: {  	s9 =	simm.s32 $0x10400;
	v22 =	vld.idx.msk [tilespmem:v14+s8+$0x0], $0xffff  }
0x43d: {  	s10 =	simm.s32 $0x11400;
	v23 =	vld.idx.msk [tilespmem:v12+s9+$0x0], $0xffff  }
0x43e: {  	s11 =	simm.s32 $0x12400;
	v24 =	vld.idx.msk [tilespmem:v15+s10+$0x0], $0xffff  }
0x43f: {  	s12 =	simm.s32 $0x13400;
	v25 =	vld.idx.msk [tilespmem:v16+s11+$0x0], $0xffff  }
0x440: {  	v26 =	vld.idx.msk [tilespmem:v17+s12+$0x0], $0xffff  }
0x441: {  	v27 =	vld [tilespmem:s21+$0x2400]  }
0x442: {  	v28 =	vld [tilespmem:s21+$0x2800]  }
0x443: {  	v29 =	vld [tilespmem:s21+$0x2C00]  }
0x444: {  	v30 =	vld [tilespmem:s21+$0x3000]  }
0x445: {  	v19 =	vadd.f32 v19, v18;
	v21 =	vadd.f32 v22, v21;
	v31 =	vld [tilespmem:s21+$0x3400]  }
0x446: {  	v23 =	vadd.f32 v24, v23;
	v24 =	vadd.f32 v26, v25;
	v22 =	vld [tilespmem:s21+$0x3800]  }
0x447: {  	v25 =	vld [tilespmem:s21+$0x3C00]  }
0x448: {  	v19 =	vadd.f32 v21, v19;
	v21 =	vadd.f32 v24, v23;
	v18 =	vld [tilespmem:s21+$0x4000]  }
0x449: {  	v23 =	vld.idx.msk [tilespmem:v27+s22+$0x0], $0xffff  }
0x44a: {  	v19 =	vadd.f32 v21, v19;
	v24 =	vld.idx.msk [tilespmem:v28+s6+$0x0], $0xffff  }
0x44b: {  	v21 =	vld.idx.msk [tilespmem:v29+s7+$0x0], $0xffff  }
0x44c: {  	s19 =	sadd.s32 $0x2, s19;
	s6 =	simm.s32 $0xC800;
	[tilespmem:s21+$0x14410] =	vst.add.f32.msk $0xffff, v19  }
0x44d: {  	p0 =	slt.u32 s19, $0x3E;
	s7 =	simm.s32 $0xD800;
	v19 =	vld.idx.msk [tilespmem:v10+s6+$0x0], $0xffff  }
0x44e: {  	s13 =	simm.s32 $0xE800;
	v26 =	vld.idx.msk [tilespmem:v13+s7+$0x0], $0xffff  }
0x44f: {  	s14 =	simm.s32 $0xF800;
	v32 =	vld.idx.msk [tilespmem:v11+s13+$0x0], $0xffff  }
0x450: {  	s15 =	simm.s32 $0x10800;
	v23 =	vadd.f32 v24, v23;
	v24 =	vld.idx.msk [tilespmem:v14+s14+$0x0], $0xffff  }
0x451: {  	s16 =	simm.s32 $0x11800;
	v33 =	vld.idx.msk [tilespmem:v12+s15+$0x0], $0xffff  }
0x452: {  	s23 =	simm.s32 $0x12800;
	v34 =	vld.idx.msk [tilespmem:v15+s16+$0x0], $0xffff  }
0x453: {  	s24 =	simm.s32 $0x13800;
	v35 =	vld.idx.msk [tilespmem:v16+s23+$0x0], $0xffff  }
0x454: {  	v36 =	vld.idx.msk [tilespmem:v17+s24+$0x0], $0xffff  }
0x455: {  	v37 =	vld.idx.msk [tilespmem:v30+s8+$0x0], $0xffff  }
0x456: {  	v38 =	vld.idx.msk [tilespmem:v31+s9+$0x0], $0xffff  }
0x457: {  	v39 =	vld.idx.msk [tilespmem:v22+s10+$0x0], $0xffff  }
0x458: {  	v40 =	vld.idx.msk [tilespmem:v25+s11+$0x0], $0xffff  }
0x459: {  	v19 =	vadd.f32 v26, v19;
	v24 =	vadd.f32 v24, v32;
	v41 =	vld.idx.msk [tilespmem:v18+s12+$0x0], $0xffff  }
0x45a: {  	v26 =	vadd.f32 v34, v33;
	v32 =	vadd.f32 v36, v35;
	[tilespmem:s18+$0x14C00] =	vst.add.f32.msk $0xffff, v20  }
0x45b: {  	v20 =	vadd.f32 v37, v21;
	v21 =	vld.idx.msk [tilespmem:v1+s30+$0x0], $0xffff;
	v1 =	vmov v27  }
0x45c: {  	v19 =	vadd.f32 v24, v19;
	v24 =	vadd.f32 v32, v26;
	v26 =	vld.idx.msk [tilespmem:v2+s31+$0x0], $0xffff;
	v2 =	vmov v28  }
0x45d: {  	v27 =	vadd.f32 v39, v38;
	v20 =	vadd.f32 v20, v23;
	v23 =	vld.idx.msk [tilespmem:v3+s0+$0x0], $0xffff;
	v3 =	vmov v29  }
0x45e: {  	v19 =	vadd.f32 v24, v19;
	v24 =	vld.idx.msk [tilespmem:v4+s1+$0x0], $0xffff;
	v4 =	vmov v30  }
0x45f: {  	v28 =	vadd.f32 v41, v40;
	v29 =	vld.idx.msk [tilespmem:v5+s2+$0x0], $0xffff;
	v5 =	vmov v31  }
0x460: {  	s8 =	simm.s32 $0xCC00;
	[tilespmem:s21+$0x14810] =	vst.add.f32.msk $0xffff, v19  }
0x461: {  	s9 =	simm.s32 $0xDC00;
	v19 =	vadd.f32 v28, v27;
	v27 =	vld.idx.msk [tilespmem:v10+s8+$0x0], $0xffff  }
0x462: {  	s10 =	simm.s32 $0xEC00;
	v21 =	vadd.f32 v26, v21;
	v28 =	vld.idx.msk [tilespmem:v13+s9+$0x0], $0xffff  }
0x463: {  	s11 =	simm.s32 $0xFC00;
	v20 =	vadd.f32 v19, v20;
	v26 =	vld.idx.msk [tilespmem:v11+s10+$0x0], $0xffff  }
0x464: {  	v19 =	vadd.f32 v24, v23;
	v30 =	vld.idx.msk [tilespmem:v14+s11+$0x0], $0xffff  }
0x465: {  	v23 =	vld.idx.msk [tilespmem:v12+s25+$0x0], $0xffff  }
0x466: {  	v19 =	vadd.f32 v19, v21;
	v24 =	vld.idx.msk [tilespmem:v15+s26+$0x0], $0xffff  }
0x467: {  	v21 =	vld.idx.msk [tilespmem:v16+s28+$0x0], $0xffff  }
0x468: {  	v31 =	vld.idx.msk [tilespmem:v17+s29+$0x0], $0xffff  }
0x469: {  	[tilespmem:s21+$0x14400] =	vst.add.f32.msk $0xffff, v20  }
0x46a: {  	v20 =	vld.idx.msk [tilespmem:v1+s6+$0x0], $0xffff  }
0x46b: {  	v32 =	vld.idx.msk [tilespmem:v2+s7+$0x0], $0xffff  }
0x46c: {  	v33 =	vld.idx.msk [tilespmem:v3+s13+$0x0], $0xffff  }
0x46d: {  	v27 =	vadd.f32 v28, v27;
	v26 =	vadd.f32 v30, v26;
	v34 =	vld.idx.msk [tilespmem:v4+s14+$0x0], $0xffff  }
0x46e: {  	v23 =	vadd.f32 v24, v23;
	v21 =	vadd.f32 v31, v21;
	v28 =	vld.idx.msk [tilespmem:v5+s15+$0x0], $0xffff  }
0x46f: {  	v24 =	vld.idx.msk [tilespmem:v22+s16+$0x0], $0xffff  }
0x470: {  	v26 =	vadd.f32 v26, v27;
	v21 =	vadd.f32 v21, v23;
	v30 =	vld.idx.msk [tilespmem:v25+s23+$0x0], $0xffff  }
0x471: {  	v27 =	vadd.f32 v32, v20;
	v23 =	vld.idx.msk [tilespmem:v18+s24+$0x0], $0xffff  }
0x472: {  	v21 =	vadd.f32 v21, v26;
	v26 =	vld.idx.msk [tilespmem:v6+s3+$0x0], $0xffff;
	v6 =	vmov v22  }
0x473: {  	v22 =	vadd.f32 v34, v33;
	v20 =	vld.idx.msk [tilespmem:v7+s4+$0x0], $0xffff;
	v7 =	vmov v25  }
0x474: {  	[tilespmem:s21+$0x14C10] =	vst.add.f32.msk $0xffff, v21  }
0x475: {  	v24 =	vadd.f32 v24, v28;
	v22 =	vadd.f32 v22, v27;
	v10 =	vld.idx.msk [tilespmem:v10+s30+$0x0], $0xffff  }
0x476: {  	v13 =	vld.idx.msk [tilespmem:v13+s31+$0x0], $0xffff  }
0x477: {  	v23 =	vadd.f32 v23, v30;
	v11 =	vld.idx.msk [tilespmem:v11+s0+$0x0], $0xffff  }
0x478: {  	v21 =	vadd.f32 v26, v29;
	v14 =	vld.idx.msk [tilespmem:v14+s1+$0x0], $0xffff  }
0x479: {  	v23 =	vadd.f32 v23, v24;
	v12 =	vld.idx.msk [tilespmem:v12+s2+$0x0], $0xffff  }
0x47a: {  	v15 =	vld.idx.msk [tilespmem:v15+s3+$0x0], $0xffff  }
0x47b: {  	v22 =	vadd.f32 v23, v22;
	v16 =	vld.idx.msk [tilespmem:v16+s4+$0x0], $0xffff  }
0x47c: {  	v17 =	vld.idx.msk [tilespmem:v17+s5+$0x0], $0xffff  }
0x47d: {  	[tilespmem:s21+$0x14800] =	vst.add.f32.msk $0xffff, v22  }
0x47e: {  	v22 =	vld.idx.msk [tilespmem:v1+s8+$0x0], $0xffff  }
0x47f: {  	v23 =	vld.idx.msk [tilespmem:v2+s9+$0x0], $0xffff  }
0x480: {  	v24 =	vld.idx.msk [tilespmem:v3+s10+$0x0], $0xffff  }
0x481: {  	v10 =	vadd.f32 v13, v10;
	v14 =	vadd.f32 v14, v11;
	v25 =	vld.idx.msk [tilespmem:v4+s11+$0x0], $0xffff  }
0x482: {  	v15 =	vadd.f32 v15, v12;
	v16 =	vadd.f32 v17, v16;
	v11 =	vld.idx.msk [tilespmem:v5+s25+$0x0], $0xffff  }
.Ltmp5:
0x483: {  	v13 =	vld.idx.msk [tilespmem:v6+s26+$0x0], $0xffff;
	(pc) =	sbr.rel @p0 .LBB2_12-.Ltmp5, $4  }
0x484: {  	v10 =	vadd.f32 v14, v10;
	v15 =	vadd.f32 v16, v15;
	v12 =	vld.idx.msk [tilespmem:v7+s28+$0x0], $0xffff  }
0x485: {  	v16 =	vadd.f32 v23, v22;
	v14 =	vld.idx.msk [tilespmem:v18+s29+$0x0], $0xffff  }
0x486: {  	v10 =	vadd.f32 v15, v10;
	v15 =	vld.idx.msk [tilespmem:v8+s5+$0x0], $0xffff;
	v8 =	vmov v18  }
0x487: {  	s20 =	sadd.s32 $0x80, s20;
	v17 =	vadd.f32 v25, v24;
	[tilespmem:s17+$0x15000] =	vst.add.f32.msk $0xffff, v9;
	s17 =	smov.u32 s18;
	s18 =	smov.u32 s21  }
0x488: {  	_ =	sdelay $0x1  }
0x489: {  	v9 =	vadd.f32 v13, v11;
	v59 =	vadd.f32 v14, v12;
	_ =	sdelay $0x1  }
0x48a: {  	v60 =	vadd.f32 v17, v16;
	v9 =	vadd.f32 v59, v9;
	_ =	sdelay $0x1  }
0x48b: {  	v9 =	vadd.f32 v9, v60;
	_ =	sdelay $0x1  }
0x48c: {  	[tilespmem:s18+$0x14C00] =	vst.add.f32.msk $0xffff, v9  }
0x48d: {  	v1 =	vld.idx.msk [tilespmem:v1+s30+$0x0], $0xffff  }
0x48e: {  	v2 =	vld.idx.msk [tilespmem:v2+s31+$0x0], $0xffff  }
0x48f: {  	v3 =	vld.idx.msk [tilespmem:v3+s0+$0x0], $0xffff  }
0x490: {  	v4 =	vld.idx.msk [tilespmem:v4+s1+$0x0], $0xffff  }
0x491: {  	v5 =	vld.idx.msk [tilespmem:v5+s2+$0x0], $0xffff  }
0x492: {  	v6 =	vld.idx.msk [tilespmem:v6+s3+$0x0], $0xffff  }
0x493: {  	v7 =	vld.idx.msk [tilespmem:v7+s4+$0x0], $0xffff  }
0x494: {  	v8 =	vld.idx.msk [tilespmem:v8+s5+$0x0], $0xffff;
	_ =	sdelay $0x2  }
0x495: {  	v61 =	vadd.f32 v15, v20  }
0x496: {  	v1 =	vadd.f32 v2, v1;
	v2 =	vadd.f32 v4, v3  }
0x497: {  	v3 =	vadd.f32 v6, v5;
	v62 =	vadd.f32 v8, v7  }
0x498: {  	v63 =	vadd.f32 v61, v21  }
0x499: {  	v1 =	vadd.f32 v2, v1;
	v2 =	vadd.f32 v62, v3  }
0x49a: {  	v3 =	vadd.f32 v63, v19  }
0x49b: {  	[tilespmem:s18+$0x15010] =	vst.add.f32.msk $0xffff, v10;
	v1 =	vadd.f32 v2, v1  }
0x49c: {  	[tilespmem:s17+$0x15000] =	vst.add.f32.msk $0xffff, v3  }
0x49d: {  	s29 =	simm.s32 $0x14400;
	[tilespmem:s18+$0x15000] =	vst.add.f32.msk $0xffff, v1  }
0x49e: {  	s19 =	simm.s32 $0x5;
	s17 =	simm.s32 $0x0;
	s18 =	rddreg [dreg:$0x7]  }
0x49f: {  	[hbm4b:s18+s17] =	stream.linear.scatter [tilespmem:s29], [sflag:$0x5], $0x1000, $0x38;
	[tilespmem:$0x15400] =	vst v63  }
0x4a0: {  	_ =	swait.ge [sflag:s19], $0x1000  }
0x4a1: {  	s30 =	rddreg [dreg:$0x9]  }
0x4a2: {  	s31 =	rddreg [dreg:$0x8];
	s0 =	sadd.s32 $0x1, s30  }
0x4a3: {  	p0 =	sne.s32 s0, s31  }
.Ltmp6:
0x4a4: {  	_ = 	snop;
	(pc) =	sbr.rel @p0 .LBB2_1-.Ltmp6, $3  }
0x4a5: {  	_ =	sdelay $0x1  }
0x4a6: {  	[sflag:s19] =	ssyncset.done $0x0  }
0x4a7: {  	s20 =	simm.s32 $0x4400;
	[sflag:s19] =	ssyncadd.s32 $0xFFFFF000  }
0x4a8: {  	_ =	sfence.sel $0x180000  }
0x4a9: {  	[bflag:$0x0] =	sbarrier.arrive $0xFFFF  }
0x4aa: {  	_ =	strace $0x90000047  }
0x4ab: {  	s0 =	stileid.u32;
	[bflag:$0x2] =	sbarrier.arrive $0xFFFF  }
0x4ac: {  	p0 =	sne.s32 s0, $0x0;
	s0 =	rddreg [dreg:$0x2]  }
0x4ad: {  	s0 =	sadd.s32 @!p0 $0x100000, s0  }
0x4ae: {  	[sflag:s0] =	ssyncadd.tile.s32 @!p0 $0x1;
	_ =	shalt  }
.Lfunc_end2:
_tile_overlayer_lowered:
.L_overlay_start_2:
0x4af: {  	(tag) =	ssettag $0x2  }
0x4b0: {  	s0 =	rddreg [dreg:$0x0];
	s2 =	stileid.u32  }
0x4b1: {  	s1 =	rddreg [dreg:$0x1];
	p0 =	sne.s32 s2, $0x0  }
0x4b2: {  	s3 =	rddreg [dreg:$0x2];
	[bflag:$0x3] =	sbarrier.arrive $0xFFFF;
	s2 =	simm.s32 @!p0 $0x1C05  }
0x4b3: {  	[timem:s3], [sflag:s2] =	dma.local @!p0 [hbm:s0], s1  }
0x4b4: {  	s0 =	simm.s32 @!p0 $0x5  }
0x4b5: {  	_ =	swait.ge @!p0 [sflag:s0], s1  }
0x4b6: {  	s1 =	ssub.s32 @!p0 $0x0, s1;
	[sflag:s0] =	ssyncset.done @!p0 $0x0  }
0x4b7: {  	[sflag:s0] =	ssyncadd.s32 @!p0 s1  }
0x4b8: {  	[bflag:$0x3] =	sbarrier.arrive $0xFFFF  }
0x4b9: {  	_ =	shalt  }

</sc_bundles>
